<compile_context>
chip_gen: v7x
topology: tpu7x:2x2x1
jax: 0.10.2.dev20260603
libtpu: 0.0.44.dev20260713+nightly
codegen_flags: <defaults>
</compile_context>

<pallas_src>
import jax
import jax.numpy as jnp
from jax.experimental import pallas as pl
from jax.experimental.pallas import tpu as pltpu
from jax.experimental.pallas import tpu_sc as plsc

N = 10000
NP = 10240
E = 320000
EP = 327680
D = 128
B = 128
NC = EP // 32 // B
FRAC0 = 0.75
NC0 = 120
NC1 = 2 * NC - NC0
E0 = NC0 * 16 * B
RPS = NP // 16


def _vector_mesh():
    return plsc.VectorSubcoreMesh(core_axis_name="c", subcore_axis_name="s")


def _sc_degree(dst_w, zrows, ones):

    @pl.kernel(
        out_type=jax.ShapeDtypeStruct((2, NP, D), jnp.float32),
        mesh=_vector_mesh(),
        scratch_types=[
            pltpu.VMEM((B,), jnp.int32),
            pltpu.VMEM((B, D), jnp.float32),
            pltpu.VMEM_SHARED((NP, D), jnp.float32),
        ],
    )
    def deg_kernel(dst_hbm, z_hbm, ones_hbm, out_hbm, dstb, ones_v, acc):
        cid = jax.lax.axis_index("c")
        sid = jax.lax.axis_index("s")
        wid = cid * 16 + sid
        pltpu.sync_copy(z_hbm.at[pl.ds(sid * RPS, RPS)],
                        acc.at[pl.ds(sid * RPS, RPS)])
        pltpu.sync_copy(ones_hbm, ones_v)
        plsc.subcore_barrier()

        @pl.loop(0, NC)
        def _(j):
            pltpu.sync_copy(dst_hbm.at[wid, j], dstb)
            pltpu.sync_copy(ones_v, acc.at[dstb], add=True)

        plsc.subcore_barrier()
        pltpu.sync_copy(acc.at[pl.ds(sid * RPS, RPS)],
                        out_hbm.at[cid].at[pl.ds(sid * RPS, RPS)])

    return deg_kernel(dst_w, zrows, ones)


def _sc_aggregate(h, e0, e1, zrows):
    src0, dst0 = e0
    src1, dst1 = (e1 if NC1 else e0)

    @pl.kernel(
        out_type=jax.ShapeDtypeStruct((2, NP, D), jnp.float32),
        mesh=_vector_mesh(),
        scratch_types=[
            pltpu.VMEM((B,), jnp.int32),
            pltpu.VMEM((B,), jnp.int32),
            pltpu.VMEM((B,), jnp.int32),
            pltpu.VMEM((B,), jnp.int32),
            pltpu.VMEM((B, D), jnp.float32),
            pltpu.VMEM((B, D), jnp.float32),
            pltpu.VMEM_SHARED((NP, D), jnp.float32),
            pltpu.SemaphoreType.DMA,
            pltpu.SemaphoreType.DMA,
            pltpu.SemaphoreType.DMA,
            pltpu.SemaphoreType.DMA,
            pltpu.SemaphoreType.DMA,
            pltpu.SemaphoreType.DMA,
        ],
    )
    def agg_kernel(h_hbm, src0_hbm, dst0_hbm, src1_hbm, dst1_hbm,
                   z_hbm, out_hbm,
                   srcb0, srcb1, dstb0, dstb1, rows0, rows1, acc,
                   si0, si1, sg0, sg1, ss0, ss1):
        srcb = (srcb0, srcb1)
        dstb = (dstb0, dstb1)
        rows = (rows0, rows1)
        si = (si0, si1)
        sg = (sg0, sg1)
        ss = (ss0, ss1)
        cid = jax.lax.axis_index("c")
        sid = jax.lax.axis_index("s")
        pltpu.sync_copy(z_hbm.at[pl.ds(sid * RPS, RPS)],
                        acc.at[pl.ds(sid * RPS, RPS)])
        plsc.subcore_barrier()

        def chunk_loop(src_hbm, dst_hbm, nc):
            @pl.loop(0, nc, step=2)
            def _(j0):
                icp = []
                for u in range(2):
                    icp.append(pltpu.async_copy(src_hbm.at[sid, j0 + u],
                                                srcb[u], si[u]))
                    icp.append(pltpu.async_copy(dst_hbm.at[sid, j0 + u],
                                                dstb[u], si[u]))
                for cp in icp:
                    cp.wait()
                gcp = [pltpu.async_copy(h_hbm.at[srcb[u]], rows[u], sg[u])
                       for u in range(2)]
                scp = []
                for u in range(2):
                    gcp[u].wait()
                    scp.append(pltpu.async_copy(rows[u], acc.at[dstb[u]],
                                                ss[u], add=True))
                for cp in scp:
                    cp.wait()

        @pl.when(cid == 0)
        def _():
            chunk_loop(src0_hbm, dst0_hbm, NC0)

        if NC1:
            @pl.when(cid == 1)
            def _():
                chunk_loop(src1_hbm, dst1_hbm, NC1)

        plsc.subcore_barrier()
        pltpu.sync_copy(acc.at[pl.ds(sid * RPS, RPS)],
                        out_hbm.at[cid].at[pl.ds(sid * RPS, RPS)])

    return agg_kernel(h, src0, dst0, src1, dst1, zrows)


_BN = 1024


def _d_col(deg_ref):
    deg = deg_ref[0, :, :1] + deg_ref[1, :, :1]
    return jax.lax.rsqrt(jnp.maximum(deg + 1.0, 1.0))


def _tc_layer1(degp, xp, W):

    def body(deg_ref, x_ref, w_ref, o_ref):
        d = _d_col(deg_ref)
        h = jnp.dot(x_ref[...], w_ref[...], preferred_element_type=jnp.float32,
                    precision=jax.lax.Precision.HIGHEST)
        o_ref[...] = h * d

    return pl.pallas_call(
        body,
        grid=(NP // _BN,),
        in_specs=[
            pl.BlockSpec((2, _BN, D), lambda i: (0, i, 0)),
            pl.BlockSpec((_BN, D), lambda i: (i, 0)),
            pl.BlockSpec((D, D), lambda i: (0, 0)),
        ],
        out_specs=pl.BlockSpec((_BN, D), lambda i: (i, 0)),
        out_shape=jax.ShapeDtypeStruct((NP, D), jnp.float32),
    )(degp, xp, W)


def _tc_mid(degp, p, hprev, bprev, W):

    def body(deg_ref, p_ref, hp_ref, b_ref, w_ref, o_ref):
        d = _d_col(deg_ref)
        s = p_ref[0] + p_ref[1] + hp_ref[...]
        xn = s * d + b_ref[...]
        h = jnp.dot(xn, w_ref[...], preferred_element_type=jnp.float32,
                    precision=jax.lax.Precision.HIGHEST)
        o_ref[...] = h * d

    return pl.pallas_call(
        body,
        grid=(NP // _BN,),
        in_specs=[
            pl.BlockSpec((2, _BN, D), lambda i: (0, i, 0)),
            pl.BlockSpec((2, _BN, D), lambda i: (0, i, 0)),
            pl.BlockSpec((_BN, D), lambda i: (i, 0)),
            pl.BlockSpec((1, D), lambda i: (0, 0)),
            pl.BlockSpec((D, D), lambda i: (0, 0)),
        ],
        out_specs=pl.BlockSpec((_BN, D), lambda i: (i, 0)),
        out_shape=jax.ShapeDtypeStruct((NP, D), jnp.float32),
    )(degp, p, hprev, bprev, W)


def _tc_out(degp, p, hprev, b):

    def body(deg_ref, p_ref, hp_ref, b_ref, o_ref):
        d = _d_col(deg_ref)
        s = p_ref[0] + p_ref[1] + hp_ref[...]
        o_ref[...] = s * d + b_ref[...]

    return pl.pallas_call(
        body,
        grid=(NP // _BN,),
        in_specs=[
            pl.BlockSpec((2, _BN, D), lambda i: (0, i, 0)),
            pl.BlockSpec((2, _BN, D), lambda i: (0, i, 0)),
            pl.BlockSpec((_BN, D), lambda i: (i, 0)),
            pl.BlockSpec((1, D), lambda i: (0, 0)),
        ],
        out_specs=pl.BlockSpec((_BN, D), lambda i: (i, 0)),
        out_shape=jax.ShapeDtypeStruct((NP, D), jnp.float32),
    )(degp, p, hprev, b)


def kernel(x, edge_index, W1, b1, W2, b2, W3, b3):
    src = edge_index[0].astype(jnp.int32)
    dst = edge_index[1].astype(jnp.int32)
    pad_e = EP - E
    src_p = jnp.concatenate([src, jnp.zeros((pad_e,), jnp.int32)])
    dst_p = jnp.concatenate([dst, jnp.full((pad_e,), N, jnp.int32)])
    e0 = (src_p[:E0].reshape(16, NC0, B), dst_p[:E0].reshape(16, NC0, B))
    e1 = ((src_p[E0:].reshape(16, NC1, B), dst_p[E0:].reshape(16, NC1, B))
          if NC1 else None)
    dst_a = dst_p.reshape(32, NC, B)
    xp = jnp.pad(x, ((0, NP - N), (0, 0)))

    zrows = jnp.zeros((NP, D), jnp.float32)
    ones = jnp.ones((B, D), jnp.float32)

    degp = _sc_degree(dst_a, zrows, ones)

    h1 = _tc_layer1(degp, xp, W1)
    p1 = _sc_aggregate(h1, e0, e1, zrows)
    h2 = _tc_mid(degp, p1, h1, b1.reshape(1, D), W2)
    p2 = _sc_aggregate(h2, e0, e1, zrows)
    h3 = _tc_mid(degp, p2, h2, b2.reshape(1, D), W3)
    p3 = _sc_aggregate(h3, e0, e1, zrows)
    out = _tc_out(degp, p3, h3, b3.reshape(1, D))
    return out[:N]

# --- scband reference (transcript-rebuilt; emitter-appended) ---
"""Pipeline reference for scband-gnn-8289286881948 (READ-ONLY COPY).

The authoritative reference and input builder live on the scoring server;
editing this copy changes nothing except your own understanding.
"""

import jax, jax.numpy as jnp
import numpy as np

N = 10000
E = 320000
D_IN = 128
D_HID = 128
D_OUT = 128


def _glorot(key, fan_in, fan_out):
    limit = np.sqrt(6.0 / (fan_in + fan_out)).astype(np.float32)
    return jax.random.uniform(key, (fan_in, fan_out), dtype=jnp.float32, minval=-limit, maxval=limit)


def setup_inputs(seed: int = 0) -> dict:
    key = jax.random.key(seed)
    ks = jax.random.split(key, 8)
    x = jax.random.normal(ks[0], (N, D_IN), dtype=jnp.float32)
    edge_index = jax.random.randint(ks[1], (2, E), 0, N)
    W1 = _glorot(ks[2], D_IN, D_HID)
    b1 = jnp.zeros((D_HID,), dtype=jnp.float32)
    W2 = _glorot(ks[3], D_HID, D_HID)
    b2 = jnp.zeros((D_HID,), dtype=jnp.float32)
    W3 = _glorot(ks[4], D_HID, D_OUT)
    b3 = jnp.zeros((D_OUT,), dtype=jnp.float32)
    return {"x": x, "edge_index": edge_index, "W1": W1, "b1": b1, "W2": W2, "b2": b2, "W3": W3, "b3": b3}


def gcn_conv(x, edge_index, W, b):
    # PyG GCNConv: add self-loops, symmetric normalization D^{-1/2}(A+I)D^{-1/2} X W + b
    n = x.shape[0]
    loop = jnp.arange(n)
    src = jnp.concatenate([edge_index[0], loop])
    dst = jnp.concatenate([edge_index[1], loop])
    deg = jnp.zeros((n,), dtype=x.dtype).at[dst].add(1.0)
    deg_inv_sqrt = jax.lax.rsqrt(jnp.maximum(deg, 1.0))
    norm = deg_inv_sqrt[src] * deg_inv_sqrt[dst]
    h = x @ W
    msg = h[src] * norm[:, None]
    out = jnp.zeros((n, h.shape[1]), dtype=x.dtype).at[dst].add(msg)
    return out + b


def reference(x, edge_index, W1, b1, W2, b2, W3, b3):
    # Note: in the original torch forward, relu/dropout are applied to a stale
    # local variable whose result is discarded; batch.x only flows through the
    # conv layers. Faithful translation = 3 stacked GCN convs, no activation.
    h = gcn_conv(x, edge_index, W1, b1)
    h = gcn_conv(h, edge_index, W2, b2)
    h = gcn_conv(h, edge_index, W3, b3)
    return h

if __name__ == "__main__":
    import jax
    _d = setup_inputs()
    print(jax.jit(kernel)(*tuple(_d.values())))

</pallas_src>

<mosaic_0001>
#map = affine_map<(d0, d1) -> (0, 0, 0)>
#map1 = affine_map<(d0, d1) -> (0, 0)>
module attributes {stable_mosaic.version = 14 : i64} {
  func.func @deg_kernel(%arg0: i32, %arg1: i32, %arg2: memref<32x80x128xi32, #tpu.memory_space<hbm>>, %arg3: memref<10240x128xf32, #tpu.memory_space<hbm>>, %arg4: memref<128x128xf32, #tpu.memory_space<hbm>>, %arg5: memref<2x10240x128xf32, #tpu.memory_space<hbm>>, %arg6: memref<128xi32, #tpu.memory_space<vmem>>, %arg7: memref<128x128xf32, #tpu.memory_space<vmem>>, %arg8: memref<10240x128xf32, #tpu.memory_space<vmem_shared>>) attributes {dimension_semantics = [#tpu.dimension_semantics<core_parallel>, #tpu.dimension_semantics<subcore_parallel>], iteration_bounds = array<i64: 2, 16>, scalar_prefetch = 0 : i64, scratch_operands = 3 : i64, tpu.core_type = #tpu.core_type<sc_vector_subcore>, window_params = [{transform_indices = #map}, {transform_indices = #map1}, {transform_indices = #map1}, {transform_indices = #map}]} {
    %mul3A = arith.constant 16 : i32
    %mul3A_0 = arith.muli %arg0, %mul3A : i32
    %add3A = arith.addi %mul3A_0, %arg1 : i32
    %mul3A_1 = arith.constant 640 : i32
    %mul3A_2 = arith.muli %arg1, %mul3A_1 : i32
    %mul3A_3 = arith.constant 640 : i32
    %mul3A_4 = arith.muli %arg1, %mul3A_3 : i32
    "tpu.region"() ({
      %run_scoped3A = tpu.sem_alloc : memref<!tpu.dma_semaphore, #tpu.memory_space<semaphore_mem>>
      %dma_start3A = arith.constant 0 : i32
      %dma_start3A_14 = tpu.memref_slice %arg8[%mul3A_4, %dma_start3A] : memref<10240x128xf32, #tpu.memory_space<vmem_shared>> -> memref<640x128xf32, #tpu.memory_space<vmem_shared>>
      %dma_start3A_15 = arith.constant 0 : i32
      %dma_start3A_16 = tpu.memref_slice %arg3[%mul3A_2, %dma_start3A_15] : memref<10240x128xf32, #tpu.memory_space<hbm>> -> memref<640x128xf32, #tpu.memory_space<hbm>>
      tpu.enqueue_dma source(%dma_start3A_16 : memref<640x128xf32, #tpu.memory_space<hbm>>) target(%dma_start3A_14 : memref<640x128xf32, #tpu.memory_space<vmem_shared>>) target_semaphore(%run_scoped3A : memref<!tpu.dma_semaphore, #tpu.memory_space<semaphore_mem>>)
      %dma_wait3A = arith.constant 0 : i32
      %dma_wait3A_17 = tpu.memref_slice %arg8[%mul3A_4, %dma_wait3A] : memref<10240x128xf32, #tpu.memory_space<vmem_shared>> -> memref<640x128xf32, #tpu.memory_space<vmem_shared>>
      %dma_wait3A_18 = arith.constant 0 : i32
      %dma_wait3A_19 = tpu.memref_slice %arg3[%mul3A_2, %dma_wait3A_18] : memref<10240x128xf32, #tpu.memory_space<hbm>> -> memref<640x128xf32, #tpu.memory_space<hbm>>
      tpu.wait_dma2 semaphore(%run_scoped3A : memref<!tpu.dma_semaphore, #tpu.memory_space<semaphore_mem>>) src(%dma_wait3A_19 : memref<640x128xf32, #tpu.memory_space<hbm>>) dst(%dma_wait3A_17 : memref<640x128xf32, #tpu.memory_space<vmem_shared>>)
      tpu.yield
    }) : () -> ()
    "tpu.region"() ({
      %run_scoped3A = tpu.sem_alloc : memref<!tpu.dma_semaphore, #tpu.memory_space<semaphore_mem>>
      tpu.enqueue_dma source(%arg4 : memref<128x128xf32, #tpu.memory_space<hbm>>) target(%arg7 : memref<128x128xf32, #tpu.memory_space<vmem>>) target_semaphore(%run_scoped3A : memref<!tpu.dma_semaphore, #tpu.memory_space<semaphore_mem>>)
      tpu.wait_dma2 semaphore(%run_scoped3A : memref<!tpu.dma_semaphore, #tpu.memory_space<semaphore_mem>>) src(%arg4 : memref<128x128xf32, #tpu.memory_space<hbm>>) dst(%arg7 : memref<128x128xf32, #tpu.memory_space<vmem>>)
      tpu.yield
    }) : () -> ()
    %barrier3A = arith.constant 0 : index
    tpu.barrier barrier_id(%barrier3A)
    %scan3A = arith.constant 0 : i32
    %scan3A_5 = arith.constant 80 : i32
    %scan3A_6 = arith.addi %scan3A, %scan3A_5 : i32
    %scan3A_7 = arith.constant 1 : i32
    scf.for %scan3A_14 = %scan3A to %scan3A_6 step %scan3A_7  : i32 {
      %mul3A_15 = arith.constant 1 : i32
      %mul3A_16 = arith.muli %scan3A_14, %mul3A_15 : i32
      %add3A_17 = arith.constant 0 : i32
      %add3A_18 = arith.addi %add3A_17, %mul3A_16 : i32
      "tpu.region"() ({
        %run_scoped3A = tpu.sem_alloc : memref<!tpu.dma_semaphore, #tpu.memory_space<semaphore_mem>>
        %dma_start3A = arith.constant 0 : i32
        %dma_start3A_19 = tpu.memref_slice %arg2[%add3A, %add3A_18, %dma_start3A] : memref<32x80x128xi32, #tpu.memory_space<hbm>> -> memref<1x1x128xi32, #tpu.memory_space<hbm>>
        %dma_start3A_20 = tpu.memref_squeeze %dma_start3A_19 : memref<1x1x128xi32, #tpu.memory_space<hbm>> -> memref<128xi32, #tpu.memory_space<hbm>>
        %dma_start3A_21 = arith.constant 0 : i32
        %dma_start3A_22 = tpu.memref_slice %arg2[%add3A, %add3A_18, %dma_start3A_21] : memref<32x80x128xi32, #tpu.memory_space<hbm>> -> memref<1x1x128xi32, #tpu.memory_space<hbm>>
        %dma_start3A_23 = tpu.memref_squeeze %dma_start3A_22 : memref<1x1x128xi32, #tpu.memory_space<hbm>> -> memref<128xi32, #tpu.memory_space<hbm>>
        tpu.enqueue_dma source(%dma_start3A_23 : memref<128xi32, #tpu.memory_space<hbm>>) target(%arg6 : memref<128xi32, #tpu.memory_space<vmem>>) target_semaphore(%run_scoped3A : memref<!tpu.dma_semaphore, #tpu.memory_space<semaphore_mem>>)
        %dma_wait3A = arith.constant 0 : i32
        %dma_wait3A_24 = tpu.memref_slice %arg2[%add3A, %add3A_18, %dma_wait3A] : memref<32x80x128xi32, #tpu.memory_space<hbm>> -> memref<1x1x128xi32, #tpu.memory_space<hbm>>
        %dma_wait3A_25 = tpu.memref_squeeze %dma_wait3A_24 : memref<1x1x128xi32, #tpu.memory_space<hbm>> -> memref<128xi32, #tpu.memory_space<hbm>>
        %dma_wait3A_26 = arith.constant 0 : i32
        %dma_wait3A_27 = tpu.memref_slice %arg2[%add3A, %add3A_18, %dma_wait3A_26] : memref<32x80x128xi32, #tpu.memory_space<hbm>> -> memref<1x1x128xi32, #tpu.memory_space<hbm>>
        %dma_wait3A_28 = tpu.memref_squeeze %dma_wait3A_27 : memref<1x1x128xi32, #tpu.memory_space<hbm>> -> memref<128xi32, #tpu.memory_space<hbm>>
        tpu.wait_dma2 semaphore(%run_scoped3A : memref<!tpu.dma_semaphore, #tpu.memory_space<semaphore_mem>>) src(%dma_wait3A_28 : memref<128xi32, #tpu.memory_space<hbm>>) dst(%arg6 : memref<128xi32, #tpu.memory_space<vmem>>)
        tpu.yield
      }) : () -> ()
      "tpu.region"() ({
        %run_scoped3A = tpu.sem_alloc : memref<!tpu.dma_semaphore, #tpu.memory_space<semaphore_mem>>
        %dma_start3A = arith.constant 0 : i32
        %dma_start3A_19 = arith.constant 0 : i32
        %dma_start3A_20 = tpu.memref_slice %arg8[%dma_start3A, %dma_start3A_19] : memref<10240x128xf32, #tpu.memory_space<vmem_shared>> -> memref<10240x128xf32, #tpu.memory_space<vmem_shared>>
        tpu.enqueue_indirect_dma source(%arg7 : memref<128x128xf32, #tpu.memory_space<vmem>>) target(%dma_start3A_20 : memref<10240x128xf32, #tpu.memory_space<vmem_shared>>) offsets(%arg6 : memref<128xi32, #tpu.memory_space<vmem>>) semaphore(%run_scoped3A : memref<!tpu.dma_semaphore, #tpu.memory_space<semaphore_mem>>) {add = true}
        %dma_wait3A = arith.constant 0 : i32
        %dma_wait3A_21 = arith.constant 0 : i32
        %dma_wait3A_22 = tpu.memref_slice %arg8[%dma_wait3A, %dma_wait3A_21] : memref<10240x128xf32, #tpu.memory_space<vmem_shared>> -> memref<10240x128xf32, #tpu.memory_space<vmem_shared>>
        tpu.wait_indirect_dma semaphore(%run_scoped3A : memref<!tpu.dma_semaphore, #tpu.memory_space<semaphore_mem>>) src(%arg7 : memref<128x128xf32, #tpu.memory_space<vmem>>) dst(%dma_wait3A_22 : memref<10240x128xf32, #tpu.memory_space<vmem_shared>>)
        tpu.yield
      }) : () -> ()
    }
    %scan3A_8 = arith.constant 80 : i32
    %barrier3A_9 = arith.constant 0 : index
    tpu.barrier barrier_id(%barrier3A_9)
    %mul3A_10 = arith.constant 640 : i32
    %mul3A_11 = arith.muli %arg1, %mul3A_10 : i32
    %mul3A_12 = arith.constant 640 : i32
    %mul3A_13 = arith.muli %arg1, %mul3A_12 : i32
    "tpu.region"() ({
      %run_scoped3A = tpu.sem_alloc : memref<!tpu.dma_semaphore, #tpu.memory_space<semaphore_mem>>
      %dma_start3A = arith.constant 0 : i32
      %dma_start3A_14 = arith.constant 0 : i32
      %dma_start3A_15 = tpu.memref_slice %arg5[%arg0, %dma_start3A, %dma_start3A_14] : memref<2x10240x128xf32, #tpu.memory_space<hbm>> -> memref<1x10240x128xf32, #tpu.memory_space<hbm>>
      %dma_start3A_16 = tpu.memref_squeeze %dma_start3A_15 : memref<1x10240x128xf32, #tpu.memory_space<hbm>> -> memref<10240x128xf32, #tpu.memory_space<hbm>>
      %dma_start3A_17 = arith.constant 0 : i32
      %dma_start3A_18 = tpu.memref_slice %dma_start3A_16[%mul3A_13, %dma_start3A_17] : memref<10240x128xf32, #tpu.memory_space<hbm>> -> memref<640x128xf32, #tpu.memory_space<hbm>>
      %dma_start3A_19 = arith.constant 0 : i32
      %dma_start3A_20 = tpu.memref_slice %arg8[%mul3A_11, %dma_start3A_19] : memref<10240x128xf32, #tpu.memory_space<vmem_shared>> -> memref<640x128xf32, #tpu.memory_space<vmem_shared>>
      tpu.enqueue_dma source(%dma_start3A_20 : memref<640x128xf32, #tpu.memory_space<vmem_shared>>) target(%dma_start3A_18 : memref<640x128xf32, #tpu.memory_space<hbm>>) target_semaphore(%run_scoped3A : memref<!tpu.dma_semaphore, #tpu.memory_space<semaphore_mem>>)
      %dma_wait3A = arith.constant 0 : i32
      %dma_wait3A_21 = arith.constant 0 : i32
      %dma_wait3A_22 = tpu.memref_slice %arg5[%arg0, %dma_wait3A, %dma_wait3A_21] : memref<2x10240x128xf32, #tpu.memory_space<hbm>> -> memref<1x10240x128xf32, #tpu.memory_space<hbm>>
      %dma_wait3A_23 = tpu.memref_squeeze %dma_wait3A_22 : memref<1x10240x128xf32, #tpu.memory_space<hbm>> -> memref<10240x128xf32, #tpu.memory_space<hbm>>
      %dma_wait3A_24 = arith.constant 0 : i32
      %dma_wait3A_25 = tpu.memref_slice %dma_wait3A_23[%mul3A_13, %dma_wait3A_24] : memref<10240x128xf32, #tpu.memory_space<hbm>> -> memref<640x128xf32, #tpu.memory_space<hbm>>
      %dma_wait3A_26 = arith.constant 0 : i32
      %dma_wait3A_27 = tpu.memref_slice %arg8[%mul3A_11, %dma_wait3A_26] : memref<10240x128xf32, #tpu.memory_space<vmem_shared>> -> memref<640x128xf32, #tpu.memory_space<vmem_shared>>
      tpu.wait_dma2 semaphore(%run_scoped3A : memref<!tpu.dma_semaphore, #tpu.memory_space<semaphore_mem>>) src(%dma_wait3A_27 : memref<640x128xf32, #tpu.memory_space<vmem_shared>>) dst(%dma_wait3A_25 : memref<640x128xf32, #tpu.memory_space<hbm>>)
      tpu.yield
    }) : () -> ()
    return
  }
}

#map = affine_map<(d0, d1) -> (0, 0)>
#map1 = affine_map<(d0, d1) -> (0, 0, 0)>
module attributes {stable_mosaic.version = 14 : i64} {
  func.func @agg_kernel(%arg0: i32, %arg1: i32, %arg2: memref<10240x128xf32, #tpu.memory_space<hbm>>, %arg3: memref<16x120x128xi32, #tpu.memory_space<hbm>>, %arg4: memref<16x120x128xi32, #tpu.memory_space<hbm>>, %arg5: memref<16x40x128xi32, #tpu.memory_space<hbm>>, %arg6: memref<16x40x128xi32, #tpu.memory_space<hbm>>, %arg7: memref<10240x128xf32, #tpu.memory_space<hbm>>, %arg8: memref<2x10240x128xf32, #tpu.memory_space<hbm>>, %arg9: memref<128xi32, #tpu.memory_space<vmem>>, %arg10: memref<128xi32, #tpu.memory_space<vmem>>, %arg11: memref<128xi32, #tpu.memory_space<vmem>>, %arg12: memref<128xi32, #tpu.memory_space<vmem>>, %arg13: memref<128x128xf32, #tpu.memory_space<vmem>>, %arg14: memref<128x128xf32, #tpu.memory_space<vmem>>, %arg15: memref<10240x128xf32, #tpu.memory_space<vmem_shared>>, %arg16: memref<!tpu.dma_semaphore, #tpu.memory_space<semaphore_mem>>, %arg17: memref<!tpu.dma_semaphore, #tpu.memory_space<semaphore_mem>>, %arg18: memref<!tpu.dma_semaphore, #tpu.memory_space<semaphore_mem>>, %arg19: memref<!tpu.dma_semaphore, #tpu.memory_space<semaphore_mem>>, %arg20: memref<!tpu.dma_semaphore, #tpu.memory_space<semaphore_mem>>, %arg21: memref<!tpu.dma_semaphore, #tpu.memory_space<semaphore_mem>>) attributes {dimension_semantics = [#tpu.dimension_semantics<core_parallel>, #tpu.dimension_semantics<subcore_parallel>], iteration_bounds = array<i64: 2, 16>, scalar_prefetch = 0 : i64, scratch_operands = 13 : i64, tpu.core_type = #tpu.core_type<sc_vector_subcore>, window_params = [{transform_indices = #map}, {transform_indices = #map1}, {transform_indices = #map1}, {transform_indices = #map1}, {transform_indices = #map1}, {transform_indices = #map}, {transform_indices = #map1}]} {
    %mul3A = arith.constant 640 : i32
    %mul3A_0 = arith.muli %arg1, %mul3A : i32
    %mul3A_1 = arith.constant 640 : i32
    %mul3A_2 = arith.muli %arg1, %mul3A_1 : i32
    "tpu.region"() ({
      %run_scoped3A = tpu.sem_alloc : memref<!tpu.dma_semaphore, #tpu.memory_space<semaphore_mem>>
      %dma_start3A = arith.constant 0 : i32
      %dma_start3A_15 = tpu.memref_slice %arg15[%mul3A_2, %dma_start3A] : memref<10240x128xf32, #tpu.memory_space<vmem_shared>> -> memref<640x128xf32, #tpu.memory_space<vmem_shared>>
      %dma_start3A_16 = arith.constant 0 : i32
      %dma_start3A_17 = tpu.memref_slice %arg7[%mul3A_0, %dma_start3A_16] : memref<10240x128xf32, #tpu.memory_space<hbm>> -> memref<640x128xf32, #tpu.memory_space<hbm>>
      tpu.enqueue_dma source(%dma_start3A_17 : memref<640x128xf32, #tpu.memory_space<hbm>>) target(%dma_start3A_15 : memref<640x128xf32, #tpu.memory_space<vmem_shared>>) target_semaphore(%run_scoped3A : memref<!tpu.dma_semaphore, #tpu.memory_space<semaphore_mem>>)
      %dma_wait3A = arith.constant 0 : i32
      %dma_wait3A_18 = tpu.memref_slice %arg15[%mul3A_2, %dma_wait3A] : memref<10240x128xf32, #tpu.memory_space<vmem_shared>> -> memref<640x128xf32, #tpu.memory_space<vmem_shared>>
      %dma_wait3A_19 = arith.constant 0 : i32
      %dma_wait3A_20 = tpu.memref_slice %arg7[%mul3A_0, %dma_wait3A_19] : memref<10240x128xf32, #tpu.memory_space<hbm>> -> memref<640x128xf32, #tpu.memory_space<hbm>>
      tpu.wait_dma2 semaphore(%run_scoped3A : memref<!tpu.dma_semaphore, #tpu.memory_space<semaphore_mem>>) src(%dma_wait3A_20 : memref<640x128xf32, #tpu.memory_space<hbm>>) dst(%dma_wait3A_18 : memref<640x128xf32, #tpu.memory_space<vmem_shared>>)
      tpu.yield
    }) : () -> ()
    %barrier3A = arith.constant 0 : index
    tpu.barrier barrier_id(%barrier3A)
    %eq3A = arith.constant 0 : i32
    %eq3A_3 = arith.cmpi eq, %arg0, %eq3A : i32
    %convert_element_type3A = arith.extui %eq3A_3 : i1 to i32
    %cond3A = arith.constant 0 : i32
    %cond3A_4 = arith.cmpi ne, %convert_element_type3A, %cond3A : i32
    scf.if %cond3A_4 {
      %scan3A = arith.constant 0 : i32
      %scan3A_15 = arith.constant 60 : i32
      %scan3A_16 = arith.addi %scan3A, %scan3A_15 : i32
      %scan3A_17 = arith.constant 1 : i32
      scf.for %scan3A_19 = %scan3A to %scan3A_16 step %scan3A_17  : i32 {
        %mul3A_20 = arith.constant 2 : i32
        %mul3A_21 = arith.muli %scan3A_19, %mul3A_20 : i32
        %add3A = arith.constant 0 : i32
        %add3A_22 = arith.addi %add3A, %mul3A_21 : i32
        %add3A_23 = arith.constant 0 : i32
        %add3A_24 = arith.addi %add3A_22, %add3A_23 : i32
        %dma_start3A = arith.constant 0 : i32
        %dma_start3A_25 = tpu.memref_slice %arg3[%arg1, %add3A_24, %dma_start3A] : memref<16x120x128xi32, #tpu.memory_space<hbm>> -> memref<1x1x128xi32, #tpu.memory_space<hbm>>
        %dma_start3A_26 = tpu.memref_squeeze %dma_start3A_25 : memref<1x1x128xi32, #tpu.memory_space<hbm>> -> memref<128xi32, #tpu.memory_space<hbm>>
        %dma_start3A_27 = arith.constant 0 : i32
        %dma_start3A_28 = tpu.memref_slice %arg3[%arg1, %add3A_24, %dma_start3A_27] : memref<16x120x128xi32, #tpu.memory_space<hbm>> -> memref<1x1x128xi32, #tpu.memory_space<hbm>>
        %dma_start3A_29 = tpu.memref_squeeze %dma_start3A_28 : memref<1x1x128xi32, #tpu.memory_space<hbm>> -> memref<128xi32, #tpu.memory_space<hbm>>
        tpu.enqueue_dma source(%dma_start3A_29 : memref<128xi32, #tpu.memory_space<hbm>>) target(%arg9 : memref<128xi32, #tpu.memory_space<vmem>>) target_semaphore(%arg16 : memref<!tpu.dma_semaphore, #tpu.memory_space<semaphore_mem>>)
        %add3A_30 = arith.constant 0 : i32
        %add3A_31 = arith.addi %add3A_22, %add3A_30 : i32
        %dma_start3A_32 = arith.constant 0 : i32
        %dma_start3A_33 = tpu.memref_slice %arg4[%arg1, %add3A_31, %dma_start3A_32] : memref<16x120x128xi32, #tpu.memory_space<hbm>> -> memref<1x1x128xi32, #tpu.memory_space<hbm>>
        %dma_start3A_34 = tpu.memref_squeeze %dma_start3A_33 : memref<1x1x128xi32, #tpu.memory_space<hbm>> -> memref<128xi32, #tpu.memory_space<hbm>>
        %dma_start3A_35 = arith.constant 0 : i32
        %dma_start3A_36 = tpu.memref_slice %arg4[%arg1, %add3A_31, %dma_start3A_35] : memref<16x120x128xi32, #tpu.memory_space<hbm>> -> memref<1x1x128xi32, #tpu.memory_space<hbm>>
        %dma_start3A_37 = tpu.memref_squeeze %dma_start3A_36 : memref<1x1x128xi32, #tpu.memory_space<hbm>> -> memref<128xi32, #tpu.memory_space<hbm>>
        tpu.enqueue_dma source(%dma_start3A_37 : memref<128xi32, #tpu.memory_space<hbm>>) target(%arg11 : memref<128xi32, #tpu.memory_space<vmem>>) target_semaphore(%arg16 : memref<!tpu.dma_semaphore, #tpu.memory_space<semaphore_mem>>)
        %add3A_38 = arith.constant 1 : i32
        %add3A_39 = arith.addi %add3A_22, %add3A_38 : i32
        %dma_start3A_40 = arith.constant 0 : i32
        %dma_start3A_41 = tpu.memref_slice %arg3[%arg1, %add3A_39, %dma_start3A_40] : memref<16x120x128xi32, #tpu.memory_space<hbm>> -> memref<1x1x128xi32, #tpu.memory_space<hbm>>
        %dma_start3A_42 = tpu.memref_squeeze %dma_start3A_41 : memref<1x1x128xi32, #tpu.memory_space<hbm>> -> memref<128xi32, #tpu.memory_space<hbm>>
        %dma_start3A_43 = arith.constant 0 : i32
        %dma_start3A_44 = tpu.memref_slice %arg3[%arg1, %add3A_39, %dma_start3A_43] : memref<16x120x128xi32, #tpu.memory_space<hbm>> -> memref<1x1x128xi32, #tpu.memory_space<hbm>>
        %dma_start3A_45 = tpu.memref_squeeze %dma_start3A_44 : memref<1x1x128xi32, #tpu.memory_space<hbm>> -> memref<128xi32, #tpu.memory_space<hbm>>
        tpu.enqueue_dma source(%dma_start3A_45 : memref<128xi32, #tpu.memory_space<hbm>>) target(%arg10 : memref<128xi32, #tpu.memory_space<vmem>>) target_semaphore(%arg17 : memref<!tpu.dma_semaphore, #tpu.memory_space<semaphore_mem>>)
        %add3A_46 = arith.constant 1 : i32
        %add3A_47 = arith.addi %add3A_22, %add3A_46 : i32
        %dma_start3A_48 = arith.constant 0 : i32
        %dma_start3A_49 = tpu.memref_slice %arg4[%arg1, %add3A_47, %dma_start3A_48] : memref<16x120x128xi32, #tpu.memory_space<hbm>> -> memref<1x1x128xi32, #tpu.memory_space<hbm>>
        %dma_start3A_50 = tpu.memref_squeeze %dma_start3A_49 : memref<1x1x128xi32, #tpu.memory_space<hbm>> -> memref<128xi32, #tpu.memory_space<hbm>>
        %dma_start3A_51 = arith.constant 0 : i32
        %dma_start3A_52 = tpu.memref_slice %arg4[%arg1, %add3A_47, %dma_start3A_51] : memref<16x120x128xi32, #tpu.memory_space<hbm>> -> memref<1x1x128xi32, #tpu.memory_space<hbm>>
        %dma_start3A_53 = tpu.memref_squeeze %dma_start3A_52 : memref<1x1x128xi32, #tpu.memory_space<hbm>> -> memref<128xi32, #tpu.memory_space<hbm>>
        tpu.enqueue_dma source(%dma_start3A_53 : memref<128xi32, #tpu.memory_space<hbm>>) target(%arg12 : memref<128xi32, #tpu.memory_space<vmem>>) target_semaphore(%arg17 : memref<!tpu.dma_semaphore, #tpu.memory_space<semaphore_mem>>)
        %dma_wait3A = arith.constant 0 : i32
        %dma_wait3A_54 = tpu.memref_slice %arg3[%arg1, %add3A_24, %dma_wait3A] : memref<16x120x128xi32, #tpu.memory_space<hbm>> -> memref<1x1x128xi32, #tpu.memory_space<hbm>>
        %dma_wait3A_55 = tpu.memref_squeeze %dma_wait3A_54 : memref<1x1x128xi32, #tpu.memory_space<hbm>> -> memref<128xi32, #tpu.memory_space<hbm>>
        %dma_wait3A_56 = arith.constant 0 : i32
        %dma_wait3A_57 = tpu.memref_slice %arg3[%arg1, %add3A_24, %dma_wait3A_56] : memref<16x120x128xi32, #tpu.memory_space<hbm>> -> memref<1x1x128xi32, #tpu.memory_space<hbm>>
        %dma_wait3A_58 = tpu.memref_squeeze %dma_wait3A_57 : memref<1x1x128xi32, #tpu.memory_space<hbm>> -> memref<128xi32, #tpu.memory_space<hbm>>
        tpu.wait_dma2 semaphore(%arg16 : memref<!tpu.dma_semaphore, #tpu.memory_space<semaphore_mem>>) src(%dma_wait3A_58 : memref<128xi32, #tpu.memory_space<hbm>>) dst(%arg9 : memref<128xi32, #tpu.memory_space<vmem>>)
        %dma_wait3A_59 = arith.constant 0 : i32
        %dma_wait3A_60 = tpu.memref_slice %arg4[%arg1, %add3A_31, %dma_wait3A_59] : memref<16x120x128xi32, #tpu.memory_space<hbm>> -> memref<1x1x128xi32, #tpu.memory_space<hbm>>
        %dma_wait3A_61 = tpu.memref_squeeze %dma_wait3A_60 : memref<1x1x128xi32, #tpu.memory_space<hbm>> -> memref<128xi32, #tpu.memory_space<hbm>>
        %dma_wait3A_62 = arith.constant 0 : i32
        %dma_wait3A_63 = tpu.memref_slice %arg4[%arg1, %add3A_31, %dma_wait3A_62] : memref<16x120x128xi32, #tpu.memory_space<hbm>> -> memref<1x1x128xi32, #tpu.memory_space<hbm>>
        %dma_wait3A_64 = tpu.memref_squeeze %dma_wait3A_63 : memref<1x1x128xi32, #tpu.memory_space<hbm>> -> memref<128xi32, #tpu.memory_space<hbm>>
        tpu.wait_dma2 semaphore(%arg16 : memref<!tpu.dma_semaphore, #tpu.memory_space<semaphore_mem>>) src(%dma_wait3A_64 : memref<128xi32, #tpu.memory_space<hbm>>) dst(%arg11 : memref<128xi32, #tpu.memory_space<vmem>>)
        %dma_wait3A_65 = arith.constant 0 : i32
        %dma_wait3A_66 = tpu.memref_slice %arg3[%arg1, %add3A_39, %dma_wait3A_65] : memref<16x120x128xi32, #tpu.memory_space<hbm>> -> memref<1x1x128xi32, #tpu.memory_space<hbm>>
        %dma_wait3A_67 = tpu.memref_squeeze %dma_wait3A_66 : memref<1x1x128xi32, #tpu.memory_space<hbm>> -> memref<128xi32, #tpu.memory_space<hbm>>
        %dma_wait3A_68 = arith.constant 0 : i32
        %dma_wait3A_69 = tpu.memref_slice %arg3[%arg1, %add3A_39, %dma_wait3A_68] : memref<16x120x128xi32, #tpu.memory_space<hbm>> -> memref<1x1x128xi32, #tpu.memory_space<hbm>>
        %dma_wait3A_70 = tpu.memref_squeeze %dma_wait3A_69 : memref<1x1x128xi32, #tpu.memory_space<hbm>> -> memref<128xi32, #tpu.memory_space<hbm>>
        tpu.wait_dma2 semaphore(%arg17 : memref<!tpu.dma_semaphore, #tpu.memory_space<semaphore_mem>>) src(%dma_wait3A_70 : memref<128xi32, #tpu.memory_space<hbm>>) dst(%arg10 : memref<128xi32, #tpu.memory_space<vmem>>)
        %dma_wait3A_71 = arith.constant 0 : i32
        %dma_wait3A_72 = tpu.memref_slice %arg4[%arg1, %add3A_47, %dma_wait3A_71] : memref<16x120x128xi32, #tpu.memory_space<hbm>> -> memref<1x1x128xi32, #tpu.memory_space<hbm>>
        %dma_wait3A_73 = tpu.memref_squeeze %dma_wait3A_72 : memref<1x1x128xi32, #tpu.memory_space<hbm>> -> memref<128xi32, #tpu.memory_space<hbm>>
        %dma_wait3A_74 = arith.constant 0 : i32
        %dma_wait3A_75 = tpu.memref_slice %arg4[%arg1, %add3A_47, %dma_wait3A_74] : memref<16x120x128xi32, #tpu.memory_space<hbm>> -> memref<1x1x128xi32, #tpu.memory_space<hbm>>
        %dma_wait3A_76 = tpu.memref_squeeze %dma_wait3A_75 : memref<1x1x128xi32, #tpu.memory_space<hbm>> -> memref<128xi32, #tpu.memory_space<hbm>>
        tpu.wait_dma2 semaphore(%arg17 : memref<!tpu.dma_semaphore, #tpu.memory_space<semaphore_mem>>) src(%dma_wait3A_76 : memref<128xi32, #tpu.memory_space<hbm>>) dst(%arg12 : memref<128xi32, #tpu.memory_space<vmem>>)
        %dma_start3A_77 = arith.constant 0 : i32
        %dma_start3A_78 = arith.constant 0 : i32
        %dma_start3A_79 = tpu.memref_slice %arg2[%dma_start3A_77, %dma_start3A_78] : memref<10240x128xf32, #tpu.memory_space<hbm>> -> memref<10240x128xf32, #tpu.memory_space<hbm>>
        tpu.enqueue_indirect_dma source(%dma_start3A_79 : memref<10240x128xf32, #tpu.memory_space<hbm>>) target(%arg13 : memref<128x128xf32, #tpu.memory_space<vmem>>) offsets(%arg9 : memref<128xi32, #tpu.memory_space<vmem>>) semaphore(%arg18 : memref<!tpu.dma_semaphore, #tpu.memory_space<semaphore_mem>>)
        %dma_start3A_80 = arith.constant 0 : i32
        %dma_start3A_81 = arith.constant 0 : i32
        %dma_start3A_82 = tpu.memref_slice %arg2[%dma_start3A_80, %dma_start3A_81] : memref<10240x128xf32, #tpu.memory_space<hbm>> -> memref<10240x128xf32, #tpu.memory_space<hbm>>
        tpu.enqueue_indirect_dma source(%dma_start3A_82 : memref<10240x128xf32, #tpu.memory_space<hbm>>) target(%arg14 : memref<128x128xf32, #tpu.memory_space<vmem>>) offsets(%arg10 : memref<128xi32, #tpu.memory_space<vmem>>) semaphore(%arg19 : memref<!tpu.dma_semaphore, #tpu.memory_space<semaphore_mem>>)
        %dma_wait3A_83 = arith.constant 0 : i32
        %dma_wait3A_84 = arith.constant 0 : i32
        %dma_wait3A_85 = tpu.memref_slice %arg2[%dma_wait3A_83, %dma_wait3A_84] : memref<10240x128xf32, #tpu.memory_space<hbm>> -> memref<10240x128xf32, #tpu.memory_space<hbm>>
        tpu.wait_indirect_dma semaphore(%arg18 : memref<!tpu.dma_semaphore, #tpu.memory_space<semaphore_mem>>) src(%dma_wait3A_85 : memref<10240x128xf32, #tpu.memory_space<hbm>>) dst(%arg13 : memref<128x128xf32, #tpu.memory_space<vmem>>)
        %dma_start3A_86 = arith.constant 0 : i32
        %dma_start3A_87 = arith.constant 0 : i32
        %dma_start3A_88 = tpu.memref_slice %arg15[%dma_start3A_86, %dma_start3A_87] : memref<10240x128xf32, #tpu.memory_space<vmem_shared>> -> memref<10240x128xf32, #tpu.memory_space<vmem_shared>>
        tpu.enqueue_indirect_dma source(%arg13 : memref<128x128xf32, #tpu.memory_space<vmem>>) target(%dma_start3A_88 : memref<10240x128xf32, #tpu.memory_space<vmem_shared>>) offsets(%arg11 : memref<128xi32, #tpu.memory_space<vmem>>) semaphore(%arg20 : memref<!tpu.dma_semaphore, #tpu.memory_space<semaphore_mem>>) {add = true}
        %dma_wait3A_89 = arith.constant 0 : i32
        %dma_wait3A_90 = arith.constant 0 : i32
        %dma_wait3A_91 = tpu.memref_slice %arg2[%dma_wait3A_89, %dma_wait3A_90] : memref<10240x128xf32, #tpu.memory_space<hbm>> -> memref<10240x128xf32, #tpu.memory_space<hbm>>
        tpu.wait_indirect_dma semaphore(%arg19 : memref<!tpu.dma_semaphore, #tpu.memory_space<semaphore_mem>>) src(%dma_wait3A_91 : memref<10240x128xf32, #tpu.memory_space<hbm>>) dst(%arg14 : memref<128x128xf32, #tpu.memory_space<vmem>>)
        %dma_start3A_92 = arith.constant 0 : i32
        %dma_start3A_93 = arith.constant 0 : i32
        %dma_start3A_94 = tpu.memref_slice %arg15[%dma_start3A_92, %dma_start3A_93] : memref<10240x128xf32, #tpu.memory_space<vmem_shared>> -> memref<10240x128xf32, #tpu.memory_space<vmem_shared>>
        tpu.enqueue_indirect_dma source(%arg14 : memref<128x128xf32, #tpu.memory_space<vmem>>) target(%dma_start3A_94 : memref<10240x128xf32, #tpu.memory_space<vmem_shared>>) offsets(%arg12 : memref<128xi32, #tpu.memory_space<vmem>>) semaphore(%arg21 : memref<!tpu.dma_semaphore, #tpu.memory_space<semaphore_mem>>) {add = true}
        %dma_wait3A_95 = arith.constant 0 : i32
        %dma_wait3A_96 = arith.constant 0 : i32
        %dma_wait3A_97 = tpu.memref_slice %arg15[%dma_wait3A_95, %dma_wait3A_96] : memref<10240x128xf32, #tpu.memory_space<vmem_shared>> -> memref<10240x128xf32, #tpu.memory_space<vmem_shared>>
        tpu.wait_indirect_dma semaphore(%arg20 : memref<!tpu.dma_semaphore, #tpu.memory_space<semaphore_mem>>) src(%arg13 : memref<128x128xf32, #tpu.memory_space<vmem>>) dst(%dma_wait3A_97 : memref<10240x128xf32, #tpu.memory_space<vmem_shared>>)
        %dma_wait3A_98 = arith.constant 0 : i32
        %dma_wait3A_99 = arith.constant 0 : i32
        %dma_wait3A_100 = tpu.memref_slice %arg15[%dma_wait3A_98, %dma_wait3A_99] : memref<10240x128xf32, #tpu.memory_space<vmem_shared>> -> memref<10240x128xf32, #tpu.memory_space<vmem_shared>>
        tpu.wait_indirect_dma semaphore(%arg21 : memref<!tpu.dma_semaphore, #tpu.memory_space<semaphore_mem>>) src(%arg14 : memref<128x128xf32, #tpu.memory_space<vmem>>) dst(%dma_wait3A_100 : memref<10240x128xf32, #tpu.memory_space<vmem_shared>>)
      }
      %scan3A_18 = arith.constant 60 : i32
    } else {
    }
    %eq3A_5 = arith.constant 1 : i32
    %eq3A_6 = arith.cmpi eq, %arg0, %eq3A_5 : i32
    %convert_element_type3A_7 = arith.extui %eq3A_6 : i1 to i32
    %cond3A_8 = arith.constant 0 : i32
    %cond3A_9 = arith.cmpi ne, %convert_element_type3A_7, %cond3A_8 : i32
    scf.if %cond3A_9 {
      %scan3A = arith.constant 0 : i32
      %scan3A_15 = arith.constant 20 : i32
      %scan3A_16 = arith.addi %scan3A, %scan3A_15 : i32
      %scan3A_17 = arith.constant 1 : i32
      scf.for %scan3A_19 = %scan3A to %scan3A_16 step %scan3A_17  : i32 {
        %mul3A_20 = arith.constant 2 : i32
        %mul3A_21 = arith.muli %scan3A_19, %mul3A_20 : i32
        %add3A = arith.constant 0 : i32
        %add3A_22 = arith.addi %add3A, %mul3A_21 : i32
        %add3A_23 = arith.constant 0 : i32
        %add3A_24 = arith.addi %add3A_22, %add3A_23 : i32
        %dma_start3A = arith.constant 0 : i32
        %dma_start3A_25 = tpu.memref_slice %arg5[%arg1, %add3A_24, %dma_start3A] : memref<16x40x128xi32, #tpu.memory_space<hbm>> -> memref<1x1x128xi32, #tpu.memory_space<hbm>>
        %dma_start3A_26 = tpu.memref_squeeze %dma_start3A_25 : memref<1x1x128xi32, #tpu.memory_space<hbm>> -> memref<128xi32, #tpu.memory_space<hbm>>
        %dma_start3A_27 = arith.constant 0 : i32
        %dma_start3A_28 = tpu.memref_slice %arg5[%arg1, %add3A_24, %dma_start3A_27] : memref<16x40x128xi32, #tpu.memory_space<hbm>> -> memref<1x1x128xi32, #tpu.memory_space<hbm>>
        %dma_start3A_29 = tpu.memref_squeeze %dma_start3A_28 : memref<1x1x128xi32, #tpu.memory_space<hbm>> -> memref<128xi32, #tpu.memory_space<hbm>>
        tpu.enqueue_dma source(%dma_start3A_29 : memref<128xi32, #tpu.memory_space<hbm>>) target(%arg9 : memref<128xi32, #tpu.memory_space<vmem>>) target_semaphore(%arg16 : memref<!tpu.dma_semaphore, #tpu.memory_space<semaphore_mem>>)
        %add3A_30 = arith.constant 0 : i32
        %add3A_31 = arith.addi %add3A_22, %add3A_30 : i32
        %dma_start3A_32 = arith.constant 0 : i32
        %dma_start3A_33 = tpu.memref_slice %arg6[%arg1, %add3A_31, %dma_start3A_32] : memref<16x40x128xi32, #tpu.memory_space<hbm>> -> memref<1x1x128xi32, #tpu.memory_space<hbm>>
        %dma_start3A_34 = tpu.memref_squeeze %dma_start3A_33 : memref<1x1x128xi32, #tpu.memory_space<hbm>> -> memref<128xi32, #tpu.memory_space<hbm>>
        %dma_start3A_35 = arith.constant 0 : i32
        %dma_start3A_36 = tpu.memref_slice %arg6[%arg1, %add3A_31, %dma_start3A_35] : memref<16x40x128xi32, #tpu.memory_space<hbm>> -> memref<1x1x128xi32, #tpu.memory_space<hbm>>
        %dma_start3A_37 = tpu.memref_squeeze %dma_start3A_36 : memref<1x1x128xi32, #tpu.memory_space<hbm>> -> memref<128xi32, #tpu.memory_space<hbm>>
        tpu.enqueue_dma source(%dma_start3A_37 : memref<128xi32, #tpu.memory_space<hbm>>) target(%arg11 : memref<128xi32, #tpu.memory_space<vmem>>) target_semaphore(%arg16 : memref<!tpu.dma_semaphore, #tpu.memory_space<semaphore_mem>>)
        %add3A_38 = arith.constant 1 : i32
        %add3A_39 = arith.addi %add3A_22, %add3A_38 : i32
        %dma_start3A_40 = arith.constant 0 : i32
        %dma_start3A_41 = tpu.memref_slice %arg5[%arg1, %add3A_39, %dma_start3A_40] : memref<16x40x128xi32, #tpu.memory_space<hbm>> -> memref<1x1x128xi32, #tpu.memory_space<hbm>>
        %dma_start3A_42 = tpu.memref_squeeze %dma_start3A_41 : memref<1x1x128xi32, #tpu.memory_space<hbm>> -> memref<128xi32, #tpu.memory_space<hbm>>
        %dma_start3A_43 = arith.constant 0 : i32
        %dma_start3A_44 = tpu.memref_slice %arg5[%arg1, %add3A_39, %dma_start3A_43] : memref<16x40x128xi32, #tpu.memory_space<hbm>> -> memref<1x1x128xi32, #tpu.memory_space<hbm>>
        %dma_start3A_45 = tpu.memref_squeeze %dma_start3A_44 : memref<1x1x128xi32, #tpu.memory_space<hbm>> -> memref<128xi32, #tpu.memory_space<hbm>>
        tpu.enqueue_dma source(%dma_start3A_45 : memref<128xi32, #tpu.memory_space<hbm>>) target(%arg10 : memref<128xi32, #tpu.memory_space<vmem>>) target_semaphore(%arg17 : memref<!tpu.dma_semaphore, #tpu.memory_space<semaphore_mem>>)
        %add3A_46 = arith.constant 1 : i32
        %add3A_47 = arith.addi %add3A_22, %add3A_46 : i32
        %dma_start3A_48 = arith.constant 0 : i32
        %dma_start3A_49 = tpu.memref_slice %arg6[%arg1, %add3A_47, %dma_start3A_48] : memref<16x40x128xi32, #tpu.memory_space<hbm>> -> memref<1x1x128xi32, #tpu.memory_space<hbm>>
        %dma_start3A_50 = tpu.memref_squeeze %dma_start3A_49 : memref<1x1x128xi32, #tpu.memory_space<hbm>> -> memref<128xi32, #tpu.memory_space<hbm>>
        %dma_start3A_51 = arith.constant 0 : i32
        %dma_start3A_52 = tpu.memref_slice %arg6[%arg1, %add3A_47, %dma_start3A_51] : memref<16x40x128xi32, #tpu.memory_space<hbm>> -> memref<1x1x128xi32, #tpu.memory_space<hbm>>
        %dma_start3A_53 = tpu.memref_squeeze %dma_start3A_52 : memref<1x1x128xi32, #tpu.memory_space<hbm>> -> memref<128xi32, #tpu.memory_space<hbm>>
        tpu.enqueue_dma source(%dma_start3A_53 : memref<128xi32, #tpu.memory_space<hbm>>) target(%arg12 : memref<128xi32, #tpu.memory_space<vmem>>) target_semaphore(%arg17 : memref<!tpu.dma_semaphore, #tpu.memory_space<semaphore_mem>>)
        %dma_wait3A = arith.constant 0 : i32
        %dma_wait3A_54 = tpu.memref_slice %arg5[%arg1, %add3A_24, %dma_wait3A] : memref<16x40x128xi32, #tpu.memory_space<hbm>> -> memref<1x1x128xi32, #tpu.memory_space<hbm>>
        %dma_wait3A_55 = tpu.memref_squeeze %dma_wait3A_54 : memref<1x1x128xi32, #tpu.memory_space<hbm>> -> memref<128xi32, #tpu.memory_space<hbm>>
        %dma_wait3A_56 = arith.constant 0 : i32
        %dma_wait3A_57 = tpu.memref_slice %arg5[%arg1, %add3A_24, %dma_wait3A_56] : memref<16x40x128xi32, #tpu.memory_space<hbm>> -> memref<1x1x128xi32, #tpu.memory_space<hbm>>
        %dma_wait3A_58 = tpu.memref_squeeze %dma_wait3A_57 : memref<1x1x128xi32, #tpu.memory_space<hbm>> -> memref<128xi32, #tpu.memory_space<hbm>>
        tpu.wait_dma2 semaphore(%arg16 : memref<!tpu.dma_semaphore, #tpu.memory_space<semaphore_mem>>) src(%dma_wait3A_58 : memref<128xi32, #tpu.memory_space<hbm>>) dst(%arg9 : memref<128xi32, #tpu.memory_space<vmem>>)
        %dma_wait3A_59 = arith.constant 0 : i32
        %dma_wait3A_60 = tpu.memref_slice %arg6[%arg1, %add3A_31, %dma_wait3A_59] : memref<16x40x128xi32, #tpu.memory_space<hbm>> -> memref<1x1x128xi32, #tpu.memory_space<hbm>>
        %dma_wait3A_61 = tpu.memref_squeeze %dma_wait3A_60 : memref<1x1x128xi32, #tpu.memory_space<hbm>> -> memref<128xi32, #tpu.memory_space<hbm>>
        %dma_wait3A_62 = arith.constant 0 : i32
        %dma_wait3A_63 = tpu.memref_slice %arg6[%arg1, %add3A_31, %dma_wait3A_62] : memref<16x40x128xi32, #tpu.memory_space<hbm>> -> memref<1x1x128xi32, #tpu.memory_space<hbm>>
        %dma_wait3A_64 = tpu.memref_squeeze %dma_wait3A_63 : memref<1x1x128xi32, #tpu.memory_space<hbm>> -> memref<128xi32, #tpu.memory_space<hbm>>
        tpu.wait_dma2 semaphore(%arg16 : memref<!tpu.dma_semaphore, #tpu.memory_space<semaphore_mem>>) src(%dma_wait3A_64 : memref<128xi32, #tpu.memory_space<hbm>>) dst(%arg11 : memref<128xi32, #tpu.memory_space<vmem>>)
        %dma_wait3A_65 = arith.constant 0 : i32
        %dma_wait3A_66 = tpu.memref_slice %arg5[%arg1, %add3A_39, %dma_wait3A_65] : memref<16x40x128xi32, #tpu.memory_space<hbm>> -> memref<1x1x128xi32, #tpu.memory_space<hbm>>
        %dma_wait3A_67 = tpu.memref_squeeze %dma_wait3A_66 : memref<1x1x128xi32, #tpu.memory_space<hbm>> -> memref<128xi32, #tpu.memory_space<hbm>>
        %dma_wait3A_68 = arith.constant 0 : i32
        %dma_wait3A_69 = tpu.memref_slice %arg5[%arg1, %add3A_39, %dma_wait3A_68] : memref<16x40x128xi32, #tpu.memory_space<hbm>> -> memref<1x1x128xi32, #tpu.memory_space<hbm>>
        %dma_wait3A_70 = tpu.memref_squeeze %dma_wait3A_69 : memref<1x1x128xi32, #tpu.memory_space<hbm>> -> memref<128xi32, #tpu.memory_space<hbm>>
        tpu.wait_dma2 semaphore(%arg17 : memref<!tpu.dma_semaphore, #tpu.memory_space<semaphore_mem>>) src(%dma_wait3A_70 : memref<128xi32, #tpu.memory_space<hbm>>) dst(%arg10 : memref<128xi32, #tpu.memory_space<vmem>>)
        %dma_wait3A_71 = arith.constant 0 : i32
        %dma_wait3A_72 = tpu.memref_slice %arg6[%arg1, %add3A_47, %dma_wait3A_71] : memref<16x40x128xi32, #tpu.memory_space<hbm>> -> memref<1x1x128xi32, #tpu.memory_space<hbm>>
        %dma_wait3A_73 = tpu.memref_squeeze %dma_wait3A_72 : memref<1x1x128xi32, #tpu.memory_space<hbm>> -> memref<128xi32, #tpu.memory_space<hbm>>
        %dma_wait3A_74 = arith.constant 0 : i32
        %dma_wait3A_75 = tpu.memref_slice %arg6[%arg1, %add3A_47, %dma_wait3A_74] : memref<16x40x128xi32, #tpu.memory_space<hbm>> -> memref<1x1x128xi32, #tpu.memory_space<hbm>>
        %dma_wait3A_76 = tpu.memref_squeeze %dma_wait3A_75 : memref<1x1x128xi32, #tpu.memory_space<hbm>> -> memref<128xi32, #tpu.memory_space<hbm>>
        tpu.wait_dma2 semaphore(%arg17 : memref<!tpu.dma_semaphore, #tpu.memory_space<semaphore_mem>>) src(%dma_wait3A_76 : memref<128xi32, #tpu.memory_space<hbm>>) dst(%arg12 : memref<128xi32, #tpu.memory_space<vmem>>)
        %dma_start3A_77 = arith.constant 0 : i32
        %dma_start3A_78 = arith.constant 0 : i32
        %dma_start3A_79 = tpu.memref_slice %arg2[%dma_start3A_77, %dma_start3A_78] : memref<10240x128xf32, #tpu.memory_space<hbm>> -> memref<10240x128xf32, #tpu.memory_space<hbm>>
        tpu.enqueue_indirect_dma source(%dma_start3A_79 : memref<10240x128xf32, #tpu.memory_space<hbm>>) target(%arg13 : memref<128x128xf32, #tpu.memory_space<vmem>>) offsets(%arg9 : memref<128xi32, #tpu.memory_space<vmem>>) semaphore(%arg18 : memref<!tpu.dma_semaphore, #tpu.memory_space<semaphore_mem>>)
        %dma_start3A_80 = arith.constant 0 : i32
        %dma_start3A_81 = arith.constant 0 : i32
        %dma_start3A_82 = tpu.memref_slice %arg2[%dma_start3A_80, %dma_start3A_81] : memref<10240x128xf32, #tpu.memory_space<hbm>> -> memref<10240x128xf32, #tpu.memory_space<hbm>>
        tpu.enqueue_indirect_dma source(%dma_start3A_82 : memref<10240x128xf32, #tpu.memory_space<hbm>>) target(%arg14 : memref<128x128xf32, #tpu.memory_space<vmem>>) offsets(%arg10 : memref<128xi32, #tpu.memory_space<vmem>>) semaphore(%arg19 : memref<!tpu.dma_semaphore, #tpu.memory_space<semaphore_mem>>)
        %dma_wait3A_83 = arith.constant 0 : i32
        %dma_wait3A_84 = arith.constant 0 : i32
        %dma_wait3A_85 = tpu.memref_slice %arg2[%dma_wait3A_83, %dma_wait3A_84] : memref<10240x128xf32, #tpu.memory_space<hbm>> -> memref<10240x128xf32, #tpu.memory_space<hbm>>
        tpu.wait_indirect_dma semaphore(%arg18 : memref<!tpu.dma_semaphore, #tpu.memory_space<semaphore_mem>>) src(%dma_wait3A_85 : memref<10240x128xf32, #tpu.memory_space<hbm>>) dst(%arg13 : memref<128x128xf32, #tpu.memory_space<vmem>>)
        %dma_start3A_86 = arith.constant 0 : i32
        %dma_start3A_87 = arith.constant 0 : i32
        %dma_start3A_88 = tpu.memref_slice %arg15[%dma_start3A_86, %dma_start3A_87] : memref<10240x128xf32, #tpu.memory_space<vmem_shared>> -> memref<10240x128xf32, #tpu.memory_space<vmem_shared>>
        tpu.enqueue_indirect_dma source(%arg13 : memref<128x128xf32, #tpu.memory_space<vmem>>) target(%dma_start3A_88 : memref<10240x128xf32, #tpu.memory_space<vmem_shared>>) offsets(%arg11 : memref<128xi32, #tpu.memory_space<vmem>>) semaphore(%arg20 : memref<!tpu.dma_semaphore, #tpu.memory_space<semaphore_mem>>) {add = true}
        %dma_wait3A_89 = arith.constant 0 : i32
        %dma_wait3A_90 = arith.constant 0 : i32
        %dma_wait3A_91 = tpu.memref_slice %arg2[%dma_wait3A_89, %dma_wait3A_90] : memref<10240x128xf32, #tpu.memory_space<hbm>> -> memref<10240x128xf32, #tpu.memory_space<hbm>>
        tpu.wait_indirect_dma semaphore(%arg19 : memref<!tpu.dma_semaphore, #tpu.memory_space<semaphore_mem>>) src(%dma_wait3A_91 : memref<10240x128xf32, #tpu.memory_space<hbm>>) dst(%arg14 : memref<128x128xf32, #tpu.memory_space<vmem>>)
        %dma_start3A_92 = arith.constant 0 : i32
        %dma_start3A_93 = arith.constant 0 : i32
        %dma_start3A_94 = tpu.memref_slice %arg15[%dma_start3A_92, %dma_start3A_93] : memref<10240x128xf32, #tpu.memory_space<vmem_shared>> -> memref<10240x128xf32, #tpu.memory_space<vmem_shared>>
        tpu.enqueue_indirect_dma source(%arg14 : memref<128x128xf32, #tpu.memory_space<vmem>>) target(%dma_start3A_94 : memref<10240x128xf32, #tpu.memory_space<vmem_shared>>) offsets(%arg12 : memref<128xi32, #tpu.memory_space<vmem>>) semaphore(%arg21 : memref<!tpu.dma_semaphore, #tpu.memory_space<semaphore_mem>>) {add = true}
        %dma_wait3A_95 = arith.constant 0 : i32
        %dma_wait3A_96 = arith.constant 0 : i32
        %dma_wait3A_97 = tpu.memref_slice %arg15[%dma_wait3A_95, %dma_wait3A_96] : memref<10240x128xf32, #tpu.memory_space<vmem_shared>> -> memref<10240x128xf32, #tpu.memory_space<vmem_shared>>
        tpu.wait_indirect_dma semaphore(%arg20 : memref<!tpu.dma_semaphore, #tpu.memory_space<semaphore_mem>>) src(%arg13 : memref<128x128xf32, #tpu.memory_space<vmem>>) dst(%dma_wait3A_97 : memref<10240x128xf32, #tpu.memory_space<vmem_shared>>)
        %dma_wait3A_98 = arith.constant 0 : i32
        %dma_wait3A_99 = arith.constant 0 : i32
        %dma_wait3A_100 = tpu.memref_slice %arg15[%dma_wait3A_98, %dma_wait3A_99] : memref<10240x128xf32, #tpu.memory_space<vmem_shared>> -> memref<10240x128xf32, #tpu.memory_space<vmem_shared>>
        tpu.wait_indirect_dma semaphore(%arg21 : memref<!tpu.dma_semaphore, #tpu.memory_space<semaphore_mem>>) src(%arg14 : memref<128x128xf32, #tpu.memory_space<vmem>>) dst(%dma_wait3A_100 : memref<10240x128xf32, #tpu.memory_space<vmem_shared>>)
      }
      %scan3A_18 = arith.constant 20 : i32
    } else {
    }
    %barrier3A_10 = arith.constant 0 : index
    tpu.barrier barrier_id(%barrier3A_10)
    %mul3A_11 = arith.constant 640 : i32
    %mul3A_12 = arith.muli %arg1, %mul3A_11 : i32
    %mul3A_13 = arith.constant 640 : i32
    %mul3A_14 = arith.muli %arg1, %mul3A_13 : i32
    "tpu.region"() ({
      %run_scoped3A = tpu.sem_alloc : memref<!tpu.dma_semaphore, #tpu.memory_space<semaphore_mem>>
      %dma_start3A = arith.constant 0 : i32
      %dma_start3A_15 = arith.constant 0 : i32
      %dma_start3A_16 = tpu.memref_slice %arg8[%arg0, %dma_start3A, %dma_start3A_15] : memref<2x10240x128xf32, #tpu.memory_space<hbm>> -> memref<1x10240x128xf32, #tpu.memory_space<hbm>>
      %dma_start3A_17 = tpu.memref_squeeze %dma_start3A_16 : memref<1x10240x128xf32, #tpu.memory_space<hbm>> -> memref<10240x128xf32, #tpu.memory_space<hbm>>
      %dma_start3A_18 = arith.constant 0 : i32
      %dma_start3A_19 = tpu.memref_slice %dma_start3A_17[%mul3A_14, %dma_start3A_18] : memref<10240x128xf32, #tpu.memory_space<hbm>> -> memref<640x128xf32, #tpu.memory_space<hbm>>
      %dma_start3A_20 = arith.constant 0 : i32
      %dma_start3A_21 = tpu.memref_slice %arg15[%mul3A_12, %dma_start3A_20] : memref<10240x128xf32, #tpu.memory_space<vmem_shared>> -> memref<640x128xf32, #tpu.memory_space<vmem_shared>>
      tpu.enqueue_dma source(%dma_start3A_21 : memref<640x128xf32, #tpu.memory_space<vmem_shared>>) target(%dma_start3A_19 : memref<640x128xf32, #tpu.memory_space<hbm>>) target_semaphore(%run_scoped3A : memref<!tpu.dma_semaphore, #tpu.memory_space<semaphore_mem>>)
      %dma_wait3A = arith.constant 0 : i32
      %dma_wait3A_22 = arith.constant 0 : i32
      %dma_wait3A_23 = tpu.memref_slice %arg8[%arg0, %dma_wait3A, %dma_wait3A_22] : memref<2x10240x128xf32, #tpu.memory_space<hbm>> -> memref<1x10240x128xf32, #tpu.memory_space<hbm>>
      %dma_wait3A_24 = tpu.memref_squeeze %dma_wait3A_23 : memref<1x10240x128xf32, #tpu.memory_space<hbm>> -> memref<10240x128xf32, #tpu.memory_space<hbm>>
      %dma_wait3A_25 = arith.constant 0 : i32
      %dma_wait3A_26 = tpu.memref_slice %dma_wait3A_24[%mul3A_14, %dma_wait3A_25] : memref<10240x128xf32, #tpu.memory_space<hbm>> -> memref<640x128xf32, #tpu.memory_space<hbm>>
      %dma_wait3A_27 = arith.constant 0 : i32
      %dma_wait3A_28 = tpu.memref_slice %arg15[%mul3A_12, %dma_wait3A_27] : memref<10240x128xf32, #tpu.memory_space<vmem_shared>> -> memref<640x128xf32, #tpu.memory_space<vmem_shared>>
      tpu.wait_dma2 semaphore(%run_scoped3A : memref<!tpu.dma_semaphore, #tpu.memory_space<semaphore_mem>>) src(%dma_wait3A_28 : memref<640x128xf32, #tpu.memory_space<vmem_shared>>) dst(%dma_wait3A_26 : memref<640x128xf32, #tpu.memory_space<hbm>>)
      tpu.yield
    }) : () -> ()
    return
  }
}

#map = affine_map<(d0, d1) -> (0, 0)>
#map1 = affine_map<(d0, d1) -> (0, 0, 0)>
module attributes {stable_mosaic.version = 14 : i64} {
  func.func @agg_kernel(%arg0: i32, %arg1: i32, %arg2: memref<10240x128xf32, #tpu.memory_space<hbm>>, %arg3: memref<16x120x128xi32, #tpu.memory_space<hbm>>, %arg4: memref<16x120x128xi32, #tpu.memory_space<hbm>>, %arg5: memref<16x40x128xi32, #tpu.memory_space<hbm>>, %arg6: memref<16x40x128xi32, #tpu.memory_space<hbm>>, %arg7: memref<10240x128xf32, #tpu.memory_space<hbm>>, %arg8: memref<2x10240x128xf32, #tpu.memory_space<hbm>>, %arg9: memref<128xi32, #tpu.memory_space<vmem>>, %arg10: memref<128xi32, #tpu.memory_space<vmem>>, %arg11: memref<128xi32, #tpu.memory_space<vmem>>, %arg12: memref<128xi32, #tpu.memory_space<vmem>>, %arg13: memref<128x128xf32, #tpu.memory_space<vmem>>, %arg14: memref<128x128xf32, #tpu.memory_space<vmem>>, %arg15: memref<10240x128xf32, #tpu.memory_space<vmem_shared>>, %arg16: memref<!tpu.dma_semaphore, #tpu.memory_space<semaphore_mem>>, %arg17: memref<!tpu.dma_semaphore, #tpu.memory_space<semaphore_mem>>, %arg18: memref<!tpu.dma_semaphore, #tpu.memory_space<semaphore_mem>>, %arg19: memref<!tpu.dma_semaphore, #tpu.memory_space<semaphore_mem>>, %arg20: memref<!tpu.dma_semaphore, #tpu.memory_space<semaphore_mem>>, %arg21: memref<!tpu.dma_semaphore, #tpu.memory_space<semaphore_mem>>) attributes {dimension_semantics = [#tpu.dimension_semantics<core_parallel>, #tpu.dimension_semantics<subcore_parallel>], iteration_bounds = array<i64: 2, 16>, scalar_prefetch = 0 : i64, scratch_operands = 13 : i64, tpu.core_type = #tpu.core_type<sc_vector_subcore>, window_params = [{transform_indices = #map}, {transform_indices = #map1}, {transform_indices = #map1}, {transform_indices = #map1}, {transform_indices = #map1}, {transform_indices = #map}, {transform_indices = #map1}]} {
    %mul3A = arith.constant 640 : i32
    %mul3A_0 = arith.muli %arg1, %mul3A : i32
    %mul3A_1 = arith.constant 640 : i32
    %mul3A_2 = arith.muli %arg1, %mul3A_1 : i32
    "tpu.region"() ({
      %run_scoped3A = tpu.sem_alloc : memref<!tpu.dma_semaphore, #tpu.memory_space<semaphore_mem>>
      %dma_start3A = arith.constant 0 : i32
      %dma_start3A_15 = tpu.memref_slice %arg15[%mul3A_2, %dma_start3A] : memref<10240x128xf32, #tpu.memory_space<vmem_shared>> -> memref<640x128xf32, #tpu.memory_space<vmem_shared>>
      %dma_start3A_16 = arith.constant 0 : i32
      %dma_start3A_17 = tpu.memref_slice %arg7[%mul3A_0, %dma_start3A_16] : memref<10240x128xf32, #tpu.memory_space<hbm>> -> memref<640x128xf32, #tpu.memory_space<hbm>>
      tpu.enqueue_dma source(%dma_start3A_17 : memref<640x128xf32, #tpu.memory_space<hbm>>) target(%dma_start3A_15 : memref<640x128xf32, #tpu.memory_space<vmem_shared>>) target_semaphore(%run_scoped3A : memref<!tpu.dma_semaphore, #tpu.memory_space<semaphore_mem>>)
      %dma_wait3A = arith.constant 0 : i32
      %dma_wait3A_18 = tpu.memref_slice %arg15[%mul3A_2, %dma_wait3A] : memref<10240x128xf32, #tpu.memory_space<vmem_shared>> -> memref<640x128xf32, #tpu.memory_space<vmem_shared>>
      %dma_wait3A_19 = arith.constant 0 : i32
      %dma_wait3A_20 = tpu.memref_slice %arg7[%mul3A_0, %dma_wait3A_19] : memref<10240x128xf32, #tpu.memory_space<hbm>> -> memref<640x128xf32, #tpu.memory_space<hbm>>
      tpu.wait_dma2 semaphore(%run_scoped3A : memref<!tpu.dma_semaphore, #tpu.memory_space<semaphore_mem>>) src(%dma_wait3A_20 : memref<640x128xf32, #tpu.memory_space<hbm>>) dst(%dma_wait3A_18 : memref<640x128xf32, #tpu.memory_space<vmem_shared>>)
      tpu.yield
    }) : () -> ()
    %barrier3A = arith.constant 0 : index
    tpu.barrier barrier_id(%barrier3A)
    %eq3A = arith.constant 0 : i32
    %eq3A_3 = arith.cmpi eq, %arg0, %eq3A : i32
    %convert_element_type3A = arith.extui %eq3A_3 : i1 to i32
    %cond3A = arith.constant 0 : i32
    %cond3A_4 = arith.cmpi ne, %convert_element_type3A, %cond3A : i32
    scf.if %cond3A_4 {
      %scan3A = arith.constant 0 : i32
      %scan3A_15 = arith.constant 60 : i32
      %scan3A_16 = arith.addi %scan3A, %scan3A_15 : i32
      %scan3A_17 = arith.constant 1 : i32
      scf.for %scan3A_19 = %scan3A to %scan3A_16 step %scan3A_17  : i32 {
        %mul3A_20 = arith.constant 2 : i32
        %mul3A_21 = arith.muli %scan3A_19, %mul3A_20 : i32
        %add3A = arith.constant 0 : i32
        %add3A_22 = arith.addi %add3A, %mul3A_21 : i32
        %add3A_23 = arith.constant 0 : i32
        %add3A_24 = arith.addi %add3A_22, %add3A_23 : i32
        %dma_start3A = arith.constant 0 : i32
        %dma_start3A_25 = tpu.memref_slice %arg3[%arg1, %add3A_24, %dma_start3A] : memref<16x120x128xi32, #tpu.memory_space<hbm>> -> memref<1x1x128xi32, #tpu.memory_space<hbm>>
        %dma_start3A_26 = tpu.memref_squeeze %dma_start3A_25 : memref<1x1x128xi32, #tpu.memory_space<hbm>> -> memref<128xi32, #tpu.memory_space<hbm>>
        %dma_start3A_27 = arith.constant 0 : i32
        %dma_start3A_28 = tpu.memref_slice %arg3[%arg1, %add3A_24, %dma_start3A_27] : memref<16x120x128xi32, #tpu.memory_space<hbm>> -> memref<1x1x128xi32, #tpu.memory_space<hbm>>
        %dma_start3A_29 = tpu.memref_squeeze %dma_start3A_28 : memref<1x1x128xi32, #tpu.memory_space<hbm>> -> memref<128xi32, #tpu.memory_space<hbm>>
        tpu.enqueue_dma source(%dma_start3A_29 : memref<128xi32, #tpu.memory_space<hbm>>) target(%arg9 : memref<128xi32, #tpu.memory_space<vmem>>) target_semaphore(%arg16 : memref<!tpu.dma_semaphore, #tpu.memory_space<semaphore_mem>>)
        %add3A_30 = arith.constant 0 : i32
        %add3A_31 = arith.addi %add3A_22, %add3A_30 : i32
        %dma_start3A_32 = arith.constant 0 : i32
        %dma_start3A_33 = tpu.memref_slice %arg4[%arg1, %add3A_31, %dma_start3A_32] : memref<16x120x128xi32, #tpu.memory_space<hbm>> -> memref<1x1x128xi32, #tpu.memory_space<hbm>>
        %dma_start3A_34 = tpu.memref_squeeze %dma_start3A_33 : memref<1x1x128xi32, #tpu.memory_space<hbm>> -> memref<128xi32, #tpu.memory_space<hbm>>
        %dma_start3A_35 = arith.constant 0 : i32
        %dma_start3A_36 = tpu.memref_slice %arg4[%arg1, %add3A_31, %dma_start3A_35] : memref<16x120x128xi32, #tpu.memory_space<hbm>> -> memref<1x1x128xi32, #tpu.memory_space<hbm>>
        %dma_start3A_37 = tpu.memref_squeeze %dma_start3A_36 : memref<1x1x128xi32, #tpu.memory_space<hbm>> -> memref<128xi32, #tpu.memory_space<hbm>>
        tpu.enqueue_dma source(%dma_start3A_37 : memref<128xi32, #tpu.memory_space<hbm>>) target(%arg11 : memref<128xi32, #tpu.memory_space<vmem>>) target_semaphore(%arg16 : memref<!tpu.dma_semaphore, #tpu.memory_space<semaphore_mem>>)
        %add3A_38 = arith.constant 1 : i32
        %add3A_39 = arith.addi %add3A_22, %add3A_38 : i32
        %dma_start3A_40 = arith.constant 0 : i32
        %dma_start3A_41 = tpu.memref_slice %arg3[%arg1, %add3A_39, %dma_start3A_40] : memref<16x120x128xi32, #tpu.memory_space<hbm>> -> memref<1x1x128xi32, #tpu.memory_space<hbm>>
        %dma_start3A_42 = tpu.memref_squeeze %dma_start3A_41 : memref<1x1x128xi32, #tpu.memory_space<hbm>> -> memref<128xi32, #tpu.memory_space<hbm>>
        %dma_start3A_43 = arith.constant 0 : i32
        %dma_start3A_44 = tpu.memref_slice %arg3[%arg1, %add3A_39, %dma_start3A_43] : memref<16x120x128xi32, #tpu.memory_space<hbm>> -> memref<1x1x128xi32, #tpu.memory_space<hbm>>
        %dma_start3A_45 = tpu.memref_squeeze %dma_start3A_44 : memref<1x1x128xi32, #tpu.memory_space<hbm>> -> memref<128xi32, #tpu.memory_space<hbm>>
        tpu.enqueue_dma source(%dma_start3A_45 : memref<128xi32, #tpu.memory_space<hbm>>) target(%arg10 : memref<128xi32, #tpu.memory_space<vmem>>) target_semaphore(%arg17 : memref<!tpu.dma_semaphore, #tpu.memory_space<semaphore_mem>>)
        %add3A_46 = arith.constant 1 : i32
        %add3A_47 = arith.addi %add3A_22, %add3A_46 : i32
        %dma_start3A_48 = arith.constant 0 : i32
        %dma_start3A_49 = tpu.memref_slice %arg4[%arg1, %add3A_47, %dma_start3A_48] : memref<16x120x128xi32, #tpu.memory_space<hbm>> -> memref<1x1x128xi32, #tpu.memory_space<hbm>>
        %dma_start3A_50 = tpu.memref_squeeze %dma_start3A_49 : memref<1x1x128xi32, #tpu.memory_space<hbm>> -> memref<128xi32, #tpu.memory_space<hbm>>
        %dma_start3A_51 = arith.constant 0 : i32
        %dma_start3A_52 = tpu.memref_slice %arg4[%arg1, %add3A_47, %dma_start3A_51] : memref<16x120x128xi32, #tpu.memory_space<hbm>> -> memref<1x1x128xi32, #tpu.memory_space<hbm>>
        %dma_start3A_53 = tpu.memref_squeeze %dma_start3A_52 : memref<1x1x128xi32, #tpu.memory_space<hbm>> -> memref<128xi32, #tpu.memory_space<hbm>>
        tpu.enqueue_dma source(%dma_start3A_53 : memref<128xi32, #tpu.memory_space<hbm>>) target(%arg12 : memref<128xi32, #tpu.memory_space<vmem>>) target_semaphore(%arg17 : memref<!tpu.dma_semaphore, #tpu.memory_space<semaphore_mem>>)
        %dma_wait3A = arith.constant 0 : i32
        %dma_wait3A_54 = tpu.memref_slice %arg3[%arg1, %add3A_24, %dma_wait3A] : memref<16x120x128xi32, #tpu.memory_space<hbm>> -> memref<1x1x128xi32, #tpu.memory_space<hbm>>
        %dma_wait3A_55 = tpu.memref_squeeze %dma_wait3A_54 : memref<1x1x128xi32, #tpu.memory_space<hbm>> -> memref<128xi32, #tpu.memory_space<hbm>>
        %dma_wait3A_56 = arith.constant 0 : i32
        %dma_wait3A_57 = tpu.memref_slice %arg3[%arg1, %add3A_24, %dma_wait3A_56] : memref<16x120x128xi32, #tpu.memory_space<hbm>> -> memref<1x1x128xi32, #tpu.memory_space<hbm>>
        %dma_wait3A_58 = tpu.memref_squeeze %dma_wait3A_57 : memref<1x1x128xi32, #tpu.memory_space<hbm>> -> memref<128xi32, #tpu.memory_space<hbm>>
        tpu.wait_dma2 semaphore(%arg16 : memref<!tpu.dma_semaphore, #tpu.memory_space<semaphore_mem>>) src(%dma_wait3A_58 : memref<128xi32, #tpu.memory_space<hbm>>) dst(%arg9 : memref<128xi32, #tpu.memory_space<vmem>>)
        %dma_wait3A_59 = arith.constant 0 : i32
        %dma_wait3A_60 = tpu.memref_slice %arg4[%arg1, %add3A_31, %dma_wait3A_59] : memref<16x120x128xi32, #tpu.memory_space<hbm>> -> memref<1x1x128xi32, #tpu.memory_space<hbm>>
        %dma_wait3A_61 = tpu.memref_squeeze %dma_wait3A_60 : memref<1x1x128xi32, #tpu.memory_space<hbm>> -> memref<128xi32, #tpu.memory_space<hbm>>
        %dma_wait3A_62 = arith.constant 0 : i32
        %dma_wait3A_63 = tpu.memref_slice %arg4[%arg1, %add3A_31, %dma_wait3A_62] : memref<16x120x128xi32, #tpu.memory_space<hbm>> -> memref<1x1x128xi32, #tpu.memory_space<hbm>>
        %dma_wait3A_64 = tpu.memref_squeeze %dma_wait3A_63 : memref<1x1x128xi32, #tpu.memory_space<hbm>> -> memref<128xi32, #tpu.memory_space<hbm>>
        tpu.wait_dma2 semaphore(%arg16 : memref<!tpu.dma_semaphore, #tpu.memory_space<semaphore_mem>>) src(%dma_wait3A_64 : memref<128xi32, #tpu.memory_space<hbm>>) dst(%arg11 : memref<128xi32, #tpu.memory_space<vmem>>)
        %dma_wait3A_65 = arith.constant 0 : i32
        %dma_wait3A_66 = tpu.memref_slice %arg3[%arg1, %add3A_39, %dma_wait3A_65] : memref<16x120x128xi32, #tpu.memory_space<hbm>> -> memref<1x1x128xi32, #tpu.memory_space<hbm>>
        %dma_wait3A_67 = tpu.memref_squeeze %dma_wait3A_66 : memref<1x1x128xi32, #tpu.memory_space<hbm>> -> memref<128xi32, #tpu.memory_space<hbm>>
        %dma_wait3A_68 = arith.constant 0 : i32
        %dma_wait3A_69 = tpu.memref_slice %arg3[%arg1, %add3A_39, %dma_wait3A_68] : memref<16x120x128xi32, #tpu.memory_space<hbm>> -> memref<1x1x128xi32, #tpu.memory_space<hbm>>
        %dma_wait3A_70 = tpu.memref_squeeze %dma_wait3A_69 : memref<1x1x128xi32, #tpu.memory_space<hbm>> -> memref<128xi32, #tpu.memory_space<hbm>>
        tpu.wait_dma2 semaphore(%arg17 : memref<!tpu.dma_semaphore, #tpu.memory_space<semaphore_mem>>) src(%dma_wait3A_70 : memref<128xi32, #tpu.memory_space<hbm>>) dst(%arg10 : memref<128xi32, #tpu.memory_space<vmem>>)
        %dma_wait3A_71 = arith.constant 0 : i32
        %dma_wait3A_72 = tpu.memref_slice %arg4[%arg1, %add3A_47, %dma_wait3A_71] : memref<16x120x128xi32, #tpu.memory_space<hbm>> -> memref<1x1x128xi32, #tpu.memory_space<hbm>>
        %dma_wait3A_73 = tpu.memref_squeeze %dma_wait3A_72 : memref<1x1x128xi32, #tpu.memory_space<hbm>> -> memref<128xi32, #tpu.memory_space<hbm>>
        %dma_wait3A_74 = arith.constant 0 : i32
        %dma_wait3A_75 = tpu.memref_slice %arg4[%arg1, %add3A_47, %dma_wait3A_74] : memref<16x120x128xi32, #tpu.memory_space<hbm>> -> memref<1x1x128xi32, #tpu.memory_space<hbm>>
        %dma_wait3A_76 = tpu.memref_squeeze %dma_wait3A_75 : memref<1x1x128xi32, #tpu.memory_space<hbm>> -> memref<128xi32, #tpu.memory_space<hbm>>
        tpu.wait_dma2 semaphore(%arg17 : memref<!tpu.dma_semaphore, #tpu.memory_space<semaphore_mem>>) src(%dma_wait3A_76 : memref<128xi32, #tpu.memory_space<hbm>>) dst(%arg12 : memref<128xi32, #tpu.memory_space<vmem>>)
        %dma_start3A_77 = arith.constant 0 : i32
        %dma_start3A_78 = arith.constant 0 : i32
        %dma_start3A_79 = tpu.memref_slice %arg2[%dma_start3A_77, %dma_start3A_78] : memref<10240x128xf32, #tpu.memory_space<hbm>> -> memref<10240x128xf32, #tpu.memory_space<hbm>>
        tpu.enqueue_indirect_dma source(%dma_start3A_79 : memref<10240x128xf32, #tpu.memory_space<hbm>>) target(%arg13 : memref<128x128xf32, #tpu.memory_space<vmem>>) offsets(%arg9 : memref<128xi32, #tpu.memory_space<vmem>>) semaphore(%arg18 : memref<!tpu.dma_semaphore, #tpu.memory_space<semaphore_mem>>)
        %dma_start3A_80 = arith.constant 0 : i32
        %dma_start3A_81 = arith.constant 0 : i32
        %dma_start3A_82 = tpu.memref_slice %arg2[%dma_start3A_80, %dma_start3A_81] : memref<10240x128xf32, #tpu.memory_space<hbm>> -> memref<10240x128xf32, #tpu.memory_space<hbm>>
        tpu.enqueue_indirect_dma source(%dma_start3A_82 : memref<10240x128xf32, #tpu.memory_space<hbm>>) target(%arg14 : memref<128x128xf32, #tpu.memory_space<vmem>>) offsets(%arg10 : memref<128xi32, #tpu.memory_space<vmem>>) semaphore(%arg19 : memref<!tpu.dma_semaphore, #tpu.memory_space<semaphore_mem>>)
        %dma_wait3A_83 = arith.constant 0 : i32
        %dma_wait3A_84 = arith.constant 0 : i32
        %dma_wait3A_85 = tpu.memref_slice %arg2[%dma_wait3A_83, %dma_wait3A_84] : memref<10240x128xf32, #tpu.memory_space<hbm>> -> memref<10240x128xf32, #tpu.memory_space<hbm>>
        tpu.wait_indirect_dma semaphore(%arg18 : memref<!tpu.dma_semaphore, #tpu.memory_space<semaphore_mem>>) src(%dma_wait3A_85 : memref<10240x128xf32, #tpu.memory_space<hbm>>) dst(%arg13 : memref<128x128xf32, #tpu.memory_space<vmem>>)
        %dma_start3A_86 = arith.constant 0 : i32
        %dma_start3A_87 = arith.constant 0 : i32
        %dma_start3A_88 = tpu.memref_slice %arg15[%dma_start3A_86, %dma_start3A_87] : memref<10240x128xf32, #tpu.memory_space<vmem_shared>> -> memref<10240x128xf32, #tpu.memory_space<vmem_shared>>
        tpu.enqueue_indirect_dma source(%arg13 : memref<128x128xf32, #tpu.memory_space<vmem>>) target(%dma_start3A_88 : memref<10240x128xf32, #tpu.memory_space<vmem_shared>>) offsets(%arg11 : memref<128xi32, #tpu.memory_space<vmem>>) semaphore(%arg20 : memref<!tpu.dma_semaphore, #tpu.memory_space<semaphore_mem>>) {add = true}
        %dma_wait3A_89 = arith.constant 0 : i32
        %dma_wait3A_90 = arith.constant 0 : i32
        %dma_wait3A_91 = tpu.memref_slice %arg2[%dma_wait3A_89, %dma_wait3A_90] : memref<10240x128xf32, #tpu.memory_space<hbm>> -> memref<10240x128xf32, #tpu.memory_space<hbm>>
        tpu.wait_indirect_dma semaphore(%arg19 : memref<!tpu.dma_semaphore, #tpu.memory_space<semaphore_mem>>) src(%dma_wait3A_91 : memref<10240x128xf32, #tpu.memory_space<hbm>>) dst(%arg14 : memref<128x128xf32, #tpu.memory_space<vmem>>)
        %dma_start3A_92 = arith.constant 0 : i32
        %dma_start3A_93 = arith.constant 0 : i32
        %dma_start3A_94 = tpu.memref_slice %arg15[%dma_start3A_92, %dma_start3A_93] : memref<10240x128xf32, #tpu.memory_space<vmem_shared>> -> memref<10240x128xf32, #tpu.memory_space<vmem_shared>>
        tpu.enqueue_indirect_dma source(%arg14 : memref<128x128xf32, #tpu.memory_space<vmem>>) target(%dma_start3A_94 : memref<10240x128xf32, #tpu.memory_space<vmem_shared>>) offsets(%arg12 : memref<128xi32, #tpu.memory_space<vmem>>) semaphore(%arg21 : memref<!tpu.dma_semaphore, #tpu.memory_space<semaphore_mem>>) {add = true}
        %dma_wait3A_95 = arith.constant 0 : i32
        %dma_wait3A_96 = arith.constant 0 : i32
        %dma_wait3A_97 = tpu.memref_slice %arg15[%dma_wait3A_95, %dma_wait3A_96] : memref<10240x128xf32, #tpu.memory_space<vmem_shared>> -> memref<10240x128xf32, #tpu.memory_space<vmem_shared>>
        tpu.wait_indirect_dma semaphore(%arg20 : memref<!tpu.dma_semaphore, #tpu.memory_space<semaphore_mem>>) src(%arg13 : memref<128x128xf32, #tpu.memory_space<vmem>>) dst(%dma_wait3A_97 : memref<10240x128xf32, #tpu.memory_space<vmem_shared>>)
        %dma_wait3A_98 = arith.constant 0 : i32
        %dma_wait3A_99 = arith.constant 0 : i32
        %dma_wait3A_100 = tpu.memref_slice %arg15[%dma_wait3A_98, %dma_wait3A_99] : memref<10240x128xf32, #tpu.memory_space<vmem_shared>> -> memref<10240x128xf32, #tpu.memory_space<vmem_shared>>
        tpu.wait_indirect_dma semaphore(%arg21 : memref<!tpu.dma_semaphore, #tpu.memory_space<semaphore_mem>>) src(%arg14 : memref<128x128xf32, #tpu.memory_space<vmem>>) dst(%dma_wait3A_100 : memref<10240x128xf32, #tpu.memory_space<vmem_shared>>)
      }
      %scan3A_18 = arith.constant 60 : i32
    } else {
    }
    %eq3A_5 = arith.constant 1 : i32
    %eq3A_6 = arith.cmpi eq, %arg0, %eq3A_5 : i32
    %convert_element_type3A_7 = arith.extui %eq3A_6 : i1 to i32
    %cond3A_8 = arith.constant 0 : i32
    %cond3A_9 = arith.cmpi ne, %convert_element_type3A_7, %cond3A_8 : i32
    scf.if %cond3A_9 {
      %scan3A = arith.constant 0 : i32
      %scan3A_15 = arith.constant 20 : i32
      %scan3A_16 = arith.addi %scan3A, %scan3A_15 : i32
      %scan3A_17 = arith.constant 1 : i32
      scf.for %scan3A_19 = %scan3A to %scan3A_16 step %scan3A_17  : i32 {
        %mul3A_20 = arith.constant 2 : i32
        %mul3A_21 = arith.muli %scan3A_19, %mul3A_20 : i32
        %add3A = arith.constant 0 : i32
        %add3A_22 = arith.addi %add3A, %mul3A_21 : i32
        %add3A_23 = arith.constant 0 : i32
        %add3A_24 = arith.addi %add3A_22, %add3A_23 : i32
        %dma_start3A = arith.constant 0 : i32
        %dma_start3A_25 = tpu.memref_slice %arg5[%arg1, %add3A_24, %dma_start3A] : memref<16x40x128xi32, #tpu.memory_space<hbm>> -> memref<1x1x128xi32, #tpu.memory_space<hbm>>
        %dma_start3A_26 = tpu.memref_squeeze %dma_start3A_25 : memref<1x1x128xi32, #tpu.memory_space<hbm>> -> memref<128xi32, #tpu.memory_space<hbm>>
        %dma_start3A_27 = arith.constant 0 : i32
        %dma_start3A_28 = tpu.memref_slice %arg5[%arg1, %add3A_24, %dma_start3A_27] : memref<16x40x128xi32, #tpu.memory_space<hbm>> -> memref<1x1x128xi32, #tpu.memory_space<hbm>>
        %dma_start3A_29 = tpu.memref_squeeze %dma_start3A_28 : memref<1x1x128xi32, #tpu.memory_space<hbm>> -> memref<128xi32, #tpu.memory_space<hbm>>
        tpu.enqueue_dma source(%dma_start3A_29 : memref<128xi32, #tpu.memory_space<hbm>>) target(%arg9 : memref<128xi32, #tpu.memory_space<vmem>>) target_semaphore(%arg16 : memref<!tpu.dma_semaphore, #tpu.memory_space<semaphore_mem>>)
        %add3A_30 = arith.constant 0 : i32
        %add3A_31 = arith.addi %add3A_22, %add3A_30 : i32
        %dma_start3A_32 = arith.constant 0 : i32
        %dma_start3A_33 = tpu.memref_slice %arg6[%arg1, %add3A_31, %dma_start3A_32] : memref<16x40x128xi32, #tpu.memory_space<hbm>> -> memref<1x1x128xi32, #tpu.memory_space<hbm>>
        %dma_start3A_34 = tpu.memref_squeeze %dma_start3A_33 : memref<1x1x128xi32, #tpu.memory_space<hbm>> -> memref<128xi32, #tpu.memory_space<hbm>>
        %dma_start3A_35 = arith.constant 0 : i32
        %dma_start3A_36 = tpu.memref_slice %arg6[%arg1, %add3A_31, %dma_start3A_35] : memref<16x40x128xi32, #tpu.memory_space<hbm>> -> memref<1x1x128xi32, #tpu.memory_space<hbm>>
        %dma_start3A_37 = tpu.memref_squeeze %dma_start3A_36 : memref<1x1x128xi32, #tpu.memory_space<hbm>> -> memref<128xi32, #tpu.memory_space<hbm>>
        tpu.enqueue_dma source(%dma_start3A_37 : memref<128xi32, #tpu.memory_space<hbm>>) target(%arg11 : memref<128xi32, #tpu.memory_space<vmem>>) target_semaphore(%arg16 : memref<!tpu.dma_semaphore, #tpu.memory_space<semaphore_mem>>)
        %add3A_38 = arith.constant 1 : i32
        %add3A_39 = arith.addi %add3A_22, %add3A_38 : i32
        %dma_start3A_40 = arith.constant 0 : i32
        %dma_start3A_41 = tpu.memref_slice %arg5[%arg1, %add3A_39, %dma_start3A_40] : memref<16x40x128xi32, #tpu.memory_space<hbm>> -> memref<1x1x128xi32, #tpu.memory_space<hbm>>
        %dma_start3A_42 = tpu.memref_squeeze %dma_start3A_41 : memref<1x1x128xi32, #tpu.memory_space<hbm>> -> memref<128xi32, #tpu.memory_space<hbm>>
        %dma_start3A_43 = arith.constant 0 : i32
        %dma_start3A_44 = tpu.memref_slice %arg5[%arg1, %add3A_39, %dma_start3A_43] : memref<16x40x128xi32, #tpu.memory_space<hbm>> -> memref<1x1x128xi32, #tpu.memory_space<hbm>>
        %dma_start3A_45 = tpu.memref_squeeze %dma_start3A_44 : memref<1x1x128xi32, #tpu.memory_space<hbm>> -> memref<128xi32, #tpu.memory_space<hbm>>
        tpu.enqueue_dma source(%dma_start3A_45 : memref<128xi32, #tpu.memory_space<hbm>>) target(%arg10 : memref<128xi32, #tpu.memory_space<vmem>>) target_semaphore(%arg17 : memref<!tpu.dma_semaphore, #tpu.memory_space<semaphore_mem>>)
        %add3A_46 = arith.constant 1 : i32
        %add3A_47 = arith.addi %add3A_22, %add3A_46 : i32
        %dma_start3A_48 = arith.constant 0 : i32
        %dma_start3A_49 = tpu.memref_slice %arg6[%arg1, %add3A_47, %dma_start3A_48] : memref<16x40x128xi32, #tpu.memory_space<hbm>> -> memref<1x1x128xi32, #tpu.memory_space<hbm>>
        %dma_start3A_50 = tpu.memref_squeeze %dma_start3A_49 : memref<1x1x128xi32, #tpu.memory_space<hbm>> -> memref<128xi32, #tpu.memory_space<hbm>>
        %dma_start3A_51 = arith.constant 0 : i32
        %dma_start3A_52 = tpu.memref_slice %arg6[%arg1, %add3A_47, %dma_start3A_51] : memref<16x40x128xi32, #tpu.memory_space<hbm>> -> memref<1x1x128xi32, #tpu.memory_space<hbm>>
        %dma_start3A_53 = tpu.memref_squeeze %dma_start3A_52 : memref<1x1x128xi32, #tpu.memory_space<hbm>> -> memref<128xi32, #tpu.memory_space<hbm>>
        tpu.enqueue_dma source(%dma_start3A_53 : memref<128xi32, #tpu.memory_space<hbm>>) target(%arg12 : memref<128xi32, #tpu.memory_space<vmem>>) target_semaphore(%arg17 : memref<!tpu.dma_semaphore, #tpu.memory_space<semaphore_mem>>)
        %dma_wait3A = arith.constant 0 : i32
        %dma_wait3A_54 = tpu.memref_slice %arg5[%arg1, %add3A_24, %dma_wait3A] : memref<16x40x128xi32, #tpu.memory_space<hbm>> -> memref<1x1x128xi32, #tpu.memory_space<hbm>>
        %dma_wait3A_55 = tpu.memref_squeeze %dma_wait3A_54 : memref<1x1x128xi32, #tpu.memory_space<hbm>> -> memref<128xi32, #tpu.memory_space<hbm>>
        %dma_wait3A_56 = arith.constant 0 : i32
        %dma_wait3A_57 = tpu.memref_slice %arg5[%arg1, %add3A_24, %dma_wait3A_56] : memref<16x40x128xi32, #tpu.memory_space<hbm>> -> memref<1x1x128xi32, #tpu.memory_space<hbm>>
        %dma_wait3A_58 = tpu.memref_squeeze %dma_wait3A_57 : memref<1x1x128xi32, #tpu.memory_space<hbm>> -> memref<128xi32, #tpu.memory_space<hbm>>
        tpu.wait_dma2 semaphore(%arg16 : memref<!tpu.dma_semaphore, #tpu.memory_space<semaphore_mem>>) src(%dma_wait3A_58 : memref<128xi32, #tpu.memory_space<hbm>>) dst(%arg9 : memref<128xi32, #tpu.memory_space<vmem>>)
        %dma_wait3A_59 = arith.constant 0 : i32
        %dma_wait3A_60 = tpu.memref_slice %arg6[%arg1, %add3A_31, %dma_wait3A_59] : memref<16x40x128xi32, #tpu.memory_space<hbm>> -> memref<1x1x128xi32, #tpu.memory_space<hbm>>
        %dma_wait3A_61 = tpu.memref_squeeze %dma_wait3A_60 : memref<1x1x128xi32, #tpu.memory_space<hbm>> -> memref<128xi32, #tpu.memory_space<hbm>>
        %dma_wait3A_62 = arith.constant 0 : i32
        %dma_wait3A_63 = tpu.memref_slice %arg6[%arg1, %add3A_31, %dma_wait3A_62] : memref<16x40x128xi32, #tpu.memory_space<hbm>> -> memref<1x1x128xi32, #tpu.memory_space<hbm>>
        %dma_wait3A_64 = tpu.memref_squeeze %dma_wait3A_63 : memref<1x1x128xi32, #tpu.memory_space<hbm>> -> memref<128xi32, #tpu.memory_space<hbm>>
        tpu.wait_dma2 semaphore(%arg16 : memref<!tpu.dma_semaphore, #tpu.memory_space<semaphore_mem>>) src(%dma_wait3A_64 : memref<128xi32, #tpu.memory_space<hbm>>) dst(%arg11 : memref<128xi32, #tpu.memory_space<vmem>>)
        %dma_wait3A_65 = arith.constant 0 : i32
        %dma_wait3A_66 = tpu.memref_slice %arg5[%arg1, %add3A_39, %dma_wait3A_65] : memref<16x40x128xi32, #tpu.memory_space<hbm>> -> memref<1x1x128xi32, #tpu.memory_space<hbm>>
        %dma_wait3A_67 = tpu.memref_squeeze %dma_wait3A_66 : memref<1x1x128xi32, #tpu.memory_space<hbm>> -> memref<128xi32, #tpu.memory_space<hbm>>
        %dma_wait3A_68 = arith.constant 0 : i32
        %dma_wait3A_69 = tpu.memref_slice %arg5[%arg1, %add3A_39, %dma_wait3A_68] : memref<16x40x128xi32, #tpu.memory_space<hbm>> -> memref<1x1x128xi32, #tpu.memory_space<hbm>>
        %dma_wait3A_70 = tpu.memref_squeeze %dma_wait3A_69 : memref<1x1x128xi32, #tpu.memory_space<hbm>> -> memref<128xi32, #tpu.memory_space<hbm>>
        tpu.wait_dma2 semaphore(%arg17 : memref<!tpu.dma_semaphore, #tpu.memory_space<semaphore_mem>>) src(%dma_wait3A_70 : memref<128xi32, #tpu.memory_space<hbm>>) dst(%arg10 : memref<128xi32, #tpu.memory_space<vmem>>)
        %dma_wait3A_71 = arith.constant 0 : i32
        %dma_wait3A_72 = tpu.memref_slice %arg6[%arg1, %add3A_47, %dma_wait3A_71] : memref<16x40x128xi32, #tpu.memory_space<hbm>> -> memref<1x1x128xi32, #tpu.memory_space<hbm>>
        %dma_wait3A_73 = tpu.memref_squeeze %dma_wait3A_72 : memref<1x1x128xi32, #tpu.memory_space<hbm>> -> memref<128xi32, #tpu.memory_space<hbm>>
        %dma_wait3A_74 = arith.constant 0 : i32
        %dma_wait3A_75 = tpu.memref_slice %arg6[%arg1, %add3A_47, %dma_wait3A_74] : memref<16x40x128xi32, #tpu.memory_space<hbm>> -> memref<1x1x128xi32, #tpu.memory_space<hbm>>
        %dma_wait3A_76 = tpu.memref_squeeze %dma_wait3A_75 : memref<1x1x128xi32, #tpu.memory_space<hbm>> -> memref<128xi32, #tpu.memory_space<hbm>>
        tpu.wait_dma2 semaphore(%arg17 : memref<!tpu.dma_semaphore, #tpu.memory_space<semaphore_mem>>) src(%dma_wait3A_76 : memref<128xi32, #tpu.memory_space<hbm>>) dst(%arg12 : memref<128xi32, #tpu.memory_space<vmem>>)
        %dma_start3A_77 = arith.constant 0 : i32
        %dma_start3A_78 = arith.constant 0 : i32
        %dma_start3A_79 = tpu.memref_slice %arg2[%dma_start3A_77, %dma_start3A_78] : memref<10240x128xf32, #tpu.memory_space<hbm>> -> memref<10240x128xf32, #tpu.memory_space<hbm>>
        tpu.enqueue_indirect_dma source(%dma_start3A_79 : memref<10240x128xf32, #tpu.memory_space<hbm>>) target(%arg13 : memref<128x128xf32, #tpu.memory_space<vmem>>) offsets(%arg9 : memref<128xi32, #tpu.memory_space<vmem>>) semaphore(%arg18 : memref<!tpu.dma_semaphore, #tpu.memory_space<semaphore_mem>>)
        %dma_start3A_80 = arith.constant 0 : i32
        %dma_start3A_81 = arith.constant 0 : i32
        %dma_start3A_82 = tpu.memref_slice %arg2[%dma_start3A_80, %dma_start3A_81] : memref<10240x128xf32, #tpu.memory_space<hbm>> -> memref<10240x128xf32, #tpu.memory_space<hbm>>
        tpu.enqueue_indirect_dma source(%dma_start3A_82 : memref<10240x128xf32, #tpu.memory_space<hbm>>) target(%arg14 : memref<128x128xf32, #tpu.memory_space<vmem>>) offsets(%arg10 : memref<128xi32, #tpu.memory_space<vmem>>) semaphore(%arg19 : memref<!tpu.dma_semaphore, #tpu.memory_space<semaphore_mem>>)
        %dma_wait3A_83 = arith.constant 0 : i32
        %dma_wait3A_84 = arith.constant 0 : i32
        %dma_wait3A_85 = tpu.memref_slice %arg2[%dma_wait3A_83, %dma_wait3A_84] : memref<10240x128xf32, #tpu.memory_space<hbm>> -> memref<10240x128xf32, #tpu.memory_space<hbm>>
        tpu.wait_indirect_dma semaphore(%arg18 : memref<!tpu.dma_semaphore, #tpu.memory_space<semaphore_mem>>) src(%dma_wait3A_85 : memref<10240x128xf32, #tpu.memory_space<hbm>>) dst(%arg13 : memref<128x128xf32, #tpu.memory_space<vmem>>)
        %dma_start3A_86 = arith.constant 0 : i32
        %dma_start3A_87 = arith.constant 0 : i32
        %dma_start3A_88 = tpu.memref_slice %arg15[%dma_start3A_86, %dma_start3A_87] : memref<10240x128xf32, #tpu.memory_space<vmem_shared>> -> memref<10240x128xf32, #tpu.memory_space<vmem_shared>>
        tpu.enqueue_indirect_dma source(%arg13 : memref<128x128xf32, #tpu.memory_space<vmem>>) target(%dma_start3A_88 : memref<10240x128xf32, #tpu.memory_space<vmem_shared>>) offsets(%arg11 : memref<128xi32, #tpu.memory_space<vmem>>) semaphore(%arg20 : memref<!tpu.dma_semaphore, #tpu.memory_space<semaphore_mem>>) {add = true}
        %dma_wait3A_89 = arith.constant 0 : i32
        %dma_wait3A_90 = arith.constant 0 : i32
        %dma_wait3A_91 = tpu.memref_slice %arg2[%dma_wait3A_89, %dma_wait3A_90] : memref<10240x128xf32, #tpu.memory_space<hbm>> -> memref<10240x128xf32, #tpu.memory_space<hbm>>
        tpu.wait_indirect_dma semaphore(%arg19 : memref<!tpu.dma_semaphore, #tpu.memory_space<semaphore_mem>>) src(%dma_wait3A_91 : memref<10240x128xf32, #tpu.memory_space<hbm>>) dst(%arg14 : memref<128x128xf32, #tpu.memory_space<vmem>>)
        %dma_start3A_92 = arith.constant 0 : i32
        %dma_start3A_93 = arith.constant 0 : i32
        %dma_start3A_94 = tpu.memref_slice %arg15[%dma_start3A_92, %dma_start3A_93] : memref<10240x128xf32, #tpu.memory_space<vmem_shared>> -> memref<10240x128xf32, #tpu.memory_space<vmem_shared>>
        tpu.enqueue_indirect_dma source(%arg14 : memref<128x128xf32, #tpu.memory_space<vmem>>) target(%dma_start3A_94 : memref<10240x128xf32, #tpu.memory_space<vmem_shared>>) offsets(%arg12 : memref<128xi32, #tpu.memory_space<vmem>>) semaphore(%arg21 : memref<!tpu.dma_semaphore, #tpu.memory_space<semaphore_mem>>) {add = true}
        %dma_wait3A_95 = arith.constant 0 : i32
        %dma_wait3A_96 = arith.constant 0 : i32
        %dma_wait3A_97 = tpu.memref_slice %arg15[%dma_wait3A_95, %dma_wait3A_96] : memref<10240x128xf32, #tpu.memory_space<vmem_shared>> -> memref<10240x128xf32, #tpu.memory_space<vmem_shared>>
        tpu.wait_indirect_dma semaphore(%arg20 : memref<!tpu.dma_semaphore, #tpu.memory_space<semaphore_mem>>) src(%arg13 : memref<128x128xf32, #tpu.memory_space<vmem>>) dst(%dma_wait3A_97 : memref<10240x128xf32, #tpu.memory_space<vmem_shared>>)
        %dma_wait3A_98 = arith.constant 0 : i32
        %dma_wait3A_99 = arith.constant 0 : i32
        %dma_wait3A_100 = tpu.memref_slice %arg15[%dma_wait3A_98, %dma_wait3A_99] : memref<10240x128xf32, #tpu.memory_space<vmem_shared>> -> memref<10240x128xf32, #tpu.memory_space<vmem_shared>>
        tpu.wait_indirect_dma semaphore(%arg21 : memref<!tpu.dma_semaphore, #tpu.memory_space<semaphore_mem>>) src(%arg14 : memref<128x128xf32, #tpu.memory_space<vmem>>) dst(%dma_wait3A_100 : memref<10240x128xf32, #tpu.memory_space<vmem_shared>>)
      }
      %scan3A_18 = arith.constant 20 : i32
    } else {
    }
    %barrier3A_10 = arith.constant 0 : index
    tpu.barrier barrier_id(%barrier3A_10)
    %mul3A_11 = arith.constant 640 : i32
    %mul3A_12 = arith.muli %arg1, %mul3A_11 : i32
    %mul3A_13 = arith.constant 640 : i32
    %mul3A_14 = arith.muli %arg1, %mul3A_13 : i32
    "tpu.region"() ({
      %run_scoped3A = tpu.sem_alloc : memref<!tpu.dma_semaphore, #tpu.memory_space<semaphore_mem>>
      %dma_start3A = arith.constant 0 : i32
      %dma_start3A_15 = arith.constant 0 : i32
      %dma_start3A_16 = tpu.memref_slice %arg8[%arg0, %dma_start3A, %dma_start3A_15] : memref<2x10240x128xf32, #tpu.memory_space<hbm>> -> memref<1x10240x128xf32, #tpu.memory_space<hbm>>
      %dma_start3A_17 = tpu.memref_squeeze %dma_start3A_16 : memref<1x10240x128xf32, #tpu.memory_space<hbm>> -> memref<10240x128xf32, #tpu.memory_space<hbm>>
      %dma_start3A_18 = arith.constant 0 : i32
      %dma_start3A_19 = tpu.memref_slice %dma_start3A_17[%mul3A_14, %dma_start3A_18] : memref<10240x128xf32, #tpu.memory_space<hbm>> -> memref<640x128xf32, #tpu.memory_space<hbm>>
      %dma_start3A_20 = arith.constant 0 : i32
      %dma_start3A_21 = tpu.memref_slice %arg15[%mul3A_12, %dma_start3A_20] : memref<10240x128xf32, #tpu.memory_space<vmem_shared>> -> memref<640x128xf32, #tpu.memory_space<vmem_shared>>
      tpu.enqueue_dma source(%dma_start3A_21 : memref<640x128xf32, #tpu.memory_space<vmem_shared>>) target(%dma_start3A_19 : memref<640x128xf32, #tpu.memory_space<hbm>>) target_semaphore(%run_scoped3A : memref<!tpu.dma_semaphore, #tpu.memory_space<semaphore_mem>>)
      %dma_wait3A = arith.constant 0 : i32
      %dma_wait3A_22 = arith.constant 0 : i32
      %dma_wait3A_23 = tpu.memref_slice %arg8[%arg0, %dma_wait3A, %dma_wait3A_22] : memref<2x10240x128xf32, #tpu.memory_space<hbm>> -> memref<1x10240x128xf32, #tpu.memory_space<hbm>>
      %dma_wait3A_24 = tpu.memref_squeeze %dma_wait3A_23 : memref<1x10240x128xf32, #tpu.memory_space<hbm>> -> memref<10240x128xf32, #tpu.memory_space<hbm>>
      %dma_wait3A_25 = arith.constant 0 : i32
      %dma_wait3A_26 = tpu.memref_slice %dma_wait3A_24[%mul3A_14, %dma_wait3A_25] : memref<10240x128xf32, #tpu.memory_space<hbm>> -> memref<640x128xf32, #tpu.memory_space<hbm>>
      %dma_wait3A_27 = arith.constant 0 : i32
      %dma_wait3A_28 = tpu.memref_slice %arg15[%mul3A_12, %dma_wait3A_27] : memref<10240x128xf32, #tpu.memory_space<vmem_shared>> -> memref<640x128xf32, #tpu.memory_space<vmem_shared>>
      tpu.wait_dma2 semaphore(%run_scoped3A : memref<!tpu.dma_semaphore, #tpu.memory_space<semaphore_mem>>) src(%dma_wait3A_28 : memref<640x128xf32, #tpu.memory_space<vmem_shared>>) dst(%dma_wait3A_26 : memref<640x128xf32, #tpu.memory_space<hbm>>)
      tpu.yield
    }) : () -> ()
    return
  }
}

#map = affine_map<(d0, d1) -> (0, 0)>
#map1 = affine_map<(d0, d1) -> (0, 0, 0)>
module attributes {stable_mosaic.version = 14 : i64} {
  func.func @agg_kernel(%arg0: i32, %arg1: i32, %arg2: memref<10240x128xf32, #tpu.memory_space<hbm>>, %arg3: memref<16x120x128xi32, #tpu.memory_space<hbm>>, %arg4: memref<16x120x128xi32, #tpu.memory_space<hbm>>, %arg5: memref<16x40x128xi32, #tpu.memory_space<hbm>>, %arg6: memref<16x40x128xi32, #tpu.memory_space<hbm>>, %arg7: memref<10240x128xf32, #tpu.memory_space<hbm>>, %arg8: memref<2x10240x128xf32, #tpu.memory_space<hbm>>, %arg9: memref<128xi32, #tpu.memory_space<vmem>>, %arg10: memref<128xi32, #tpu.memory_space<vmem>>, %arg11: memref<128xi32, #tpu.memory_space<vmem>>, %arg12: memref<128xi32, #tpu.memory_space<vmem>>, %arg13: memref<128x128xf32, #tpu.memory_space<vmem>>, %arg14: memref<128x128xf32, #tpu.memory_space<vmem>>, %arg15: memref<10240x128xf32, #tpu.memory_space<vmem_shared>>, %arg16: memref<!tpu.dma_semaphore, #tpu.memory_space<semaphore_mem>>, %arg17: memref<!tpu.dma_semaphore, #tpu.memory_space<semaphore_mem>>, %arg18: memref<!tpu.dma_semaphore, #tpu.memory_space<semaphore_mem>>, %arg19: memref<!tpu.dma_semaphore, #tpu.memory_space<semaphore_mem>>, %arg20: memref<!tpu.dma_semaphore, #tpu.memory_space<semaphore_mem>>, %arg21: memref<!tpu.dma_semaphore, #tpu.memory_space<semaphore_mem>>) attributes {dimension_semantics = [#tpu.dimension_semantics<core_parallel>, #tpu.dimension_semantics<subcore_parallel>], iteration_bounds = array<i64: 2, 16>, scalar_prefetch = 0 : i64, scratch_operands = 13 : i64, tpu.core_type = #tpu.core_type<sc_vector_subcore>, window_params = [{transform_indices = #map}, {transform_indices = #map1}, {transform_indices = #map1}, {transform_indices = #map1}, {transform_indices = #map1}, {transform_indices = #map}, {transform_indices = #map1}]} {
    %mul3A = arith.constant 640 : i32
    %mul3A_0 = arith.muli %arg1, %mul3A : i32
    %mul3A_1 = arith.constant 640 : i32
    %mul3A_2 = arith.muli %arg1, %mul3A_1 : i32
    "tpu.region"() ({
      %run_scoped3A = tpu.sem_alloc : memref<!tpu.dma_semaphore, #tpu.memory_space<semaphore_mem>>
      %dma_start3A = arith.constant 0 : i32
      %dma_start3A_15 = tpu.memref_slice %arg15[%mul3A_2, %dma_start3A] : memref<10240x128xf32, #tpu.memory_space<vmem_shared>> -> memref<640x128xf32, #tpu.memory_space<vmem_shared>>
      %dma_start3A_16 = arith.constant 0 : i32
      %dma_start3A_17 = tpu.memref_slice %arg7[%mul3A_0, %dma_start3A_16] : memref<10240x128xf32, #tpu.memory_space<hbm>> -> memref<640x128xf32, #tpu.memory_space<hbm>>
      tpu.enqueue_dma source(%dma_start3A_17 : memref<640x128xf32, #tpu.memory_space<hbm>>) target(%dma_start3A_15 : memref<640x128xf32, #tpu.memory_space<vmem_shared>>) target_semaphore(%run_scoped3A : memref<!tpu.dma_semaphore, #tpu.memory_space<semaphore_mem>>)
      %dma_wait3A = arith.constant 0 : i32
      %dma_wait3A_18 = tpu.memref_slice %arg15[%mul3A_2, %dma_wait3A] : memref<10240x128xf32, #tpu.memory_space<vmem_shared>> -> memref<640x128xf32, #tpu.memory_space<vmem_shared>>
      %dma_wait3A_19 = arith.constant 0 : i32
      %dma_wait3A_20 = tpu.memref_slice %arg7[%mul3A_0, %dma_wait3A_19] : memref<10240x128xf32, #tpu.memory_space<hbm>> -> memref<640x128xf32, #tpu.memory_space<hbm>>
      tpu.wait_dma2 semaphore(%run_scoped3A : memref<!tpu.dma_semaphore, #tpu.memory_space<semaphore_mem>>) src(%dma_wait3A_20 : memref<640x128xf32, #tpu.memory_space<hbm>>) dst(%dma_wait3A_18 : memref<640x128xf32, #tpu.memory_space<vmem_shared>>)
      tpu.yield
    }) : () -> ()
    %barrier3A = arith.constant 0 : index
    tpu.barrier barrier_id(%barrier3A)
    %eq3A = arith.constant 0 : i32
    %eq3A_3 = arith.cmpi eq, %arg0, %eq3A : i32
    %convert_element_type3A = arith.extui %eq3A_3 : i1 to i32
    %cond3A = arith.constant 0 : i32
    %cond3A_4 = arith.cmpi ne, %convert_element_type3A, %cond3A : i32
    scf.if %cond3A_4 {
      %scan3A = arith.constant 0 : i32
      %scan3A_15 = arith.constant 60 : i32
      %scan3A_16 = arith.addi %scan3A, %scan3A_15 : i32
      %scan3A_17 = arith.constant 1 : i32
      scf.for %scan3A_19 = %scan3A to %scan3A_16 step %scan3A_17  : i32 {
        %mul3A_20 = arith.constant 2 : i32
        %mul3A_21 = arith.muli %scan3A_19, %mul3A_20 : i32
        %add3A = arith.constant 0 : i32
        %add3A_22 = arith.addi %add3A, %mul3A_21 : i32
        %add3A_23 = arith.constant 0 : i32
        %add3A_24 = arith.addi %add3A_22, %add3A_23 : i32
        %dma_start3A = arith.constant 0 : i32
        %dma_start3A_25 = tpu.memref_slice %arg3[%arg1, %add3A_24, %dma_start3A] : memref<16x120x128xi32, #tpu.memory_space<hbm>> -> memref<1x1x128xi32, #tpu.memory_space<hbm>>
        %dma_start3A_26 = tpu.memref_squeeze %dma_start3A_25 : memref<1x1x128xi32, #tpu.memory_space<hbm>> -> memref<128xi32, #tpu.memory_space<hbm>>
        %dma_start3A_27 = arith.constant 0 : i32
        %dma_start3A_28 = tpu.memref_slice %arg3[%arg1, %add3A_24, %dma_start3A_27] : memref<16x120x128xi32, #tpu.memory_space<hbm>> -> memref<1x1x128xi32, #tpu.memory_space<hbm>>
        %dma_start3A_29 = tpu.memref_squeeze %dma_start3A_28 : memref<1x1x128xi32, #tpu.memory_space<hbm>> -> memref<128xi32, #tpu.memory_space<hbm>>
        tpu.enqueue_dma source(%dma_start3A_29 : memref<128xi32, #tpu.memory_space<hbm>>) target(%arg9 : memref<128xi32, #tpu.memory_space<vmem>>) target_semaphore(%arg16 : memref<!tpu.dma_semaphore, #tpu.memory_space<semaphore_mem>>)
        %add3A_30 = arith.constant 0 : i32
        %add3A_31 = arith.addi %add3A_22, %add3A_30 : i32
        %dma_start3A_32 = arith.constant 0 : i32
        %dma_start3A_33 = tpu.memref_slice %arg4[%arg1, %add3A_31, %dma_start3A_32] : memref<16x120x128xi32, #tpu.memory_space<hbm>> -> memref<1x1x128xi32, #tpu.memory_space<hbm>>
        %dma_start3A_34 = tpu.memref_squeeze %dma_start3A_33 : memref<1x1x128xi32, #tpu.memory_space<hbm>> -> memref<128xi32, #tpu.memory_space<hbm>>
        %dma_start3A_35 = arith.constant 0 : i32
        %dma_start3A_36 = tpu.memref_slice %arg4[%arg1, %add3A_31, %dma_start3A_35] : memref<16x120x128xi32, #tpu.memory_space<hbm>> -> memref<1x1x128xi32, #tpu.memory_space<hbm>>
        %dma_start3A_37 = tpu.memref_squeeze %dma_start3A_36 : memref<1x1x128xi32, #tpu.memory_space<hbm>> -> memref<128xi32, #tpu.memory_space<hbm>>
        tpu.enqueue_dma source(%dma_start3A_37 : memref<128xi32, #tpu.memory_space<hbm>>) target(%arg11 : memref<128xi32, #tpu.memory_space<vmem>>) target_semaphore(%arg16 : memref<!tpu.dma_semaphore, #tpu.memory_space<semaphore_mem>>)
        %add3A_38 = arith.constant 1 : i32
        %add3A_39 = arith.addi %add3A_22, %add3A_38 : i32
        %dma_start3A_40 = arith.constant 0 : i32
        %dma_start3A_41 = tpu.memref_slice %arg3[%arg1, %add3A_39, %dma_start3A_40] : memref<16x120x128xi32, #tpu.memory_space<hbm>> -> memref<1x1x128xi32, #tpu.memory_space<hbm>>
        %dma_start3A_42 = tpu.memref_squeeze %dma_start3A_41 : memref<1x1x128xi32, #tpu.memory_space<hbm>> -> memref<128xi32, #tpu.memory_space<hbm>>
        %dma_start3A_43 = arith.constant 0 : i32
        %dma_start3A_44 = tpu.memref_slice %arg3[%arg1, %add3A_39, %dma_start3A_43] : memref<16x120x128xi32, #tpu.memory_space<hbm>> -> memref<1x1x128xi32, #tpu.memory_space<hbm>>
        %dma_start3A_45 = tpu.memref_squeeze %dma_start3A_44 : memref<1x1x128xi32, #tpu.memory_space<hbm>> -> memref<128xi32, #tpu.memory_space<hbm>>
        tpu.enqueue_dma source(%dma_start3A_45 : memref<128xi32, #tpu.memory_space<hbm>>) target(%arg10 : memref<128xi32, #tpu.memory_space<vmem>>) target_semaphore(%arg17 : memref<!tpu.dma_semaphore, #tpu.memory_space<semaphore_mem>>)
        %add3A_46 = arith.constant 1 : i32
        %add3A_47 = arith.addi %add3A_22, %add3A_46 : i32
        %dma_start3A_48 = arith.constant 0 : i32
        %dma_start3A_49 = tpu.memref_slice %arg4[%arg1, %add3A_47, %dma_start3A_48] : memref<16x120x128xi32, #tpu.memory_space<hbm>> -> memref<1x1x128xi32, #tpu.memory_space<hbm>>
        %dma_start3A_50 = tpu.memref_squeeze %dma_start3A_49 : memref<1x1x128xi32, #tpu.memory_space<hbm>> -> memref<128xi32, #tpu.memory_space<hbm>>
        %dma_start3A_51 = arith.constant 0 : i32
        %dma_start3A_52 = tpu.memref_slice %arg4[%arg1, %add3A_47, %dma_start3A_51] : memref<16x120x128xi32, #tpu.memory_space<hbm>> -> memref<1x1x128xi32, #tpu.memory_space<hbm>>
        %dma_start3A_53 = tpu.memref_squeeze %dma_start3A_52 : memref<1x1x128xi32, #tpu.memory_space<hbm>> -> memref<128xi32, #tpu.memory_space<hbm>>
        tpu.enqueue_dma source(%dma_start3A_53 : memref<128xi32, #tpu.memory_space<hbm>>) target(%arg12 : memref<128xi32, #tpu.memory_space<vmem>>) target_semaphore(%arg17 : memref<!tpu.dma_semaphore, #tpu.memory_space<semaphore_mem>>)
        %dma_wait3A = arith.constant 0 : i32
        %dma_wait3A_54 = tpu.memref_slice %arg3[%arg1, %add3A_24, %dma_wait3A] : memref<16x120x128xi32, #tpu.memory_space<hbm>> -> memref<1x1x128xi32, #tpu.memory_space<hbm>>
        %dma_wait3A_55 = tpu.memref_squeeze %dma_wait3A_54 : memref<1x1x128xi32, #tpu.memory_space<hbm>> -> memref<128xi32, #tpu.memory_space<hbm>>
        %dma_wait3A_56 = arith.constant 0 : i32
        %dma_wait3A_57 = tpu.memref_slice %arg3[%arg1, %add3A_24, %dma_wait3A_56] : memref<16x120x128xi32, #tpu.memory_space<hbm>> -> memref<1x1x128xi32, #tpu.memory_space<hbm>>
        %dma_wait3A_58 = tpu.memref_squeeze %dma_wait3A_57 : memref<1x1x128xi32, #tpu.memory_space<hbm>> -> memref<128xi32, #tpu.memory_space<hbm>>
        tpu.wait_dma2 semaphore(%arg16 : memref<!tpu.dma_semaphore, #tpu.memory_space<semaphore_mem>>) src(%dma_wait3A_58 : memref<128xi32, #tpu.memory_space<hbm>>) dst(%arg9 : memref<128xi32, #tpu.memory_space<vmem>>)
        %dma_wait3A_59 = arith.constant 0 : i32
        %dma_wait3A_60 = tpu.memref_slice %arg4[%arg1, %add3A_31, %dma_wait3A_59] : memref<16x120x128xi32, #tpu.memory_space<hbm>> -> memref<1x1x128xi32, #tpu.memory_space<hbm>>
        %dma_wait3A_61 = tpu.memref_squeeze %dma_wait3A_60 : memref<1x1x128xi32, #tpu.memory_space<hbm>> -> memref<128xi32, #tpu.memory_space<hbm>>
        %dma_wait3A_62 = arith.constant 0 : i32
        %dma_wait3A_63 = tpu.memref_slice %arg4[%arg1, %add3A_31, %dma_wait3A_62] : memref<16x120x128xi32, #tpu.memory_space<hbm>> -> memref<1x1x128xi32, #tpu.memory_space<hbm>>
        %dma_wait3A_64 = tpu.memref_squeeze %dma_wait3A_63 : memref<1x1x128xi32, #tpu.memory_space<hbm>> -> memref<128xi32, #tpu.memory_space<hbm>>
        tpu.wait_dma2 semaphore(%arg16 : memref<!tpu.dma_semaphore, #tpu.memory_space<semaphore_mem>>) src(%dma_wait3A_64 : memref<128xi32, #tpu.memory_space<hbm>>) dst(%arg11 : memref<128xi32, #tpu.memory_space<vmem>>)
        %dma_wait3A_65 = arith.constant 0 : i32
        %dma_wait3A_66 = tpu.memref_slice %arg3[%arg1, %add3A_39, %dma_wait3A_65] : memref<16x120x128xi32, #tpu.memory_space<hbm>> -> memref<1x1x128xi32, #tpu.memory_space<hbm>>
        %dma_wait3A_67 = tpu.memref_squeeze %dma_wait3A_66 : memref<1x1x128xi32, #tpu.memory_space<hbm>> -> memref<128xi32, #tpu.memory_space<hbm>>
        %dma_wait3A_68 = arith.constant 0 : i32
        %dma_wait3A_69 = tpu.memref_slice %arg3[%arg1, %add3A_39, %dma_wait3A_68] : memref<16x120x128xi32, #tpu.memory_space<hbm>> -> memref<1x1x128xi32, #tpu.memory_space<hbm>>
        %dma_wait3A_70 = tpu.memref_squeeze %dma_wait3A_69 : memref<1x1x128xi32, #tpu.memory_space<hbm>> -> memref<128xi32, #tpu.memory_space<hbm>>
        tpu.wait_dma2 semaphore(%arg17 : memref<!tpu.dma_semaphore, #tpu.memory_space<semaphore_mem>>) src(%dma_wait3A_70 : memref<128xi32, #tpu.memory_space<hbm>>) dst(%arg10 : memref<128xi32, #tpu.memory_space<vmem>>)
        %dma_wait3A_71 = arith.constant 0 : i32
        %dma_wait3A_72 = tpu.memref_slice %arg4[%arg1, %add3A_47, %dma_wait3A_71] : memref<16x120x128xi32, #tpu.memory_space<hbm>> -> memref<1x1x128xi32, #tpu.memory_space<hbm>>
        %dma_wait3A_73 = tpu.memref_squeeze %dma_wait3A_72 : memref<1x1x128xi32, #tpu.memory_space<hbm>> -> memref<128xi32, #tpu.memory_space<hbm>>
        %dma_wait3A_74 = arith.constant 0 : i32
        %dma_wait3A_75 = tpu.memref_slice %arg4[%arg1, %add3A_47, %dma_wait3A_74] : memref<16x120x128xi32, #tpu.memory_space<hbm>> -> memref<1x1x128xi32, #tpu.memory_space<hbm>>
        %dma_wait3A_76 = tpu.memref_squeeze %dma_wait3A_75 : memref<1x1x128xi32, #tpu.memory_space<hbm>> -> memref<128xi32, #tpu.memory_space<hbm>>
        tpu.wait_dma2 semaphore(%arg17 : memref<!tpu.dma_semaphore, #tpu.memory_space<semaphore_mem>>) src(%dma_wait3A_76 : memref<128xi32, #tpu.memory_space<hbm>>) dst(%arg12 : memref<128xi32, #tpu.memory_space<vmem>>)
        %dma_start3A_77 = arith.constant 0 : i32
        %dma_start3A_78 = arith.constant 0 : i32
        %dma_start3A_79 = tpu.memref_slice %arg2[%dma_start3A_77, %dma_start3A_78] : memref<10240x128xf32, #tpu.memory_space<hbm>> -> memref<10240x128xf32, #tpu.memory_space<hbm>>
        tpu.enqueue_indirect_dma source(%dma_start3A_79 : memref<10240x128xf32, #tpu.memory_space<hbm>>) target(%arg13 : memref<128x128xf32, #tpu.memory_space<vmem>>) offsets(%arg9 : memref<128xi32, #tpu.memory_space<vmem>>) semaphore(%arg18 : memref<!tpu.dma_semaphore, #tpu.memory_space<semaphore_mem>>)
        %dma_start3A_80 = arith.constant 0 : i32
        %dma_start3A_81 = arith.constant 0 : i32
        %dma_start3A_82 = tpu.memref_slice %arg2[%dma_start3A_80, %dma_start3A_81] : memref<10240x128xf32, #tpu.memory_space<hbm>> -> memref<10240x128xf32, #tpu.memory_space<hbm>>
        tpu.enqueue_indirect_dma source(%dma_start3A_82 : memref<10240x128xf32, #tpu.memory_space<hbm>>) target(%arg14 : memref<128x128xf32, #tpu.memory_space<vmem>>) offsets(%arg10 : memref<128xi32, #tpu.memory_space<vmem>>) semaphore(%arg19 : memref<!tpu.dma_semaphore, #tpu.memory_space<semaphore_mem>>)
        %dma_wait3A_83 = arith.constant 0 : i32
        %dma_wait3A_84 = arith.constant 0 : i32
        %dma_wait3A_85 = tpu.memref_slice %arg2[%dma_wait3A_83, %dma_wait3A_84] : memref<10240x128xf32, #tpu.memory_space<hbm>> -> memref<10240x128xf32, #tpu.memory_space<hbm>>
        tpu.wait_indirect_dma semaphore(%arg18 : memref<!tpu.dma_semaphore, #tpu.memory_space<semaphore_mem>>) src(%dma_wait3A_85 : memref<10240x128xf32, #tpu.memory_space<hbm>>) dst(%arg13 : memref<128x128xf32, #tpu.memory_space<vmem>>)
        %dma_start3A_86 = arith.constant 0 : i32
        %dma_start3A_87 = arith.constant 0 : i32
        %dma_start3A_88 = tpu.memref_slice %arg15[%dma_start3A_86, %dma_start3A_87] : memref<10240x128xf32, #tpu.memory_space<vmem_shared>> -> memref<10240x128xf32, #tpu.memory_space<vmem_shared>>
        tpu.enqueue_indirect_dma source(%arg13 : memref<128x128xf32, #tpu.memory_space<vmem>>) target(%dma_start3A_88 : memref<10240x128xf32, #tpu.memory_space<vmem_shared>>) offsets(%arg11 : memref<128xi32, #tpu.memory_space<vmem>>) semaphore(%arg20 : memref<!tpu.dma_semaphore, #tpu.memory_space<semaphore_mem>>) {add = true}
        %dma_wait3A_89 = arith.constant 0 : i32
        %dma_wait3A_90 = arith.constant 0 : i32
        %dma_wait3A_91 = tpu.memref_slice %arg2[%dma_wait3A_89, %dma_wait3A_90] : memref<10240x128xf32, #tpu.memory_space<hbm>> -> memref<10240x128xf32, #tpu.memory_space<hbm>>
        tpu.wait_indirect_dma semaphore(%arg19 : memref<!tpu.dma_semaphore, #tpu.memory_space<semaphore_mem>>) src(%dma_wait3A_91 : memref<10240x128xf32, #tpu.memory_space<hbm>>) dst(%arg14 : memref<128x128xf32, #tpu.memory_space<vmem>>)
        %dma_start3A_92 = arith.constant 0 : i32
        %dma_start3A_93 = arith.constant 0 : i32
        %dma_start3A_94 = tpu.memref_slice %arg15[%dma_start3A_92, %dma_start3A_93] : memref<10240x128xf32, #tpu.memory_space<vmem_shared>> -> memref<10240x128xf32, #tpu.memory_space<vmem_shared>>
        tpu.enqueue_indirect_dma source(%arg14 : memref<128x128xf32, #tpu.memory_space<vmem>>) target(%dma_start3A_94 : memref<10240x128xf32, #tpu.memory_space<vmem_shared>>) offsets(%arg12 : memref<128xi32, #tpu.memory_space<vmem>>) semaphore(%arg21 : memref<!tpu.dma_semaphore, #tpu.memory_space<semaphore_mem>>) {add = true}
        %dma_wait3A_95 = arith.constant 0 : i32
        %dma_wait3A_96 = arith.constant 0 : i32
        %dma_wait3A_97 = tpu.memref_slice %arg15[%dma_wait3A_95, %dma_wait3A_96] : memref<10240x128xf32, #tpu.memory_space<vmem_shared>> -> memref<10240x128xf32, #tpu.memory_space<vmem_shared>>
        tpu.wait_indirect_dma semaphore(%arg20 : memref<!tpu.dma_semaphore, #tpu.memory_space<semaphore_mem>>) src(%arg13 : memref<128x128xf32, #tpu.memory_space<vmem>>) dst(%dma_wait3A_97 : memref<10240x128xf32, #tpu.memory_space<vmem_shared>>)
        %dma_wait3A_98 = arith.constant 0 : i32
        %dma_wait3A_99 = arith.constant 0 : i32
        %dma_wait3A_100 = tpu.memref_slice %arg15[%dma_wait3A_98, %dma_wait3A_99] : memref<10240x128xf32, #tpu.memory_space<vmem_shared>> -> memref<10240x128xf32, #tpu.memory_space<vmem_shared>>
        tpu.wait_indirect_dma semaphore(%arg21 : memref<!tpu.dma_semaphore, #tpu.memory_space<semaphore_mem>>) src(%arg14 : memref<128x128xf32, #tpu.memory_space<vmem>>) dst(%dma_wait3A_100 : memref<10240x128xf32, #tpu.memory_space<vmem_shared>>)
      }
      %scan3A_18 = arith.constant 60 : i32
    } else {
    }
    %eq3A_5 = arith.constant 1 : i32
    %eq3A_6 = arith.cmpi eq, %arg0, %eq3A_5 : i32
    %convert_element_type3A_7 = arith.extui %eq3A_6 : i1 to i32
    %cond3A_8 = arith.constant 0 : i32
    %cond3A_9 = arith.cmpi ne, %convert_element_type3A_7, %cond3A_8 : i32
    scf.if %cond3A_9 {
      %scan3A = arith.constant 0 : i32
      %scan3A_15 = arith.constant 20 : i32
      %scan3A_16 = arith.addi %scan3A, %scan3A_15 : i32
      %scan3A_17 = arith.constant 1 : i32
      scf.for %scan3A_19 = %scan3A to %scan3A_16 step %scan3A_17  : i32 {
        %mul3A_20 = arith.constant 2 : i32
        %mul3A_21 = arith.muli %scan3A_19, %mul3A_20 : i32
        %add3A = arith.constant 0 : i32
        %add3A_22 = arith.addi %add3A, %mul3A_21 : i32
        %add3A_23 = arith.constant 0 : i32
        %add3A_24 = arith.addi %add3A_22, %add3A_23 : i32
        %dma_start3A = arith.constant 0 : i32
        %dma_start3A_25 = tpu.memref_slice %arg5[%arg1, %add3A_24, %dma_start3A] : memref<16x40x128xi32, #tpu.memory_space<hbm>> -> memref<1x1x128xi32, #tpu.memory_space<hbm>>
        %dma_start3A_26 = tpu.memref_squeeze %dma_start3A_25 : memref<1x1x128xi32, #tpu.memory_space<hbm>> -> memref<128xi32, #tpu.memory_space<hbm>>
        %dma_start3A_27 = arith.constant 0 : i32
        %dma_start3A_28 = tpu.memref_slice %arg5[%arg1, %add3A_24, %dma_start3A_27] : memref<16x40x128xi32, #tpu.memory_space<hbm>> -> memref<1x1x128xi32, #tpu.memory_space<hbm>>
        %dma_start3A_29 = tpu.memref_squeeze %dma_start3A_28 : memref<1x1x128xi32, #tpu.memory_space<hbm>> -> memref<128xi32, #tpu.memory_space<hbm>>
        tpu.enqueue_dma source(%dma_start3A_29 : memref<128xi32, #tpu.memory_space<hbm>>) target(%arg9 : memref<128xi32, #tpu.memory_space<vmem>>) target_semaphore(%arg16 : memref<!tpu.dma_semaphore, #tpu.memory_space<semaphore_mem>>)
        %add3A_30 = arith.constant 0 : i32
        %add3A_31 = arith.addi %add3A_22, %add3A_30 : i32
        %dma_start3A_32 = arith.constant 0 : i32
        %dma_start3A_33 = tpu.memref_slice %arg6[%arg1, %add3A_31, %dma_start3A_32] : memref<16x40x128xi32, #tpu.memory_space<hbm>> -> memref<1x1x128xi32, #tpu.memory_space<hbm>>
        %dma_start3A_34 = tpu.memref_squeeze %dma_start3A_33 : memref<1x1x128xi32, #tpu.memory_space<hbm>> -> memref<128xi32, #tpu.memory_space<hbm>>
        %dma_start3A_35 = arith.constant 0 : i32
        %dma_start3A_36 = tpu.memref_slice %arg6[%arg1, %add3A_31, %dma_start3A_35] : memref<16x40x128xi32, #tpu.memory_space<hbm>> -> memref<1x1x128xi32, #tpu.memory_space<hbm>>
        %dma_start3A_37 = tpu.memref_squeeze %dma_start3A_36 : memref<1x1x128xi32, #tpu.memory_space<hbm>> -> memref<128xi32, #tpu.memory_space<hbm>>
        tpu.enqueue_dma source(%dma_start3A_37 : memref<128xi32, #tpu.memory_space<hbm>>) target(%arg11 : memref<128xi32, #tpu.memory_space<vmem>>) target_semaphore(%arg16 : memref<!tpu.dma_semaphore, #tpu.memory_space<semaphore_mem>>)
        %add3A_38 = arith.constant 1 : i32
        %add3A_39 = arith.addi %add3A_22, %add3A_38 : i32
        %dma_start3A_40 = arith.constant 0 : i32
        %dma_start3A_41 = tpu.memref_slice %arg5[%arg1, %add3A_39, %dma_start3A_40] : memref<16x40x128xi32, #tpu.memory_space<hbm>> -> memref<1x1x128xi32, #tpu.memory_space<hbm>>
        %dma_start3A_42 = tpu.memref_squeeze %dma_start3A_41 : memref<1x1x128xi32, #tpu.memory_space<hbm>> -> memref<128xi32, #tpu.memory_space<hbm>>
        %dma_start3A_43 = arith.constant 0 : i32
        %dma_start3A_44 = tpu.memref_slice %arg5[%arg1, %add3A_39, %dma_start3A_43] : memref<16x40x128xi32, #tpu.memory_space<hbm>> -> memref<1x1x128xi32, #tpu.memory_space<hbm>>
        %dma_start3A_45 = tpu.memref_squeeze %dma_start3A_44 : memref<1x1x128xi32, #tpu.memory_space<hbm>> -> memref<128xi32, #tpu.memory_space<hbm>>
        tpu.enqueue_dma source(%dma_start3A_45 : memref<128xi32, #tpu.memory_space<hbm>>) target(%arg10 : memref<128xi32, #tpu.memory_space<vmem>>) target_semaphore(%arg17 : memref<!tpu.dma_semaphore, #tpu.memory_space<semaphore_mem>>)
        %add3A_46 = arith.constant 1 : i32
        %add3A_47 = arith.addi %add3A_22, %add3A_46 : i32
        %dma_start3A_48 = arith.constant 0 : i32
        %dma_start3A_49 = tpu.memref_slice %arg6[%arg1, %add3A_47, %dma_start3A_48] : memref<16x40x128xi32, #tpu.memory_space<hbm>> -> memref<1x1x128xi32, #tpu.memory_space<hbm>>
        %dma_start3A_50 = tpu.memref_squeeze %dma_start3A_49 : memref<1x1x128xi32, #tpu.memory_space<hbm>> -> memref<128xi32, #tpu.memory_space<hbm>>
        %dma_start3A_51 = arith.constant 0 : i32
        %dma_start3A_52 = tpu.memref_slice %arg6[%arg1, %add3A_47, %dma_start3A_51] : memref<16x40x128xi32, #tpu.memory_space<hbm>> -> memref<1x1x128xi32, #tpu.memory_space<hbm>>
        %dma_start3A_53 = tpu.memref_squeeze %dma_start3A_52 : memref<1x1x128xi32, #tpu.memory_space<hbm>> -> memref<128xi32, #tpu.memory_space<hbm>>
        tpu.enqueue_dma source(%dma_start3A_53 : memref<128xi32, #tpu.memory_space<hbm>>) target(%arg12 : memref<128xi32, #tpu.memory_space<vmem>>) target_semaphore(%arg17 : memref<!tpu.dma_semaphore, #tpu.memory_space<semaphore_mem>>)
        %dma_wait3A = arith.constant 0 : i32
        %dma_wait3A_54 = tpu.memref_slice %arg5[%arg1, %add3A_24, %dma_wait3A] : memref<16x40x128xi32, #tpu.memory_space<hbm>> -> memref<1x1x128xi32, #tpu.memory_space<hbm>>
        %dma_wait3A_55 = tpu.memref_squeeze %dma_wait3A_54 : memref<1x1x128xi32, #tpu.memory_space<hbm>> -> memref<128xi32, #tpu.memory_space<hbm>>
        %dma_wait3A_56 = arith.constant 0 : i32
        %dma_wait3A_57 = tpu.memref_slice %arg5[%arg1, %add3A_24, %dma_wait3A_56] : memref<16x40x128xi32, #tpu.memory_space<hbm>> -> memref<1x1x128xi32, #tpu.memory_space<hbm>>
        %dma_wait3A_58 = tpu.memref_squeeze %dma_wait3A_57 : memref<1x1x128xi32, #tpu.memory_space<hbm>> -> memref<128xi32, #tpu.memory_space<hbm>>
        tpu.wait_dma2 semaphore(%arg16 : memref<!tpu.dma_semaphore, #tpu.memory_space<semaphore_mem>>) src(%dma_wait3A_58 : memref<128xi32, #tpu.memory_space<hbm>>) dst(%arg9 : memref<128xi32, #tpu.memory_space<vmem>>)
        %dma_wait3A_59 = arith.constant 0 : i32
        %dma_wait3A_60 = tpu.memref_slice %arg6[%arg1, %add3A_31, %dma_wait3A_59] : memref<16x40x128xi32, #tpu.memory_space<hbm>> -> memref<1x1x128xi32, #tpu.memory_space<hbm>>
        %dma_wait3A_61 = tpu.memref_squeeze %dma_wait3A_60 : memref<1x1x128xi32, #tpu.memory_space<hbm>> -> memref<128xi32, #tpu.memory_space<hbm>>
        %dma_wait3A_62 = arith.constant 0 : i32
        %dma_wait3A_63 = tpu.memref_slice %arg6[%arg1, %add3A_31, %dma_wait3A_62] : memref<16x40x128xi32, #tpu.memory_space<hbm>> -> memref<1x1x128xi32, #tpu.memory_space<hbm>>
        %dma_wait3A_64 = tpu.memref_squeeze %dma_wait3A_63 : memref<1x1x128xi32, #tpu.memory_space<hbm>> -> memref<128xi32, #tpu.memory_space<hbm>>
        tpu.wait_dma2 semaphore(%arg16 : memref<!tpu.dma_semaphore, #tpu.memory_space<semaphore_mem>>) src(%dma_wait3A_64 : memref<128xi32, #tpu.memory_space<hbm>>) dst(%arg11 : memref<128xi32, #tpu.memory_space<vmem>>)
        %dma_wait3A_65 = arith.constant 0 : i32
        %dma_wait3A_66 = tpu.memref_slice %arg5[%arg1, %add3A_39, %dma_wait3A_65] : memref<16x40x128xi32, #tpu.memory_space<hbm>> -> memref<1x1x128xi32, #tpu.memory_space<hbm>>
        %dma_wait3A_67 = tpu.memref_squeeze %dma_wait3A_66 : memref<1x1x128xi32, #tpu.memory_space<hbm>> -> memref<128xi32, #tpu.memory_space<hbm>>
        %dma_wait3A_68 = arith.constant 0 : i32
        %dma_wait3A_69 = tpu.memref_slice %arg5[%arg1, %add3A_39, %dma_wait3A_68] : memref<16x40x128xi32, #tpu.memory_space<hbm>> -> memref<1x1x128xi32, #tpu.memory_space<hbm>>
        %dma_wait3A_70 = tpu.memref_squeeze %dma_wait3A_69 : memref<1x1x128xi32, #tpu.memory_space<hbm>> -> memref<128xi32, #tpu.memory_space<hbm>>
        tpu.wait_dma2 semaphore(%arg17 : memref<!tpu.dma_semaphore, #tpu.memory_space<semaphore_mem>>) src(%dma_wait3A_70 : memref<128xi32, #tpu.memory_space<hbm>>) dst(%arg10 : memref<128xi32, #tpu.memory_space<vmem>>)
        %dma_wait3A_71 = arith.constant 0 : i32
        %dma_wait3A_72 = tpu.memref_slice %arg6[%arg1, %add3A_47, %dma_wait3A_71] : memref<16x40x128xi32, #tpu.memory_space<hbm>> -> memref<1x1x128xi32, #tpu.memory_space<hbm>>
        %dma_wait3A_73 = tpu.memref_squeeze %dma_wait3A_72 : memref<1x1x128xi32, #tpu.memory_space<hbm>> -> memref<128xi32, #tpu.memory_space<hbm>>
        %dma_wait3A_74 = arith.constant 0 : i32
        %dma_wait3A_75 = tpu.memref_slice %arg6[%arg1, %add3A_47, %dma_wait3A_74] : memref<16x40x128xi32, #tpu.memory_space<hbm>> -> memref<1x1x128xi32, #tpu.memory_space<hbm>>
        %dma_wait3A_76 = tpu.memref_squeeze %dma_wait3A_75 : memref<1x1x128xi32, #tpu.memory_space<hbm>> -> memref<128xi32, #tpu.memory_space<hbm>>
        tpu.wait_dma2 semaphore(%arg17 : memref<!tpu.dma_semaphore, #tpu.memory_space<semaphore_mem>>) src(%dma_wait3A_76 : memref<128xi32, #tpu.memory_space<hbm>>) dst(%arg12 : memref<128xi32, #tpu.memory_space<vmem>>)
        %dma_start3A_77 = arith.constant 0 : i32
        %dma_start3A_78 = arith.constant 0 : i32
        %dma_start3A_79 = tpu.memref_slice %arg2[%dma_start3A_77, %dma_start3A_78] : memref<10240x128xf32, #tpu.memory_space<hbm>> -> memref<10240x128xf32, #tpu.memory_space<hbm>>
        tpu.enqueue_indirect_dma source(%dma_start3A_79 : memref<10240x128xf32, #tpu.memory_space<hbm>>) target(%arg13 : memref<128x128xf32, #tpu.memory_space<vmem>>) offsets(%arg9 : memref<128xi32, #tpu.memory_space<vmem>>) semaphore(%arg18 : memref<!tpu.dma_semaphore, #tpu.memory_space<semaphore_mem>>)
        %dma_start3A_80 = arith.constant 0 : i32
        %dma_start3A_81 = arith.constant 0 : i32
        %dma_start3A_82 = tpu.memref_slice %arg2[%dma_start3A_80, %dma_start3A_81] : memref<10240x128xf32, #tpu.memory_space<hbm>> -> memref<10240x128xf32, #tpu.memory_space<hbm>>
        tpu.enqueue_indirect_dma source(%dma_start3A_82 : memref<10240x128xf32, #tpu.memory_space<hbm>>) target(%arg14 : memref<128x128xf32, #tpu.memory_space<vmem>>) offsets(%arg10 : memref<128xi32, #tpu.memory_space<vmem>>) semaphore(%arg19 : memref<!tpu.dma_semaphore, #tpu.memory_space<semaphore_mem>>)
        %dma_wait3A_83 = arith.constant 0 : i32
        %dma_wait3A_84 = arith.constant 0 : i32
        %dma_wait3A_85 = tpu.memref_slice %arg2[%dma_wait3A_83, %dma_wait3A_84] : memref<10240x128xf32, #tpu.memory_space<hbm>> -> memref<10240x128xf32, #tpu.memory_space<hbm>>
        tpu.wait_indirect_dma semaphore(%arg18 : memref<!tpu.dma_semaphore, #tpu.memory_space<semaphore_mem>>) src(%dma_wait3A_85 : memref<10240x128xf32, #tpu.memory_space<hbm>>) dst(%arg13 : memref<128x128xf32, #tpu.memory_space<vmem>>)
        %dma_start3A_86 = arith.constant 0 : i32
        %dma_start3A_87 = arith.constant 0 : i32
        %dma_start3A_88 = tpu.memref_slice %arg15[%dma_start3A_86, %dma_start3A_87] : memref<10240x128xf32, #tpu.memory_space<vmem_shared>> -> memref<10240x128xf32, #tpu.memory_space<vmem_shared>>
        tpu.enqueue_indirect_dma source(%arg13 : memref<128x128xf32, #tpu.memory_space<vmem>>) target(%dma_start3A_88 : memref<10240x128xf32, #tpu.memory_space<vmem_shared>>) offsets(%arg11 : memref<128xi32, #tpu.memory_space<vmem>>) semaphore(%arg20 : memref<!tpu.dma_semaphore, #tpu.memory_space<semaphore_mem>>) {add = true}
        %dma_wait3A_89 = arith.constant 0 : i32
        %dma_wait3A_90 = arith.constant 0 : i32
        %dma_wait3A_91 = tpu.memref_slice %arg2[%dma_wait3A_89, %dma_wait3A_90] : memref<10240x128xf32, #tpu.memory_space<hbm>> -> memref<10240x128xf32, #tpu.memory_space<hbm>>
        tpu.wait_indirect_dma semaphore(%arg19 : memref<!tpu.dma_semaphore, #tpu.memory_space<semaphore_mem>>) src(%dma_wait3A_91 : memref<10240x128xf32, #tpu.memory_space<hbm>>) dst(%arg14 : memref<128x128xf32, #tpu.memory_space<vmem>>)
        %dma_start3A_92 = arith.constant 0 : i32
        %dma_start3A_93 = arith.constant 0 : i32
        %dma_start3A_94 = tpu.memref_slice %arg15[%dma_start3A_92, %dma_start3A_93] : memref<10240x128xf32, #tpu.memory_space<vmem_shared>> -> memref<10240x128xf32, #tpu.memory_space<vmem_shared>>
        tpu.enqueue_indirect_dma source(%arg14 : memref<128x128xf32, #tpu.memory_space<vmem>>) target(%dma_start3A_94 : memref<10240x128xf32, #tpu.memory_space<vmem_shared>>) offsets(%arg12 : memref<128xi32, #tpu.memory_space<vmem>>) semaphore(%arg21 : memref<!tpu.dma_semaphore, #tpu.memory_space<semaphore_mem>>) {add = true}
        %dma_wait3A_95 = arith.constant 0 : i32
        %dma_wait3A_96 = arith.constant 0 : i32
        %dma_wait3A_97 = tpu.memref_slice %arg15[%dma_wait3A_95, %dma_wait3A_96] : memref<10240x128xf32, #tpu.memory_space<vmem_shared>> -> memref<10240x128xf32, #tpu.memory_space<vmem_shared>>
        tpu.wait_indirect_dma semaphore(%arg20 : memref<!tpu.dma_semaphore, #tpu.memory_space<semaphore_mem>>) src(%arg13 : memref<128x128xf32, #tpu.memory_space<vmem>>) dst(%dma_wait3A_97 : memref<10240x128xf32, #tpu.memory_space<vmem_shared>>)
        %dma_wait3A_98 = arith.constant 0 : i32
        %dma_wait3A_99 = arith.constant 0 : i32
        %dma_wait3A_100 = tpu.memref_slice %arg15[%dma_wait3A_98, %dma_wait3A_99] : memref<10240x128xf32, #tpu.memory_space<vmem_shared>> -> memref<10240x128xf32, #tpu.memory_space<vmem_shared>>
        tpu.wait_indirect_dma semaphore(%arg21 : memref<!tpu.dma_semaphore, #tpu.memory_space<semaphore_mem>>) src(%arg14 : memref<128x128xf32, #tpu.memory_space<vmem>>) dst(%dma_wait3A_100 : memref<10240x128xf32, #tpu.memory_space<vmem_shared>>)
      }
      %scan3A_18 = arith.constant 20 : i32
    } else {
    }
    %barrier3A_10 = arith.constant 0 : index
    tpu.barrier barrier_id(%barrier3A_10)
    %mul3A_11 = arith.constant 640 : i32
    %mul3A_12 = arith.muli %arg1, %mul3A_11 : i32
    %mul3A_13 = arith.constant 640 : i32
    %mul3A_14 = arith.muli %arg1, %mul3A_13 : i32
    "tpu.region"() ({
      %run_scoped3A = tpu.sem_alloc : memref<!tpu.dma_semaphore, #tpu.memory_space<semaphore_mem>>
      %dma_start3A = arith.constant 0 : i32
      %dma_start3A_15 = arith.constant 0 : i32
      %dma_start3A_16 = tpu.memref_slice %arg8[%arg0, %dma_start3A, %dma_start3A_15] : memref<2x10240x128xf32, #tpu.memory_space<hbm>> -> memref<1x10240x128xf32, #tpu.memory_space<hbm>>
      %dma_start3A_17 = tpu.memref_squeeze %dma_start3A_16 : memref<1x10240x128xf32, #tpu.memory_space<hbm>> -> memref<10240x128xf32, #tpu.memory_space<hbm>>
      %dma_start3A_18 = arith.constant 0 : i32
      %dma_start3A_19 = tpu.memref_slice %dma_start3A_17[%mul3A_14, %dma_start3A_18] : memref<10240x128xf32, #tpu.memory_space<hbm>> -> memref<640x128xf32, #tpu.memory_space<hbm>>
      %dma_start3A_20 = arith.constant 0 : i32
      %dma_start3A_21 = tpu.memref_slice %arg15[%mul3A_12, %dma_start3A_20] : memref<10240x128xf32, #tpu.memory_space<vmem_shared>> -> memref<640x128xf32, #tpu.memory_space<vmem_shared>>
      tpu.enqueue_dma source(%dma_start3A_21 : memref<640x128xf32, #tpu.memory_space<vmem_shared>>) target(%dma_start3A_19 : memref<640x128xf32, #tpu.memory_space<hbm>>) target_semaphore(%run_scoped3A : memref<!tpu.dma_semaphore, #tpu.memory_space<semaphore_mem>>)
      %dma_wait3A = arith.constant 0 : i32
      %dma_wait3A_22 = arith.constant 0 : i32
      %dma_wait3A_23 = tpu.memref_slice %arg8[%arg0, %dma_wait3A, %dma_wait3A_22] : memref<2x10240x128xf32, #tpu.memory_space<hbm>> -> memref<1x10240x128xf32, #tpu.memory_space<hbm>>
      %dma_wait3A_24 = tpu.memref_squeeze %dma_wait3A_23 : memref<1x10240x128xf32, #tpu.memory_space<hbm>> -> memref<10240x128xf32, #tpu.memory_space<hbm>>
      %dma_wait3A_25 = arith.constant 0 : i32
      %dma_wait3A_26 = tpu.memref_slice %dma_wait3A_24[%mul3A_14, %dma_wait3A_25] : memref<10240x128xf32, #tpu.memory_space<hbm>> -> memref<640x128xf32, #tpu.memory_space<hbm>>
      %dma_wait3A_27 = arith.constant 0 : i32
      %dma_wait3A_28 = tpu.memref_slice %arg15[%mul3A_12, %dma_wait3A_27] : memref<10240x128xf32, #tpu.memory_space<vmem_shared>> -> memref<640x128xf32, #tpu.memory_space<vmem_shared>>
      tpu.wait_dma2 semaphore(%run_scoped3A : memref<!tpu.dma_semaphore, #tpu.memory_space<semaphore_mem>>) src(%dma_wait3A_28 : memref<640x128xf32, #tpu.memory_space<vmem_shared>>) dst(%dma_wait3A_26 : memref<640x128xf32, #tpu.memory_space<hbm>>)
      tpu.yield
    }) : () -> ()
    return
  }
}

module attributes {stable_mosaic.version = 14 : i64} {
  func.func @body(%arg0: i32, %arg1: memref<2x1024x128xf32, #tpu.memory_space<vmem>>, %arg2: memref<1024x128xf32, #tpu.memory_space<vmem>>, %arg3: memref<128x128xf32, #tpu.memory_space<vmem>>, %arg4: memref<1024x128xf32, #tpu.memory_space<vmem>>) attributes {dimension_semantics = [#tpu.dimension_semantics<arbitrary>], iteration_bounds = array<i64: 10>, scalar_prefetch = 0 : i64, scratch_operands = 0 : i64, tpu.core_type = #tpu.core_type<tc>, window_params = [{transform_indices = @transform_0, window_bounds = array<i64: 2, 1024, 128>}, {transform_indices = @transform_1, window_bounds = array<i64: 1024, 128>}, {pipeline_mode = #tpu.pipeline_mode<synchronous>, transform_indices = @transform_2, window_bounds = array<i64: 128, 128>}, {transform_indices = @transform_3, window_bounds = array<i64: 1024, 128>}]} {
    %get3A = arith.constant 0 : index
    %get3A_0 = arith.constant 0 : index
    %get3A_1 = arith.constant 0 : index
    %get3A_2 = vector.load %arg1[%get3A, %get3A_0, %get3A_1] : memref<2x1024x128xf32, #tpu.memory_space<vmem>>, vector<1x1024x1xf32>
    %get3A_3 = vector.shape_cast %get3A_2 : vector<1x1024x1xf32> to vector<1024x1xf32>
    %get3A_4 = arith.constant 1 : index
    %get3A_5 = arith.constant 0 : index
    %get3A_6 = arith.constant 0 : index
    %get3A_7 = vector.load %arg1[%get3A_4, %get3A_5, %get3A_6] : memref<2x1024x128xf32, #tpu.memory_space<vmem>>, vector<1x1024x1xf32>
    %get3A_8 = vector.shape_cast %get3A_7 : vector<1x1024x1xf32> to vector<1024x1xf32>
    %add3A = arith.addf %get3A_3, %get3A_8 : vector<1024x1xf32>
    %add3A_9 = arith.constant 1.000000e+00 : f32
    %add3A_10 = vector.broadcast %add3A_9 : f32 to vector<1024x1xf32>
    %add3A_11 = arith.addf %add3A, %add3A_10 : vector<1024x1xf32>
    %max3A = arith.constant 1.000000e+00 : f32
    %max3A_12 = vector.broadcast %max3A : f32 to vector<1024x1xf32>
    %max3A_13 = arith.maximumf %add3A_11, %max3A_12 : vector<1024x1xf32>
    %rsqrt3A = math.rsqrt %max3A_13 : vector<1024x1xf32>
    %get3A_14 = arith.constant 0 : index
    %get3A_15 = arith.constant 0 : index
    %get3A_16 = vector.load %arg2[%get3A_14, %get3A_15] : memref<1024x128xf32, #tpu.memory_space<vmem>>, vector<1024x128xf32>
    %get3A_17 = arith.constant 0 : index
    %get3A_18 = arith.constant 0 : index
    %get3A_19 = vector.load %arg3[%get3A_17, %get3A_18] : memref<128x128xf32, #tpu.memory_space<vmem>>, vector<128x128xf32>
    %dot_general3A = arith.constant dense<0.000000e+00> : vector<1024x128xf32>
    %dot_general3A_20 = tpu.matmul %get3A_16, %get3A_19, %dot_general3A {dimension_numbers = #tpu.dot_dimension_numbers<[1], [0], [0], [1], [0, 0, 1, 1], [], []>, precision = #tpu.contract_precision<fp32>, transpose_lhs_hint = false} : vector<1024x128xf32>, vector<128x128xf32>, vector<1024x128xf32> -> vector<1024x128xf32>
    %mul3A = vector.broadcast %rsqrt3A : vector<1024x1xf32> to vector<1024x128xf32>
    %mul3A_21 = arith.mulf %dot_general3A_20, %mul3A : vector<1024x128xf32>
    %swap3A = arith.constant 0 : index
    %swap3A_22 = arith.constant 0 : index
    %swap3A_23 = vector.load %arg4[%swap3A, %swap3A_22] : memref<1024x128xf32, #tpu.memory_space<vmem>>, vector<1024x128xf32>
    tpu.vector_store %arg4[%swap3A, %swap3A_22], %mul3A_21 {strides = array<i32>} : memref<1024x128xf32, #tpu.memory_space<vmem>>, vector<1024x128xf32>,
    return
  }
  func.func @transform_0(%arg0: i32) -> (i32, i32, i32) {
    %c0_i32 = arith.constant 0 : i32
    %c0_i32_0 = arith.constant 0 : i32
    %c0_i32_1 = arith.constant 0 : i32
    return %c0_i32, %arg0, %c0_i32_0 : i32, i32, i32
  }
  func.func @transform_1(%arg0: i32) -> (i32, i32) {
    %c0_i32 = arith.constant 0 : i32
    %c0_i32_0 = arith.constant 0 : i32
    return %arg0, %c0_i32 : i32, i32
  }
  func.func @transform_2(%arg0: i32) -> (i32, i32) {
    %c0_i32 = arith.constant 0 : i32
    %c0_i32_0 = arith.constant 0 : i32
    %c0_i32_1 = arith.constant 0 : i32
    return %c0_i32, %c0_i32_0 : i32, i32
  }
  func.func @transform_3(%arg0: i32) -> (i32, i32) {
    %c0_i32 = arith.constant 0 : i32
    %c0_i32_0 = arith.constant 0 : i32
    return %arg0, %c0_i32 : i32, i32
  }
}

module attributes {stable_mosaic.version = 14 : i64} {
  func.func @body(%arg0: i32, %arg1: memref<2x1024x128xf32, #tpu.memory_space<vmem>>, %arg2: memref<2x1024x128xf32, #tpu.memory_space<vmem>>, %arg3: memref<1024x128xf32, #tpu.memory_space<vmem>>, %arg4: memref<1x128xf32, #tpu.memory_space<vmem>>, %arg5: memref<128x128xf32, #tpu.memory_space<vmem>>, %arg6: memref<1024x128xf32, #tpu.memory_space<vmem>>) attributes {dimension_semantics = [#tpu.dimension_semantics<arbitrary>], iteration_bounds = array<i64: 10>, scalar_prefetch = 0 : i64, scratch_operands = 0 : i64, tpu.core_type = #tpu.core_type<tc>, window_params = [{transform_indices = @transform_0, window_bounds = array<i64: 2, 1024, 128>}, {transform_indices = @transform_1, window_bounds = array<i64: 2, 1024, 128>}, {transform_indices = @transform_2, window_bounds = array<i64: 1024, 128>}, {pipeline_mode = #tpu.pipeline_mode<synchronous>, transform_indices = @transform_3, window_bounds = array<i64: 1, 128>}, {pipeline_mode = #tpu.pipeline_mode<synchronous>, transform_indices = @transform_4, window_bounds = array<i64: 128, 128>}, {transform_indices = @transform_5, window_bounds = array<i64: 1024, 128>}]} {
    %get3A = arith.constant 0 : index
    %get3A_0 = arith.constant 0 : index
    %get3A_1 = arith.constant 0 : index
    %get3A_2 = vector.load %arg1[%get3A, %get3A_0, %get3A_1] : memref<2x1024x128xf32, #tpu.memory_space<vmem>>, vector<1x1024x1xf32>
    %get3A_3 = vector.shape_cast %get3A_2 : vector<1x1024x1xf32> to vector<1024x1xf32>
    %get3A_4 = arith.constant 1 : index
    %get3A_5 = arith.constant 0 : index
    %get3A_6 = arith.constant 0 : index
    %get3A_7 = vector.load %arg1[%get3A_4, %get3A_5, %get3A_6] : memref<2x1024x128xf32, #tpu.memory_space<vmem>>, vector<1x1024x1xf32>
    %get3A_8 = vector.shape_cast %get3A_7 : vector<1x1024x1xf32> to vector<1024x1xf32>
    %add3A = arith.addf %get3A_3, %get3A_8 : vector<1024x1xf32>
    %add3A_9 = arith.constant 1.000000e+00 : f32
    %add3A_10 = vector.broadcast %add3A_9 : f32 to vector<1024x1xf32>
    %add3A_11 = arith.addf %add3A, %add3A_10 : vector<1024x1xf32>
    %max3A = arith.constant 1.000000e+00 : f32
    %max3A_12 = vector.broadcast %max3A : f32 to vector<1024x1xf32>
    %max3A_13 = arith.maximumf %add3A_11, %max3A_12 : vector<1024x1xf32>
    %rsqrt3A = math.rsqrt %max3A_13 : vector<1024x1xf32>
    %get3A_14 = arith.constant 0 : index
    %get3A_15 = arith.constant 0 : index
    %get3A_16 = arith.constant 0 : index
    %get3A_17 = vector.load %arg2[%get3A_14, %get3A_15, %get3A_16] : memref<2x1024x128xf32, #tpu.memory_space<vmem>>, vector<1x1024x128xf32>
    %get3A_18 = vector.shape_cast %get3A_17 : vector<1x1024x128xf32> to vector<1024x128xf32>
    %get3A_19 = arith.constant 1 : index
    %get3A_20 = arith.constant 0 : index
    %get3A_21 = arith.constant 0 : index
    %get3A_22 = vector.load %arg2[%get3A_19, %get3A_20, %get3A_21] : memref<2x1024x128xf32, #tpu.memory_space<vmem>>, vector<1x1024x128xf32>
    %get3A_23 = vector.shape_cast %get3A_22 : vector<1x1024x128xf32> to vector<1024x128xf32>
    %add3A_24 = arith.addf %get3A_18, %get3A_23 : vector<1024x128xf32>
    %get3A_25 = arith.constant 0 : index
    %get3A_26 = arith.constant 0 : index
    %get3A_27 = vector.load %arg3[%get3A_25, %get3A_26] : memref<1024x128xf32, #tpu.memory_space<vmem>>, vector<1024x128xf32>
    %add3A_28 = arith.addf %add3A_24, %get3A_27 : vector<1024x128xf32>
    %mul3A = vector.broadcast %rsqrt3A : vector<1024x1xf32> to vector<1024x128xf32>
    %mul3A_29 = arith.mulf %add3A_28, %mul3A : vector<1024x128xf32>
    %get3A_30 = arith.constant 0 : index
    %get3A_31 = arith.constant 0 : index
    %get3A_32 = vector.load %arg4[%get3A_30, %get3A_31] : memref<1x128xf32, #tpu.memory_space<vmem>>, vector<1x128xf32>
    %add3A_33 = vector.broadcast %get3A_32 : vector<1x128xf32> to vector<1024x128xf32>
    %add3A_34 = arith.addf %mul3A_29, %add3A_33 : vector<1024x128xf32>
    %get3A_35 = arith.constant 0 : index
    %get3A_36 = arith.constant 0 : index
    %get3A_37 = vector.load %arg5[%get3A_35, %get3A_36] : memref<128x128xf32, #tpu.memory_space<vmem>>, vector<128x128xf32>
    %dot_general3A = arith.constant dense<0.000000e+00> : vector<1024x128xf32>
    %dot_general3A_38 = tpu.matmul %add3A_34, %get3A_37, %dot_general3A {dimension_numbers = #tpu.dot_dimension_numbers<[1], [0], [0], [1], [0, 0, 1, 1], [], []>, precision = #tpu.contract_precision<fp32>, transpose_lhs_hint = false} : vector<1024x128xf32>, vector<128x128xf32>, vector<1024x128xf32> -> vector<1024x128xf32>
    %mul3A_39 = vector.broadcast %rsqrt3A : vector<1024x1xf32> to vector<1024x128xf32>
    %mul3A_40 = arith.mulf %dot_general3A_38, %mul3A_39 : vector<1024x128xf32>
    %swap3A = arith.constant 0 : index
    %swap3A_41 = arith.constant 0 : index
    %swap3A_42 = vector.load %arg6[%swap3A, %swap3A_41] : memref<1024x128xf32, #tpu.memory_space<vmem>>, vector<1024x128xf32>
    tpu.vector_store %arg6[%swap3A, %swap3A_41], %mul3A_40 {strides = array<i32>} : memref<1024x128xf32, #tpu.memory_space<vmem>>, vector<1024x128xf32>,
    return
  }
  func.func @transform_0(%arg0: i32) -> (i32, i32, i32) {
    %c0_i32 = arith.constant 0 : i32
    %c0_i32_0 = arith.constant 0 : i32
    %c0_i32_1 = arith.constant 0 : i32
    return %c0_i32, %arg0, %c0_i32_0 : i32, i32, i32
  }
  func.func @transform_1(%arg0: i32) -> (i32, i32, i32) {
    %c0_i32 = arith.constant 0 : i32
    %c0_i32_0 = arith.constant 0 : i32
    %c0_i32_1 = arith.constant 0 : i32
    return %c0_i32, %arg0, %c0_i32_0 : i32, i32, i32
  }
  func.func @transform_2(%arg0: i32) -> (i32, i32) {
    %c0_i32 = arith.constant 0 : i32
    %c0_i32_0 = arith.constant 0 : i32
    return %arg0, %c0_i32 : i32, i32
  }
  func.func @transform_3(%arg0: i32) -> (i32, i32) {
    %c0_i32 = arith.constant 0 : i32
    %c0_i32_0 = arith.constant 0 : i32
    %c0_i32_1 = arith.constant 0 : i32
    return %c0_i32, %c0_i32_0 : i32, i32
  }
  func.func @transform_4(%arg0: i32) -> (i32, i32) {
    %c0_i32 = arith.constant 0 : i32
    %c0_i32_0 = arith.constant 0 : i32
    %c0_i32_1 = arith.constant 0 : i32
    return %c0_i32, %c0_i32_0 : i32, i32
  }
  func.func @transform_5(%arg0: i32) -> (i32, i32) {
    %c0_i32 = arith.constant 0 : i32
    %c0_i32_0 = arith.constant 0 : i32
    return %arg0, %c0_i32 : i32, i32
  }
}

module attributes {stable_mosaic.version = 14 : i64} {
  func.func @body(%arg0: i32, %arg1: memref<2x1024x128xf32, #tpu.memory_space<vmem>>, %arg2: memref<2x1024x128xf32, #tpu.memory_space<vmem>>, %arg3: memref<1024x128xf32, #tpu.memory_space<vmem>>, %arg4: memref<1x128xf32, #tpu.memory_space<vmem>>, %arg5: memref<1024x128xf32, #tpu.memory_space<vmem>>) attributes {dimension_semantics = [#tpu.dimension_semantics<arbitrary>], iteration_bounds = array<i64: 10>, scalar_prefetch = 0 : i64, scratch_operands = 0 : i64, tpu.core_type = #tpu.core_type<tc>, window_params = [{transform_indices = @transform_0, window_bounds = array<i64: 2, 1024, 128>}, {transform_indices = @transform_1, window_bounds = array<i64: 2, 1024, 128>}, {transform_indices = @transform_2, window_bounds = array<i64: 1024, 128>}, {pipeline_mode = #tpu.pipeline_mode<synchronous>, transform_indices = @transform_3, window_bounds = array<i64: 1, 128>}, {transform_indices = @transform_4, window_bounds = array<i64: 1024, 128>}]} {
    %get3A = arith.constant 0 : index
    %get3A_0 = arith.constant 0 : index
    %get3A_1 = arith.constant 0 : index
    %get3A_2 = vector.load %arg1[%get3A, %get3A_0, %get3A_1] : memref<2x1024x128xf32, #tpu.memory_space<vmem>>, vector<1x1024x1xf32>
    %get3A_3 = vector.shape_cast %get3A_2 : vector<1x1024x1xf32> to vector<1024x1xf32>
    %get3A_4 = arith.constant 1 : index
    %get3A_5 = arith.constant 0 : index
    %get3A_6 = arith.constant 0 : index
    %get3A_7 = vector.load %arg1[%get3A_4, %get3A_5, %get3A_6] : memref<2x1024x128xf32, #tpu.memory_space<vmem>>, vector<1x1024x1xf32>
    %get3A_8 = vector.shape_cast %get3A_7 : vector<1x1024x1xf32> to vector<1024x1xf32>
    %add3A = arith.addf %get3A_3, %get3A_8 : vector<1024x1xf32>
    %add3A_9 = arith.constant 1.000000e+00 : f32
    %add3A_10 = vector.broadcast %add3A_9 : f32 to vector<1024x1xf32>
    %add3A_11 = arith.addf %add3A, %add3A_10 : vector<1024x1xf32>
    %max3A = arith.constant 1.000000e+00 : f32
    %max3A_12 = vector.broadcast %max3A : f32 to vector<1024x1xf32>
    %max3A_13 = arith.maximumf %add3A_11, %max3A_12 : vector<1024x1xf32>
    %rsqrt3A = math.rsqrt %max3A_13 : vector<1024x1xf32>
    %get3A_14 = arith.constant 0 : index
    %get3A_15 = arith.constant 0 : index
    %get3A_16 = arith.constant 0 : index
    %get3A_17 = vector.load %arg2[%get3A_14, %get3A_15, %get3A_16] : memref<2x1024x128xf32, #tpu.memory_space<vmem>>, vector<1x1024x128xf32>
    %get3A_18 = vector.shape_cast %get3A_17 : vector<1x1024x128xf32> to vector<1024x128xf32>
    %get3A_19 = arith.constant 1 : index
    %get3A_20 = arith.constant 0 : index
    %get3A_21 = arith.constant 0 : index
    %get3A_22 = vector.load %arg2[%get3A_19, %get3A_20, %get3A_21] : memref<2x1024x128xf32, #tpu.memory_space<vmem>>, vector<1x1024x128xf32>
    %get3A_23 = vector.shape_cast %get3A_22 : vector<1x1024x128xf32> to vector<1024x128xf32>
    %add3A_24 = arith.addf %get3A_18, %get3A_23 : vector<1024x128xf32>
    %get3A_25 = arith.constant 0 : index
    %get3A_26 = arith.constant 0 : index
    %get3A_27 = vector.load %arg3[%get3A_25, %get3A_26] : memref<1024x128xf32, #tpu.memory_space<vmem>>, vector<1024x128xf32>
    %add3A_28 = arith.addf %add3A_24, %get3A_27 : vector<1024x128xf32>
    %mul3A = vector.broadcast %rsqrt3A : vector<1024x1xf32> to vector<1024x128xf32>
    %mul3A_29 = arith.mulf %add3A_28, %mul3A : vector<1024x128xf32>
    %get3A_30 = arith.constant 0 : index
    %get3A_31 = arith.constant 0 : index
    %get3A_32 = vector.load %arg4[%get3A_30, %get3A_31] : memref<1x128xf32, #tpu.memory_space<vmem>>, vector<1x128xf32>
    %add3A_33 = vector.broadcast %get3A_32 : vector<1x128xf32> to vector<1024x128xf32>
    %add3A_34 = arith.addf %mul3A_29, %add3A_33 : vector<1024x128xf32>
    %swap3A = arith.constant 0 : index
    %swap3A_35 = arith.constant 0 : index
    %swap3A_36 = vector.load %arg5[%swap3A, %swap3A_35] : memref<1024x128xf32, #tpu.memory_space<vmem>>, vector<1024x128xf32>
    tpu.vector_store %arg5[%swap3A, %swap3A_35], %add3A_34 {strides = array<i32>} : memref<1024x128xf32, #tpu.memory_space<vmem>>, vector<1024x128xf32>,
    return
  }
  func.func @transform_0(%arg0: i32) -> (i32, i32, i32) {
    %c0_i32 = arith.constant 0 : i32
    %c0_i32_0 = arith.constant 0 : i32
    %c0_i32_1 = arith.constant 0 : i32
    return %c0_i32, %arg0, %c0_i32_0 : i32, i32, i32
  }
  func.func @transform_1(%arg0: i32) -> (i32, i32, i32) {
    %c0_i32 = arith.constant 0 : i32
    %c0_i32_0 = arith.constant 0 : i32
    %c0_i32_1 = arith.constant 0 : i32
    return %c0_i32, %arg0, %c0_i32_0 : i32, i32, i32
  }
  func.func @transform_2(%arg0: i32) -> (i32, i32) {
    %c0_i32 = arith.constant 0 : i32
    %c0_i32_0 = arith.constant 0 : i32
    return %arg0, %c0_i32 : i32, i32
  }
  func.func @transform_3(%arg0: i32) -> (i32, i32) {
    %c0_i32 = arith.constant 0 : i32
    %c0_i32_0 = arith.constant 0 : i32
    %c0_i32_1 = arith.constant 0 : i32
    return %c0_i32, %c0_i32_0 : i32, i32
  }
  func.func @transform_4(%arg0: i32) -> (i32, i32) {
    %c0_i32 = arith.constant 0 : i32
    %c0_i32_0 = arith.constant 0 : i32
    return %arg0, %c0_i32 : i32, i32
  }
}

</mosaic_0001>

<sc_bundles>
// kernel: kernel.10.cloned.1.call-start
scs
__scs_entry_jumppad:
0x0: {  	(pc) =	sbr.rel $0x88, $3  }
0x1: {  	(tag) =	ssettag $0x0;
	lr =	simm.s32 $0x1  }
0x2: {  	[smem:$0x3F99] =	sst lr;
	_ =	strace $0xD0000000  }
0x3: {  	_ = 	snop  }
0x4: {  	_ = 	snop  }
0x5: {  	_ = 	snop  }
0x6: {  	_ = 	snop  }
0x7: {  	_ = 	snop  }
__scs_overlays_trampoline_lowered:
0x8: {  	[smem:$0x3FA8] =	sst s0  }
0x9: {  	[smem:$0x3FA9] =	sst s1  }
0xa: {  	[smem:$0x3FAA] =	sst s2  }
0xb: {  	[smem:$0x3FAB] =	sst s3  }
0xc: {  	[smem:$0x3FAC] =	sst s4  }
0xd: {  	[smem:$0x3FAD] =	sst s5  }
0xe: {  	[smem:$0x3FAE] =	sst s6  }
0xf: {  	[smem:$0x3FAF] =	sst s7  }
0x10: {  	[smem:$0x3FB0] =	sst s8  }
0x11: {  	[smem:$0x3FB1] =	sst s9;
	s0 =	simm.s32 @!p0 $0x0  }
0x12: {  	s1 =	sld [smem:$0x3F97];
	s0 =	simm.s32 @p0 $0x1  }
0x13: {  	[smem:$0x3FB2] =	sst s0;
	s0 =	simm.s32 @!p1 $0x0  }
0x14: {  	s2 =	sld [smem:$0x3F96];
	s0 =	simm.s32 @p1 $0x1  }
0x15: {  	[smem:$0x3FB3] =	sst s0;
	s0 =	simm.s32 @!p2 $0x0  }
0x16: {  	s3 =	sld [smem:$0x3FDB];
	s0 =	simm.s32 @p2 $0x1  }
0x17: {  	s4 =	simm.s32 $0x1BF5;
	[smem:$0x3FB5] =	sst s0  }
0x18: {  	s0 =	sld [smem:$0x3F98];
	_ =	swait.ge [sflag:s4], $0x0  }
0x19: {  	s7 =	sld [smem:$0x3F99]  }
0x1a: {  	s8 =	sadd.s32 $0xFFFFE003, lr  }
0x1b: {  	s9 =	sadd.s32 $0xFFFFFEF7, lr;
	s5 =	simm.s32 $0xFFFFFFFF;
	p2 =	slt.u32 s8, $0xFFFFF086  }
0x1c: {  	p1 =	slt.u32 s9, $0xF7A;
	s5 =	simm.s32 @!p2 $0x0  }
0x1d: {  	s5 =	simm.s32 @p1 $0x1;
	p0 =	seq.s32 s7, s2  }
0x1e: {  	s7 =	smul.u32 @!p0 $0xF7A, s2;
	p2 =	seq.s32 @!p0 s5, $0x0  }
0x1f: {  	s9 =	smul.u32 $0xF7A, s1;
	s8 =	simm.s32 @!p0 $0x1BF5;
	p2 =	por !p2, p0  }
0x20: {  	[sflag:s8] =	ssyncset.s32 @!p0 $0xFFFFF086;
	s6 =	sadd.s32 @!p0 s3, s7;
	s7 =	simm.s32 @!p0 $0x108  }
0x21: {  	s3 =	sadd.s32 s3, s9;
	s6 =	sadd.s32 @!p0 $0x88, s6;
	s7 =	simm.s32 @p2 $0x1082  }
0x22: {  	[simem:s7], [sflag:s8] =	dma.local @!p0 [hbm:s6], $0xF7A  }
0x23: {  	s9 =	sor.u32 $0xD0000000, s2;
	s6 =	simm.s32 $0x108;
	_ =	swait.ge @!p0 [sflag:s8], $0x0  }
0x24: {  	s3 =	sadd.s32 $0x88, s3;
	s6 =	simm.s32 @!p1 $0x1082;
	[sflag:s4] =	ssyncset.s32 $0xFFFFF086  }
0x25: {  	[simem:s6], [sflag:s4] =	dma.local [hbm:s3], $0xF7A  }
0x26: {  	[smem:$0x3F99] =	sst s1;
	(tag) =	ssettag s2;
	_ =	strace s9  }
0x27: {  	s1 =	sld [smem:$0x3FA9]  }
0x28: {  	s2 =	sld [smem:$0x3FAA]  }
0x29: {  	s4 =	sld [smem:$0x3FAC]  }
0x2a: {  	p0 =	seq.s32 s5, $0x0;
	s5 =	sld [smem:$0x3FAD]  }
0x2b: {  	s6 =	sld [smem:$0x3FAE]  }
0x2c: {  	s7 =	sld [smem:$0x3FAF]  }
0x2d: {  	s3 =	simm.s32 $0x108;
	s8 =	sld [smem:$0x3FB0]  }
0x2e: {  	s3 =	simm.s32 @!p0 $0x1082;
	s9 =	sld [smem:$0x3FB1]  }
0x2f: {  	lr =	sadd.s32 s0, s3;
	s0 =	sld [smem:$0x3FA8]  }
0x30: {  	s3 =	sld [smem:$0x3FAB]  }
0x31: {  	[smem:$0x3FB4] =	sst s10  }
0x32: {  	s10 =	sld [smem:$0x3FB2];
	_ =	sdelay $0x3  }
0x33: {  	p0 =	seq.s32 s10, $0x1;
	s10 =	sld [smem:$0x3FB4];
	_ =	sdelay $0x3  }
0x34: {  	[smem:$0x3FB4] =	sst s10  }
0x35: {  	s10 =	sld [smem:$0x3FB3];
	_ =	sdelay $0x3  }
0x36: {  	p1 =	seq.s32 s10, $0x1;
	s10 =	sld [smem:$0x3FB4];
	_ =	sdelay $0x3  }
0x37: {  	[smem:$0x3FB4] =	sst s10  }
0x38: {  	s10 =	sld [smem:$0x3FB5]  }
0x39: {  	_ = 	snop;
	(pc) =	sbr.ind lr, $3  }
0x3a: {  	_ = 	snop  }
0x3b: {  	_ = 	snop  }
0x3c: {  	p2 =	seq.s32 s10, $0x1;
	s10 =	sld [smem:$0x3FB4]  }
0x3d: {  	_ =	shalt  }
0x3e: {  	_ =	shalt  }
0x3f: {  	_ =	shalt  }
0x40: {  	_ =	shalt  }
0x41: {  	_ =	shalt  }
0x42: {  	_ =	shalt  }
0x43: {  	_ =	shalt  }
0x44: {  	_ =	shalt  }
0x45: {  	_ =	shalt  }
0x46: {  	_ =	shalt  }
0x47: {  	_ =	shalt  }
0x48: {  	_ =	shalt  }
0x49: {  	_ =	shalt  }
0x4a: {  	_ =	shalt  }
0x4b: {  	_ =	shalt  }
0x4c: {  	_ =	shalt  }
0x4d: {  	_ =	shalt  }
0x4e: {  	_ =	shalt  }
0x4f: {  	_ =	shalt  }
0x50: {  	_ =	shalt  }
0x51: {  	_ =	shalt  }
0x52: {  	_ =	shalt  }
0x53: {  	_ =	shalt  }
0x54: {  	_ =	shalt  }
0x55: {  	_ =	shalt  }
0x56: {  	_ =	shalt  }
0x57: {  	_ =	shalt  }
0x58: {  	_ =	shalt  }
0x59: {  	_ =	shalt  }
0x5a: {  	_ =	shalt  }
0x5b: {  	_ =	shalt  }
0x5c: {  	_ =	shalt  }
0x5d: {  	_ =	shalt  }
0x5e: {  	_ =	shalt  }
0x5f: {  	_ =	shalt  }
0x60: {  	_ =	shalt  }
0x61: {  	_ =	shalt  }
0x62: {  	_ =	shalt  }
0x63: {  	_ =	shalt  }
0x64: {  	_ =	shalt  }
0x65: {  	_ =	shalt  }
0x66: {  	_ =	shalt  }
0x67: {  	_ =	shalt  }
0x68: {  	_ =	shalt  }
0x69: {  	_ =	shalt  }
0x6a: {  	_ =	shalt  }
0x6b: {  	_ =	shalt  }
0x6c: {  	_ =	shalt  }
0x6d: {  	_ =	shalt  }
0x6e: {  	_ =	shalt  }
0x6f: {  	_ =	shalt  }
0x70: {  	_ =	shalt  }
0x71: {  	_ =	shalt  }
0x72: {  	_ =	shalt  }
0x73: {  	_ =	shalt  }
0x74: {  	_ =	shalt  }
0x75: {  	_ =	shalt  }
0x76: {  	_ =	shalt  }
0x77: {  	_ =	shalt  }
0x78: {  	_ =	shalt  }
0x79: {  	_ =	shalt  }
0x7a: {  	_ =	shalt  }
0x7b: {  	_ =	shalt  }
0x7c: {  	_ =	shalt  }
0x7d: {  	_ =	shalt  }
0x7e: {  	_ =	shalt  }
0x7f: {  	_ =	shalt  }
0x80: {  	_ =	shalt  }
0x81: {  	_ =	shalt  }
0x82: {  	_ =	shalt  }
0x83: {  	_ =	shalt  }
0x84: {  	_ =	shalt  }
0x85: {  	_ =	shalt  }
0x86: {  	_ =	shalt  }
0x87: {  	_ =	shalt  }
.Lfunc_end0:
.L_simem_size_0:
called_computation_lowered:
.L_overlay_start_0:
0x88: {  	s2 =	sld [smem:$0x3FD9]  }
0x89: {  	s3 =	sld [smem:$0x3FFE];
	_ =	sdelay $0x1  }
0x8a: {  	s1 =	srdreg.scid  }
0x8b: {  	s0 =	sand.u32 $0x1, s1  }
0x8c: {  	s17 =	sshll.u32 s0, $0xA;
	s2 =	sadd.s32 s3, s2  }
0x8d: {  	s2 =	sadd.s32 s2, s17  }
0x8e: {  	[smem:$0x3FC0] =	sst s2  }
0x8f: {  	_ = 	snop  }
0x90: {  	s2 =	sld [smem:$0x3FD0];
	(tm) =	ssettm $0x1  }
0x91: {  	s18 =	sld [smem:$0x3FFB];
	_ =	sdelay $0x3  }
0x92: {  	_ =	strace s18  }
0x93: {  	s3 =	sld [smem:$0x3FFC];
	_ =	sdelay $0x3  }
0x94: {  	_ =	strace s3  }
0x95: {  	s3 =	sld [smem:$0x3FFD];
	_ =	sdelay $0x3  }
0x96: {  	_ =	strace s3  }
0x97: {  	_ =	strace $0x8FFFFFFF  }
0x98: {  	s19 =	sld [smem:$0x3FDB];
	_ =	sdelay $0x1  }
0x99: {  	s4 =	simm.s32 $_scs_section_size  }
0x9a: {  	s5 =	simm.s32 $_size__tile_overlayer_lowered;
	s6 =	simm.s32 $_tile_overlayer_lowered  }
0x9b: {  	s22 =	simm.s32 $0x1BFF;
	s21 =	sshll.u32 s6, $0x1;
	s3 =	sadd.s32 s4, s19  }
0x9c: {  	s7 =	simm.s32 $0x0;
	s20 =	sshll.u32 s5, $0x1;
	s5 =	sadd.s32 s21, s3  }
0x9d: {  	[timem:s7], [sflag:s22] =	dma.local [hbm:s5], s20  }
0x9e: {  	_ =	swait.ge [sflag:s22], s20  }
0x9f: {  	s4 =	ssub.s32 $0x0, s20;
	[sflag:s22] =	ssyncset.done $0x0  }
0xa0: {  	[sflag:s22] =	ssyncadd.s32 s4;
	_ =	sdelay $0x1  }
0xa1: {  	s23 =	simm.s32 $0x1B8B  }
0xa2: {  	_ =	swait.ge [sflag:s23], $0x1  }
0xa3: {  	[sflag:s23] =	ssyncset.done $0x0  }
0xa4: {  	s25 =	simm.s32 $0x1B8E;
	s24 =	sld [smem:$0x3FFE];
	[sflag:s23] =	ssyncadd.s32 $0xFFFFFFFF  }
0xa5: {  	s26 =	simm.s32 $execute0_lowered;
	[smem:$0x3FD2] =	sst s25  }
0xa6: {  	s5 =	sshll.u32 s26, $0x1;
	_ =	strace $0x80000046;
	[dreg:$0x1] =	wrdreg $0xFFFFFFFF  }
0xa7: {  	s28 =	simm.s32 $_size_execute0_lowered;
	s3 =	sadd.s32 s3, s5;
	[dreg:$0x0] =	wrdreg $0x0  }
0xa8: {  	s5 =	sshll.u32 s28, $0x1;
	[dreg:$0x2] =	wrdreg s3  }
0xa9: {  	[dreg:$0x3] =	wrdreg s5  }
0xaa: {  	[dreg:$0x4] =	wrdreg $0xC0  }
0xab: {  	_ =	task [dreg:s7], $0x5FFFF  }
0xac: {  	[dreg:$0x1] =	wrdreg $0xFFFFFFFF  }
0xad: {  	[dreg:$0x0] =	wrdreg $0x60  }
0xae: {  	[dreg:$0x2] =	wrdreg s2  }
0xaf: {  	[dreg:$0x3] =	wrdreg s24  }
0xb0: {  	[dreg:$0x4] =	wrdreg $0x40800  }
0xb1: {  	[dreg:$0x5] =	wrdreg $0x9  }
0xb2: {  	_ =	task.clear_ibuf [dreg:s7], $0x6FFFF;
	_ =	strace $0x90000046  }
0xb3: {  	s29 =	simm.s32 $0x9;
	_ =	strace $0x80000048  }
0xb4: {  	_ =	swait.ge [sflag:s29], $0x1  }
0xb5: {  	[sflag:s29] =	ssyncadd.s32 $0xFFFFFFFF  }
0xb6: {  	_ =	strace $0x90000048  }
0xb7: {  	_ =	sfence  }
0xb8: {  	s30 =	sld [smem:$0x0];
	_ =	sdelay $0x2  }
0xb9: {  	s31 =	sshll.u32 s1, $0xD;
	s1 =	sshrl.u32 s1, $0x2  }
0xba: {  	s3 =	sand.u32 $0x4000, s31;
	s1 =	sadd.s32 s1, s30  }
0xbb: {  	s0 =	sor.u32 s3, s0;
	s1 =	sshll.u32 s1, $0x11  }
0xbc: {  	s0 =	sor.u32 s1, s0  }
0xbd: {  	s0 =	sadd.s32 $0x8F2B, s0  }
0xbe: {  	[sflag:s0] =	ssyncadd.remote.s32 $0x1  }
0xbf: {  	_ =	sfence.sel $0xFFFF  }
0xc0: {  	[dreg:$0x0] =	wrdreg $0xFFFFFFFF;
	(pc) =	sbr.abs _section_cstart, $3  }
0xc1: {  	[dreg:$0x1] =	wrdreg $0xFFFFFFFF  }
0xc2: {  	_ =	task.clear_ibuf [dreg:s7], $0x2FFFF;
	_ =	strace $0x9FFFFFFF  }
0xc3: {  	(tm) =	ssettm $0x7FFFFFFF  }
tec
execute0_lowered:
.L_overlay_start_1:
0x0: {  	(tag) =	ssettag $0x1  }
0x1: {  	s2 =	rddreg [dreg:$0x0]  }
0x2: {  	s6 =	rddreg [dreg:$0x1]  }
0x3: {  	s3 =	rddreg [dreg:$0x2]  }
0x4: {  	s0 =	rddreg [dreg:$0x3]  }
0x5: {  	s1 =	stileid.u32;
	s4 =	simm.s32 $0x0;
	s5 =	srdreg.scid  }
0x6: {  	s13 =	smul.u32 $0x2800, s1;
	[smem:$0x7FF] =	sst s4;
	s7 =	sand.u32 $0x1, s5  }
0x7: {  	s5 =	sadd.s32 $0x2E00, s6;
	s11 =	smul.u32 $0x50000, s1;
	s31 =	sshll.u32 s1, $0x6  }
0x8: {  	_ =	strace $0x80000047;
	s9 =	smul.u32 $0x28000, s7;
	s10 =	ssub.s32 $0x2, s7  }
0x9: {  	s7 =	sshll.u32 s7, $0x4;
	s8 =	sadd.s32 s13, s6;
	s29 =	sshrl.u32 s10, $0x1  }
0xa: {  	s12 =	sor.u32 s1, s7;
	s30 =	sshrl.u32 s11, $0x2;
	s7 =	sor.u32 $0x1C01, s31  }
0xb: {  	s9 =	sadd.s32 s9, s6;
	s10 =	ssub.s32 s10, s29;
	s11 =	sadd.s32 s30, s3  }
0xc: {  	s6 =	sadd.s32 $0x3600, s8;
	s8 =	smul.u32 $0x2800, s12;
	s12 =	simm.s32 $0x80  }
0xd: {  	s14 =	sadd.s32 $0x2B600, s9;
	s9 =	smax.u32 s10, $0x1;
	s10 =	sshrl.u32 s11, $0x3  }
0xe: {  	s11 =	simm.s32 $0x1;
	s13 =	sadd.s32 s13, s14;
	s14 =	simm.s32 $0x0  }
.LBB2_1:
0xf: {  	[spmem:s10], [sflag:s7] =	dma.local [hbm:s6], $0x2800  }
0x10: {  	_ =	swait.ge [sflag:s11], $0x2800  }
0x11: {  	[sflag:s11] =	ssyncset.done $0x0  }
0x12: {  	s15 =	sand.u32 $0x3C00, s4;
	[sflag:s11] =	ssyncadd.s32 $0xFFFFD800  }
0x13: {  	[tilespmem:s12], [sflag:$0x1] =	stream.linear.gather [hbm4b:s5+s4], $0x4000, $0x38;
	[tilespmem:$0x18080] =	vst v63  }
0x14: {  	s16 =	sand.u32 $0x380, s4;
	s15 =	sadd.s32 s8, s15;
	_ =	swait.ge [sflag:s11], $0x4000  }
0x15: {  	s15 =	sor.u32 s16, s15;
	[sflag:s11] =	ssyncset.done $0x0  }
0x16: {  	s15 =	sshrl.u32 s15, $0x3;
	[sflag:s11] =	ssyncadd.s32 $0xFFFFC000  }
0x17: {  	s15 =	sadd.s32 s2, s15;
	[bflag:$0x0] =	sbarrier.arrive $0xFFFF  }
0x18: {  	[tilespmem:s4], [sflag:$0x1] =	stream.linear.gather [hbm4b:s15+s4], $0x80, $0x38;
	[tilespmem:$0x18080] =	vst v63  }
0x19: {  	_ =	swait.ge [sflag:s11], $0x80  }
0x1a: {  	s30 =	simm.s32 $0x80;
	[sflag:s11] =	ssyncset.done $0x0  }
0x1b: {  	s31 =	sand.u32 $0x3C00, s30;
	[sflag:s11] =	ssyncadd.s32 $0xFFFFFF80  }
0x1c: {  	[spmem:s3] =	stream.indirect.scatter.add.f32 [tilespmem:s12], [sflag:$0x1], $0x80, s4, s12, $0xb8;
	[tilespmem:$0x18080] =	vst v63  }
0x1d: {  	s17 =	sand.u32 $0x380, s30;
	s16 =	sadd.s32 s8, s31;
	_ =	swait.ge [sflag:s11], $0x4000  }
0x1e: {  	s16 =	sor.u32 s17, s16;
	s15 =	simm.s32 $0x100;
	[sflag:s11] =	ssyncset.done $0x0  }
.LBB2_2:
0x1f: {  	s16 =	sshrl.u32 s16, $0x3  }
0x20: {  	[sflag:s11] =	ssyncadd.s32 $0xFFFFC000;
	s17 =	smov.u32 s15;
	s18 =	sadd.s32 $0x80, s15  }
0x21: {  	p0 =	sne.s32 s15, $0x2780;
	s15 =	sadd.s32 s2, s16  }
0x22: {  	[tilespmem:s4], [sflag:$0x1] =	stream.linear.gather [hbm4b:s15+s4], $0x80, $0x38;
	[tilespmem:$0x18080] =	vst v63  }
0x23: {  	_ =	swait.ge [sflag:s11], $0x80  }
.Ltmp0:
0x24: {  	[sflag:s11] =	ssyncset.done $0x0;
	(pc) =	sbr.rel @p0 .LBB2_2-.Ltmp0, $4  }
0x25: {  	s15 =	sand.u32 $0x3C00, s17;
	[sflag:s11] =	ssyncadd.s32 $0xFFFFFF80  }
0x26: {  	[spmem:s3] =	stream.indirect.scatter.add.f32 [tilespmem:s12], [sflag:$0x1], $0x80, s4, s12, $0xb8;
	[tilespmem:$0x18080] =	vst v63  }
0x27: {  	s16 =	sand.u32 $0x380, s17;
	s15 =	sadd.s32 s8, s15;
	_ =	swait.ge [sflag:s11], $0x4000  }
0x28: {  	s16 =	sor.u32 s16, s15;
	s15 =	smov.u32 s18;
	[sflag:s11] =	ssyncset.done $0x0  }
0x29: {  	s15 =	sshrl.u32 s16, $0x3  }
0x2a: {  	[sflag:s11] =	ssyncadd.s32 $0xFFFFC000;
	s15 =	sadd.s32 s2, s15  }
0x2b: {  	[tilespmem:s4], [sflag:$0x1] =	stream.linear.gather [hbm4b:s15+s4], $0x80, $0x38;
	[tilespmem:$0x18080] =	vst v63  }
0x2c: {  	_ =	swait.ge [sflag:s11], $0x80  }
0x2d: {  	[sflag:s11] =	ssyncset.done $0x0  }
0x2e: {  	[sflag:s11] =	ssyncadd.s32 $0xFFFFFF80  }
0x2f: {  	[spmem:s3] =	stream.indirect.scatter.add.f32 [tilespmem:s12], [sflag:$0x1], $0x80, s4, s12, $0xb8;
	[tilespmem:$0x18080] =	vst v63  }
0x30: {  	_ =	swait.ge [sflag:s11], $0x4000  }
0x31: {  	s14 =	sadd.s32 $0x1, s14;
	[sflag:s11] =	ssyncset.done $0x0  }
0x32: {  	p0 =	sne.s32 s14, s9;
	[sflag:s11] =	ssyncadd.s32 $0xFFFFC000  }
.Ltmp1:
0x33: {  	[bflag:$0x0] =	sbarrier.arrive $0xFFFF;
	(pc) =	sbr.rel @p0 .LBB2_1-.Ltmp1, $4  }
0x34: {  	[hbm:s13], [sflag:s7] =	dma.local [spmem:s10], $0x2800  }
0x35: {  	_ =	swait.ge [sflag:s11], $0x2800  }
0x36: {  	[sflag:s11] =	ssyncset.done $0x0  }
0x37: {  	[sflag:s11] =	ssyncadd.s32 $0xFFFFD800  }
0x38: {  	_ =	sfence.sel $0x180000  }
0x39: {  	[bflag:$0x0] =	sbarrier.arrive $0xFFFF  }
0x3a: {  	p0 =	sne.s32 s1, $0x0;
	_ =	strace $0x90000047  }
0x3b: {  	s0 =	sadd.s32 @!p0 $0x100000, s0;
	[bflag:$0x2] =	sbarrier.arrive $0xFFFF  }
0x3c: {  	[sflag:s0] =	ssyncadd.tile.s32 @!p0 $0x1;
	_ =	shalt  }
.Lfunc_end2:
_tile_overlayer_lowered:
.L_overlay_start_2:
0x3d: {  	(tag) =	ssettag $0x2  }
0x3e: {  	s0 =	rddreg [dreg:$0x0];
	s2 =	stileid.u32  }
0x3f: {  	s1 =	rddreg [dreg:$0x1];
	p0 =	sne.s32 s2, $0x0  }
0x40: {  	s3 =	rddreg [dreg:$0x2];
	[bflag:$0x3] =	sbarrier.arrive $0xFFFF;
	s2 =	simm.s32 @!p0 $0x1C01  }
0x41: {  	[timem:s3], [sflag:s2] =	dma.local @!p0 [hbm:s0], s1  }
0x42: {  	s0 =	simm.s32 @!p0 $0x1  }
0x43: {  	_ =	swait.ge @!p0 [sflag:s0], s1  }
0x44: {  	s1 =	ssub.s32 @!p0 $0x0, s1;
	[sflag:s0] =	ssyncset.done @!p0 $0x0  }
0x45: {  	[sflag:s0] =	ssyncadd.s32 @!p0 s1  }
0x46: {  	[bflag:$0x3] =	sbarrier.arrive $0xFFFF  }
0x47: {  	_ =	shalt  }

// kernel: kernel.13.cloned.1.call-start
scs
__scs_entry_jumppad:
0x0: {  	(pc) =	sbr.rel $0x88, $3  }
0x1: {  	(tag) =	ssettag $0x0;
	lr =	simm.s32 $0x1  }
0x2: {  	[smem:$0x3F99] =	sst lr;
	_ =	strace $0xD0000000  }
0x3: {  	_ = 	snop  }
0x4: {  	_ = 	snop  }
0x5: {  	_ = 	snop  }
0x6: {  	_ = 	snop  }
0x7: {  	_ = 	snop  }
__scs_overlays_trampoline_lowered:
0x8: {  	[smem:$0x3FA8] =	sst s0  }
0x9: {  	[smem:$0x3FA9] =	sst s1  }
0xa: {  	[smem:$0x3FAA] =	sst s2  }
0xb: {  	[smem:$0x3FAB] =	sst s3  }
0xc: {  	[smem:$0x3FAC] =	sst s4  }
0xd: {  	[smem:$0x3FAD] =	sst s5  }
0xe: {  	[smem:$0x3FAE] =	sst s6  }
0xf: {  	[smem:$0x3FAF] =	sst s7  }
0x10: {  	[smem:$0x3FB0] =	sst s8  }
0x11: {  	[smem:$0x3FB1] =	sst s9;
	s0 =	simm.s32 @!p0 $0x0  }
0x12: {  	s1 =	sld [smem:$0x3F97];
	s0 =	simm.s32 @p0 $0x1  }
0x13: {  	[smem:$0x3FB2] =	sst s0;
	s0 =	simm.s32 @!p1 $0x0  }
0x14: {  	s2 =	sld [smem:$0x3F96];
	s0 =	simm.s32 @p1 $0x1  }
0x15: {  	[smem:$0x3FB3] =	sst s0;
	s0 =	simm.s32 @!p2 $0x0  }
0x16: {  	s3 =	sld [smem:$0x3FDB];
	s0 =	simm.s32 @p2 $0x1  }
0x17: {  	s4 =	simm.s32 $0x1BF5;
	[smem:$0x3FB5] =	sst s0  }
0x18: {  	s0 =	sld [smem:$0x3F98];
	_ =	swait.ge [sflag:s4], $0x0  }
0x19: {  	s7 =	sld [smem:$0x3F99]  }
0x1a: {  	s8 =	sadd.s32 $0xFFFFE003, lr  }
0x1b: {  	s9 =	sadd.s32 $0xFFFFFEF7, lr;
	s5 =	simm.s32 $0xFFFFFFFF;
	p2 =	slt.u32 s8, $0xFFFFF086  }
0x1c: {  	p1 =	slt.u32 s9, $0xF7A;
	s5 =	simm.s32 @!p2 $0x0  }
0x1d: {  	s5 =	simm.s32 @p1 $0x1;
	p0 =	seq.s32 s7, s2  }
0x1e: {  	s7 =	smul.u32 @!p0 $0xF7A, s2;
	p2 =	seq.s32 @!p0 s5, $0x0  }
0x1f: {  	s9 =	smul.u32 $0xF7A, s1;
	s8 =	simm.s32 @!p0 $0x1BF5;
	p2 =	por !p2, p0  }
0x20: {  	[sflag:s8] =	ssyncset.s32 @!p0 $0xFFFFF086;
	s6 =	sadd.s32 @!p0 s3, s7;
	s7 =	simm.s32 @!p0 $0x108  }
0x21: {  	s3 =	sadd.s32 s3, s9;
	s6 =	sadd.s32 @!p0 $0x88, s6;
	s7 =	simm.s32 @p2 $0x1082  }
0x22: {  	[simem:s7], [sflag:s8] =	dma.local @!p0 [hbm:s6], $0xF7A  }
0x23: {  	s9 =	sor.u32 $0xD0000000, s2;
	s6 =	simm.s32 $0x108;
	_ =	swait.ge @!p0 [sflag:s8], $0x0  }
0x24: {  	s3 =	sadd.s32 $0x88, s3;
	s6 =	simm.s32 @!p1 $0x1082;
	[sflag:s4] =	ssyncset.s32 $0xFFFFF086  }
0x25: {  	[simem:s6], [sflag:s4] =	dma.local [hbm:s3], $0xF7A  }
0x26: {  	[smem:$0x3F99] =	sst s1;
	(tag) =	ssettag s2;
	_ =	strace s9  }
0x27: {  	s1 =	sld [smem:$0x3FA9]  }
0x28: {  	s2 =	sld [smem:$0x3FAA]  }
0x29: {  	s4 =	sld [smem:$0x3FAC]  }
0x2a: {  	p0 =	seq.s32 s5, $0x0;
	s5 =	sld [smem:$0x3FAD]  }
0x2b: {  	s6 =	sld [smem:$0x3FAE]  }
0x2c: {  	s7 =	sld [smem:$0x3FAF]  }
0x2d: {  	s3 =	simm.s32 $0x108;
	s8 =	sld [smem:$0x3FB0]  }
0x2e: {  	s3 =	simm.s32 @!p0 $0x1082;
	s9 =	sld [smem:$0x3FB1]  }
0x2f: {  	lr =	sadd.s32 s0, s3;
	s0 =	sld [smem:$0x3FA8]  }
0x30: {  	s3 =	sld [smem:$0x3FAB]  }
0x31: {  	[smem:$0x3FB4] =	sst s10  }
0x32: {  	s10 =	sld [smem:$0x3FB2];
	_ =	sdelay $0x3  }
0x33: {  	p0 =	seq.s32 s10, $0x1;
	s10 =	sld [smem:$0x3FB4];
	_ =	sdelay $0x3  }
0x34: {  	[smem:$0x3FB4] =	sst s10  }
0x35: {  	s10 =	sld [smem:$0x3FB3];
	_ =	sdelay $0x3  }
0x36: {  	p1 =	seq.s32 s10, $0x1;
	s10 =	sld [smem:$0x3FB4];
	_ =	sdelay $0x3  }
0x37: {  	[smem:$0x3FB4] =	sst s10  }
0x38: {  	s10 =	sld [smem:$0x3FB5]  }
0x39: {  	_ = 	snop;
	(pc) =	sbr.ind lr, $3  }
0x3a: {  	_ = 	snop  }
0x3b: {  	_ = 	snop  }
0x3c: {  	p2 =	seq.s32 s10, $0x1;
	s10 =	sld [smem:$0x3FB4]  }
0x3d: {  	_ =	shalt  }
0x3e: {  	_ =	shalt  }
0x3f: {  	_ =	shalt  }
0x40: {  	_ =	shalt  }
0x41: {  	_ =	shalt  }
0x42: {  	_ =	shalt  }
0x43: {  	_ =	shalt  }
0x44: {  	_ =	shalt  }
0x45: {  	_ =	shalt  }
0x46: {  	_ =	shalt  }
0x47: {  	_ =	shalt  }
0x48: {  	_ =	shalt  }
0x49: {  	_ =	shalt  }
0x4a: {  	_ =	shalt  }
0x4b: {  	_ =	shalt  }
0x4c: {  	_ =	shalt  }
0x4d: {  	_ =	shalt  }
0x4e: {  	_ =	shalt  }
0x4f: {  	_ =	shalt  }
0x50: {  	_ =	shalt  }
0x51: {  	_ =	shalt  }
0x52: {  	_ =	shalt  }
0x53: {  	_ =	shalt  }
0x54: {  	_ =	shalt  }
0x55: {  	_ =	shalt  }
0x56: {  	_ =	shalt  }
0x57: {  	_ =	shalt  }
0x58: {  	_ =	shalt  }
0x59: {  	_ =	shalt  }
0x5a: {  	_ =	shalt  }
0x5b: {  	_ =	shalt  }
0x5c: {  	_ =	shalt  }
0x5d: {  	_ =	shalt  }
0x5e: {  	_ =	shalt  }
0x5f: {  	_ =	shalt  }
0x60: {  	_ =	shalt  }
0x61: {  	_ =	shalt  }
0x62: {  	_ =	shalt  }
0x63: {  	_ =	shalt  }
0x64: {  	_ =	shalt  }
0x65: {  	_ =	shalt  }
0x66: {  	_ =	shalt  }
0x67: {  	_ =	shalt  }
0x68: {  	_ =	shalt  }
0x69: {  	_ =	shalt  }
0x6a: {  	_ =	shalt  }
0x6b: {  	_ =	shalt  }
0x6c: {  	_ =	shalt  }
0x6d: {  	_ =	shalt  }
0x6e: {  	_ =	shalt  }
0x6f: {  	_ =	shalt  }
0x70: {  	_ =	shalt  }
0x71: {  	_ =	shalt  }
0x72: {  	_ =	shalt  }
0x73: {  	_ =	shalt  }
0x74: {  	_ =	shalt  }
0x75: {  	_ =	shalt  }
0x76: {  	_ =	shalt  }
0x77: {  	_ =	shalt  }
0x78: {  	_ =	shalt  }
0x79: {  	_ =	shalt  }
0x7a: {  	_ =	shalt  }
0x7b: {  	_ =	shalt  }
0x7c: {  	_ =	shalt  }
0x7d: {  	_ =	shalt  }
0x7e: {  	_ =	shalt  }
0x7f: {  	_ =	shalt  }
0x80: {  	_ =	shalt  }
0x81: {  	_ =	shalt  }
0x82: {  	_ =	shalt  }
0x83: {  	_ =	shalt  }
0x84: {  	_ =	shalt  }
0x85: {  	_ =	shalt  }
0x86: {  	_ =	shalt  }
0x87: {  	_ =	shalt  }
.Lfunc_end0:
.L_simem_size_0:
called_computation.1_lowered:
.L_overlay_start_0:
0x88: {  	s2 =	sld [smem:$0x3FD9]  }
0x89: {  	s3 =	sld [smem:$0x3FFE];
	_ =	sdelay $0x1  }
0x8a: {  	s1 =	srdreg.scid  }
0x8b: {  	s0 =	sand.u32 $0x1, s1  }
0x8c: {  	s16 =	sshll.u32 s0, $0xA;
	s2 =	sadd.s32 s3, s2  }
0x8d: {  	s2 =	sadd.s32 s2, s16  }
0x8e: {  	[smem:$0x3FC0] =	sst s2  }
0x8f: {  	_ = 	snop  }
0x90: {  	(tm) =	ssettm $0x1  }
0x91: {  	s17 =	sld [smem:$0x3FFB];
	_ =	sdelay $0x3  }
0x92: {  	_ =	strace s17  }
0x93: {  	s2 =	sld [smem:$0x3FFC];
	_ =	sdelay $0x3  }
0x94: {  	_ =	strace s2  }
0x95: {  	s2 =	sld [smem:$0x3FFD];
	_ =	sdelay $0x3  }
0x96: {  	_ =	strace s2  }
0x97: {  	_ =	strace $0x8FFFFFFF  }
0x98: {  	s18 =	sld [smem:$0x3FDB];
	_ =	sdelay $0x1  }
0x99: {  	s19 =	simm.s32 $_scs_section_size  }
0x9a: {  	s4 =	simm.s32 $_size__tile_overlayer_lowered;
	s5 =	simm.s32 $_tile_overlayer_lowered  }
0x9b: {  	s22 =	simm.s32 $0x1BFF;
	s21 =	sshll.u32 s5, $0x1;
	s2 =	sadd.s32 s19, s18  }
0x9c: {  	s6 =	simm.s32 $0x0;
	s20 =	sshll.u32 s4, $0x1;
	s4 =	sadd.s32 s21, s2  }
0x9d: {  	[timem:s6], [sflag:s22] =	dma.local [hbm:s4], s20  }
0x9e: {  	_ =	swait.ge [sflag:s22], s20  }
0x9f: {  	s3 =	ssub.s32 $0x0, s20;
	[sflag:s22] =	ssyncset.done $0x0  }
0xa0: {  	[sflag:s22] =	ssyncadd.s32 s3;
	_ =	sdelay $0x1  }
0xa1: {  	s23 =	simm.s32 $0x1B8B  }
0xa2: {  	_ =	swait.ge [sflag:s23], $0x1  }
0xa3: {  	[sflag:s23] =	ssyncset.done $0x0  }
0xa4: {  	s25 =	simm.s32 $0x1B8E;
	s24 =	sld [smem:$0x3FFE];
	[sflag:s23] =	ssyncadd.s32 $0xFFFFFFFF  }
0xa5: {  	s26 =	simm.s32 $execute0_lowered;
	[smem:$0x3FD2] =	sst s25  }
0xa6: {  	s4 =	sshll.u32 s26, $0x1;
	_ =	strace $0x80000049;
	[dreg:$0x1] =	wrdreg $0xFFFFFFFF  }
0xa7: {  	s28 =	simm.s32 $_size_execute0_lowered;
	s2 =	sadd.s32 s2, s4;
	[dreg:$0x0] =	wrdreg $0x0  }
0xa8: {  	s4 =	sshll.u32 s28, $0x1;
	[dreg:$0x2] =	wrdreg s2  }
0xa9: {  	[dreg:$0x3] =	wrdreg s4  }
0xaa: {  	[dreg:$0x4] =	wrdreg $0xC0  }
0xab: {  	_ =	task [dreg:s6], $0x5FFFF  }
0xac: {  	[dreg:$0x1] =	wrdreg $0xFFFFFFFF  }
0xad: {  	[dreg:$0x0] =	wrdreg $0x60  }
0xae: {  	[dreg:$0x2] =	wrdreg s24  }
0xaf: {  	[dreg:$0x3] =	wrdreg $0x82000  }
0xb0: {  	[dreg:$0x4] =	wrdreg $0x9  }
0xb1: {  	_ =	task.clear_ibuf [dreg:s6], $0x5FFFF;
	_ =	strace $0x90000049  }
0xb2: {  	s29 =	simm.s32 $0x9;
	_ =	strace $0x8000004B  }
0xb3: {  	_ =	swait.ge [sflag:s29], $0x1  }
0xb4: {  	[sflag:s29] =	ssyncadd.s32 $0xFFFFFFFF  }
0xb5: {  	_ =	strace $0x9000004B  }
0xb6: {  	_ =	sfence  }
0xb7: {  	s30 =	sld [smem:$0x0];
	_ =	sdelay $0x2  }
0xb8: {  	s31 =	sshll.u32 s1, $0xD;
	s1 =	sshrl.u32 s1, $0x2  }
0xb9: {  	s3 =	sand.u32 $0x4000, s31;
	s1 =	sadd.s32 s1, s30  }
0xba: {  	s0 =	sor.u32 s3, s0;
	s1 =	sshll.u32 s1, $0x11  }
0xbb: {  	s0 =	sor.u32 s1, s0  }
0xbc: {  	s0 =	sadd.s32 $0x8F2B, s0  }
0xbd: {  	[sflag:s0] =	ssyncadd.remote.s32 $0x1  }
0xbe: {  	_ =	sfence.sel $0xFFFF  }
0xbf: {  	[dreg:$0x0] =	wrdreg $0xFFFFFFFF;
	(pc) =	sbr.abs _section_cstart, $3  }
0xc0: {  	[dreg:$0x1] =	wrdreg $0xFFFFFFFF  }
0xc1: {  	_ =	task.clear_ibuf [dreg:s6], $0x2FFFF;
	_ =	strace $0x9FFFFFFF  }
0xc2: {  	(tm) =	ssettm $0x7FFFFFFF  }
0xc3: {  	_ =	shalt  }
tec
execute0_lowered:
.L_overlay_start_1:
0x0: {  	(tag) =	ssettag $0x1  }
0x1: {  	s0 =	rddreg [dreg:$0x0]  }
0x2: {  	s1 =	rddreg [dreg:$0x1];
	s3 =	simm.s32 $0x0  }
0x3: {  	s15 =	stileid.u32;
	s2 =	srdreg.scid;
	s16 =	simm.s32 $0x100  }
0x4: {  	s17 =	simm.s32 $0x80;
	s18 =	simm.s32 $0x180;
	s19 =	simm.s32 $0x1  }
0x5: {  	s20 =	simm.s32 $0x2;
	s21 =	simm.s32 $0x200;
	s22 =	simm.s32 $0x4200  }
0x6: {  	s23 =	simm.s32 $0x3;
	s25 =	simm.s32 $0x4;
	s28 =	simm.s32 $0x6  }
0x7: {  	s29 =	simm.s32 $0x0;
	[smem:$0x7FF] =	sst s3;
	s4 =	sadd.s32 $0x2B600, s0  }
0x8: {  	s24 =	smul.u32 $0x2800, s15;
	s2 =	sand.u32 $0x1, s2;
	s5 =	sadd.s32 $0x87E00, s0  }
0x9: {  	s6 =	sadd.s32 $0x80600, s0;
	s7 =	sadd.s32 $0x7B600, s0;
	s11 =	smul.u32 $0x50000, s15  }
0xa: {  	s8 =	sadd.s32 $0x7DE00, s0;
	s31 =	sshll.u32 s15, $0x6;
	_ =	strace $0x8000004A  }
0xb: {  	s9 =	smul.u32 $0x28000, s2;
	s10 =	ssub.s32 $0x2, s2;
	p0 =	seq.s32 s2, $0x1  }
0xc: {  	s12 =	sadd.s32 s24, s0;
	s26 =	sshrl.u32 s11, $0x2;
	s11 =	smul.u32 $0x3C00, s15  }
.Ltmp0:
0xd: {  	s13 =	sshrl.u32 s10, $0x1;
	s0 =	sadd.s32 s9, s0;
	(pc) =	sbr.rel .LBB2_1-.Ltmp0, $4  }
0xe: {  	s13 =	ssub.s32 s10, s13;
	s14 =	sadd.s32 s26, s1;
	s30 =	sadd.s32 $0x3600, s12  }
0xf: {  	s10 =	sor.u32 $0x1C07, s31;
	s12 =	smul.u32 $0x1400, s15;
	s15 =	simm.s32 $0x7  }
0x10: {  	s26 =	simm.s32 $0x5;
	[dreg:$0x3] =	wrdreg s30;
	s0 =	sadd.s32 $0x8F600, s0  }
0x11: {  	s13 =	smax.u32 s13, $0x1;
	s14 =	sshrl.u32 s14, $0x3;
	s24 =	sadd.s32 s24, s0  }
.LBB2_7:
0x12: {  	s2 =	sadd.s32 s7, s0;
	[sflag:s28] =	ssyncadd.s32 $0xFFFFC000  }
0x13: {  	[tilespmem:s3], [sflag:$0x1] =	stream.linear.gather [hbm4b:s2+s3], $0x80, $0x38;
	[tilespmem:$0x1C200] =	vst v63  }
0x14: {  	s9 =	sadd.s32 s8, s0;
	s30 =	sor.u32 $0x10, s0  }
0x15: {  	[tilespmem:s16], [sflag:$0x1] =	stream.linear.gather [hbm4b:s9+s3], $0x80, $0x38;
	[tilespmem:$0x1C200] =	vst v63  }
0x16: {  	s31 =	sadd.s32 s7, s30  }
0x17: {  	[tilespmem:s17], [sflag:$0x2] =	stream.linear.gather [hbm4b:s31+s3], $0x80, $0x38;
	[tilespmem:$0x1C200] =	vst v63  }
0x18: {  	s0 =	sadd.s32 s8, s30  }
0x19: {  	[tilespmem:s18], [sflag:$0x2] =	stream.linear.gather [hbm4b:s0+s3], $0x80, $0x38;
	[tilespmem:$0x1C200] =	vst v63  }
0x1a: {  	_ =	swait.ge [sflag:s19], $0x80  }
0x1b: {  	[sflag:s19] =	ssyncset.done $0x0  }
0x1c: {  	[sflag:s19] =	ssyncadd.s32 $0xFFFFFF80  }
0x1d: {  	_ =	swait.ge [sflag:s19], $0x80  }
0x1e: {  	[sflag:s19] =	ssyncset.done $0x0  }
0x1f: {  	[sflag:s19] =	ssyncadd.s32 $0xFFFFFF80  }
0x20: {  	_ =	swait.ge [sflag:s20], $0x80  }
0x21: {  	[sflag:s20] =	ssyncset.done $0x0  }
0x22: {  	[sflag:s20] =	ssyncadd.s32 $0xFFFFFF80  }
0x23: {  	_ =	swait.ge [sflag:s20], $0x80  }
0x24: {  	[sflag:s20] =	ssyncset.done $0x0  }
0x25: {  	[sflag:s20] =	ssyncadd.s32 $0xFFFFFF80  }
0x26: {  	[tilespmem:s21], [sflag:$0x3] =	stream.indirect.gather [hbm4b:s4+s17], $0x80, s3, s17, $0xb8;
	[tilespmem:$0x1C200] =	vst v63  }
0x27: {  	_ = 	snop  }
0x28: {  	[tilespmem:s22], [sflag:$0x4] =	stream.indirect.gather [hbm4b:s4+s17], $0x80, s17, s17, $0xb8;
	[tilespmem:$0x1C200] =	vst v63  }
0x29: {  	_ =	swait.ge [sflag:s23], $0x4000  }
0x2a: {  	[sflag:s23] =	ssyncset.done $0x0  }
0x2b: {  	[sflag:s23] =	ssyncadd.s32 $0xFFFFC000  }
0x2c: {  	[spmem:s1] =	stream.indirect.scatter.add.f32 [tilespmem:s21], [sflag:$0x5], $0x80, s16, s17, $0xb8;
	[tilespmem:$0x1C200] =	vst v63  }
0x2d: {  	_ =	swait.ge [sflag:s25], $0x4000  }
0x2e: {  	[sflag:s25] =	ssyncset.done $0x0  }
0x2f: {  	[sflag:s25] =	ssyncadd.s32 $0xFFFFC000  }
0x30: {  	[spmem:s1] =	stream.indirect.scatter.add.f32 [tilespmem:s22], [sflag:$0x6], $0x80, s18, s17, $0xb8;
	[tilespmem:$0x1C200] =	vst v63  }
0x31: {  	_ =	swait.ge [sflag:s26], $0x4000  }
0x32: {  	[sflag:s26] =	ssyncset.done $0x0  }
0x33: {  	[sflag:s26] =	ssyncadd.s32 $0xFFFFC000  }
0x34: {  	_ =	swait.ge [sflag:s28], $0x4000  }
0x35: {  	[sflag:s28] =	ssyncset.done $0x0  }
0x36: {  	[sflag:s28] =	ssyncadd.s32 $0xFFFFC000  }
.LBB2_8:
0x37: {  	s29 =	sadd.s32 $0x1, s29  }
0x38: {  	p1 =	sne.s32 s29, s13  }
.Ltmp1:
0x39: {  	[bflag:$0x0] =	sbarrier.arrive $0xFFFF;
	(pc) =	sbr.rel @!p1 .LBB2_9-.Ltmp1, $4  }
0x3a: {  	[hbm:s24], [sflag:s10] =	dma.local [spmem:s14], $0x2800  }
0x3b: {  	_ =	swait.ge [sflag:s15], $0x2800  }
0x3c: {  	[sflag:s15] =	ssyncset.done $0x0  }
0x3d: {  	[sflag:s15] =	ssyncadd.s32 $0xFFFFD800  }
.LBB2_1:
0x3e: {  	s0 =	rddreg [dreg:$0x3]  }
0x3f: {  	[spmem:s14], [sflag:s10] =	dma.local [hbm:s0], $0x2800  }
.Ltmp2:
0x40: {  	_ =	swait.ge [sflag:s15], $0x2800;
	(pc) =	sbr.rel @!p0 .LBB2_2-.Ltmp2, $3  }
0x41: {  	[sflag:s15] =	ssyncset.done $0x0  }
0x42: {  	[sflag:s15] =	ssyncadd.s32 $0xFFFFD800  }
0x43: {  	[bflag:$0x0] =	sbarrier.arrive $0xFFFF;
	_ =	sdelay $0x1  }
0x44: {  	s0 =	sand.u32 $0x1C00, s3  }
0x45: {  	s2 =	sand.u32 $0x300, s3;
	s0 =	sadd.s32 s12, s0  }
0x46: {  	s0 =	sor.u32 s2, s0  }
0x47: {  	s0 =	sshrl.u32 s0, $0x3  }
0x48: {  	s30 =	sadd.s32 s7, s0  }
0x49: {  	[tilespmem:s3], [sflag:$0x1] =	stream.linear.gather [hbm4b:s30+s3], $0x80, $0x38;
	[tilespmem:$0x1C200] =	vst v63  }
0x4a: {  	s31 =	sadd.s32 s8, s0;
	s0 =	sor.u32 $0x10, s0  }
0x4b: {  	[tilespmem:s16], [sflag:$0x1] =	stream.linear.gather [hbm4b:s31+s3], $0x80, $0x38;
	[tilespmem:$0x1C200] =	vst v63  }
0x4c: {  	s9 =	sadd.s32 s7, s0  }
0x4d: {  	[tilespmem:s17], [sflag:$0x2] =	stream.linear.gather [hbm4b:s9+s3], $0x80, $0x38;
	[tilespmem:$0x1C200] =	vst v63  }
0x4e: {  	s0 =	sadd.s32 s8, s0  }
0x4f: {  	[tilespmem:s18], [sflag:$0x2] =	stream.linear.gather [hbm4b:s0+s3], $0x80, $0x38;
	[tilespmem:$0x1C200] =	vst v63  }
0x50: {  	_ =	swait.ge [sflag:s19], $0x80  }
0x51: {  	[sflag:s19] =	ssyncset.done $0x0  }
0x52: {  	[sflag:s19] =	ssyncadd.s32 $0xFFFFFF80  }
0x53: {  	_ =	swait.ge [sflag:s19], $0x80  }
0x54: {  	[sflag:s19] =	ssyncset.done $0x0  }
0x55: {  	[sflag:s19] =	ssyncadd.s32 $0xFFFFFF80  }
0x56: {  	_ =	swait.ge [sflag:s20], $0x80  }
0x57: {  	[sflag:s20] =	ssyncset.done $0x0  }
0x58: {  	[sflag:s20] =	ssyncadd.s32 $0xFFFFFF80  }
0x59: {  	_ =	swait.ge [sflag:s20], $0x80  }
0x5a: {  	[sflag:s20] =	ssyncset.done $0x0  }
0x5b: {  	[sflag:s20] =	ssyncadd.s32 $0xFFFFFF80  }
0x5c: {  	[tilespmem:s21], [sflag:$0x3] =	stream.indirect.gather [hbm4b:s4+s17], $0x80, s3, s17, $0xb8;
	[tilespmem:$0x1C200] =	vst v63  }
0x5d: {  	_ = 	snop  }
0x5e: {  	[tilespmem:s22], [sflag:$0x4] =	stream.indirect.gather [hbm4b:s4+s17], $0x80, s17, s17, $0xb8;
	[tilespmem:$0x1C200] =	vst v63  }
0x5f: {  	_ =	swait.ge [sflag:s23], $0x4000  }
0x60: {  	[sflag:s23] =	ssyncset.done $0x0  }
0x61: {  	[sflag:s23] =	ssyncadd.s32 $0xFFFFC000  }
0x62: {  	[spmem:s1] =	stream.indirect.scatter.add.f32 [tilespmem:s21], [sflag:$0x5], $0x80, s16, s17, $0xb8;
	[tilespmem:$0x1C200] =	vst v63  }
0x63: {  	_ =	swait.ge [sflag:s25], $0x4000  }
0x64: {  	[sflag:s25] =	ssyncset.done $0x0  }
0x65: {  	[sflag:s25] =	ssyncadd.s32 $0xFFFFC000  }
0x66: {  	[spmem:s1] =	stream.indirect.scatter.add.f32 [tilespmem:s22], [sflag:$0x6], $0x80, s18, s17, $0xb8;
	[tilespmem:$0x1C200] =	vst v63  }
0x67: {  	s30 =	simm.s32 $0x100;
	_ =	swait.ge [sflag:s26], $0x4000  }
0x68: {  	s31 =	sand.u32 $0x1C00, s30;
	[sflag:s26] =	ssyncset.done $0x0  }
0x69: {  	s2 =	sadd.s32 s12, s31;
	s0 =	sand.u32 $0x300, s30;
	[sflag:s26] =	ssyncadd.s32 $0xFFFFC000  }
0x6a: {  	s0 =	sor.u32 s0, s2;
	_ =	swait.ge [sflag:s28], $0x4000  }
0x6b: {  	s2 =	simm.s32 $0x200;
	s0 =	sshrl.u32 s0, $0x3;
	[sflag:s28] =	ssyncset.done $0x0  }
.LBB2_6:
0x6c: {  	s9 =	sadd.s32 s7, s0  }
0x6d: {  	[sflag:s28] =	ssyncadd.s32 $0xFFFFC000;
	s31 =	smov.u32 s2;
	s30 =	sadd.s32 $0x100, s2  }
0x6e: {  	[tilespmem:s3], [sflag:$0x1] =	stream.linear.gather [hbm4b:s9+s3], $0x80, $0x38;
	[tilespmem:$0x1C200] =	vst v63  }
0x6f: {  	p1 =	sne.s32 s2, $0x1300;
	s2 =	sadd.s32 s8, s0;
	s0 =	sor.u32 $0x10, s0  }
0x70: {  	[tilespmem:s16], [sflag:$0x1] =	stream.linear.gather [hbm4b:s2+s3], $0x80, $0x38;
	[tilespmem:$0x1C200] =	vst v63  }
0x71: {  	s2 =	sadd.s32 s7, s0  }
0x72: {  	[tilespmem:s17], [sflag:$0x2] =	stream.linear.gather [hbm4b:s2+s3], $0x80, $0x38;
	[tilespmem:$0x1C200] =	vst v63  }
0x73: {  	s0 =	sadd.s32 s8, s0  }
0x74: {  	[tilespmem:s18], [sflag:$0x2] =	stream.linear.gather [hbm4b:s0+s3], $0x80, $0x38;
	[tilespmem:$0x1C200] =	vst v63  }
0x75: {  	_ =	swait.ge [sflag:s19], $0x80  }
0x76: {  	[sflag:s19] =	ssyncset.done $0x0  }
0x77: {  	[sflag:s19] =	ssyncadd.s32 $0xFFFFFF80  }
0x78: {  	_ =	swait.ge [sflag:s19], $0x80  }
0x79: {  	[sflag:s19] =	ssyncset.done $0x0  }
0x7a: {  	[sflag:s19] =	ssyncadd.s32 $0xFFFFFF80  }
0x7b: {  	_ =	swait.ge [sflag:s20], $0x80  }
0x7c: {  	[sflag:s20] =	ssyncset.done $0x0  }
0x7d: {  	[sflag:s20] =	ssyncadd.s32 $0xFFFFFF80  }
0x7e: {  	_ =	swait.ge [sflag:s20], $0x80  }
0x7f: {  	[sflag:s20] =	ssyncset.done $0x0  }
0x80: {  	[sflag:s20] =	ssyncadd.s32 $0xFFFFFF80  }
0x81: {  	[tilespmem:s21], [sflag:$0x3] =	stream.indirect.gather [hbm4b:s4+s17], $0x80, s3, s17, $0xb8;
	[tilespmem:$0x1C200] =	vst v63  }
0x82: {  	_ = 	snop  }
0x83: {  	[tilespmem:s22], [sflag:$0x4] =	stream.indirect.gather [hbm4b:s4+s17], $0x80, s17, s17, $0xb8;
	[tilespmem:$0x1C200] =	vst v63  }
0x84: {  	_ =	swait.ge [sflag:s23], $0x4000  }
0x85: {  	[sflag:s23] =	ssyncset.done $0x0  }
0x86: {  	[sflag:s23] =	ssyncadd.s32 $0xFFFFC000  }
0x87: {  	[spmem:s1] =	stream.indirect.scatter.add.f32 [tilespmem:s21], [sflag:$0x5], $0x80, s16, s17, $0xb8;
	[tilespmem:$0x1C200] =	vst v63  }
0x88: {  	_ =	swait.ge [sflag:s25], $0x4000  }
0x89: {  	[sflag:s25] =	ssyncset.done $0x0  }
0x8a: {  	[sflag:s25] =	ssyncadd.s32 $0xFFFFC000  }
0x8b: {  	[spmem:s1] =	stream.indirect.scatter.add.f32 [tilespmem:s22], [sflag:$0x6], $0x80, s18, s17, $0xb8;
	[tilespmem:$0x1C200] =	vst v63  }
.Ltmp3:
0x8c: {  	_ =	swait.ge [sflag:s26], $0x4000;
	(pc) =	sbr.rel @p1 .LBB2_6-.Ltmp3, $4  }
0x8d: {  	s0 =	sand.u32 $0x1C00, s31;
	[sflag:s26] =	ssyncset.done $0x0  }
0x8e: {  	s2 =	sand.u32 $0x300, s31;
	s0 =	sadd.s32 s12, s0;
	[sflag:s26] =	ssyncadd.s32 $0xFFFFC000  }
0x8f: {  	s0 =	sor.u32 s2, s0;
	_ =	swait.ge [sflag:s28], $0x4000  }
0x90: {  	s2 =	smov.u32 s30;
	s0 =	sshrl.u32 s0, $0x3;
	[sflag:s28] =	ssyncset.done $0x0  }
.Ltmp4:
0x91: {  	_ = 	snop;
	(pc) =	sbr.rel .LBB2_7-.Ltmp4, $1  }
0x92: {  	_ =	sdelay $0x3  }
.LBB2_2:
0x93: {  	s0 =	sand.u32 $0x3C00, s3  }
0x94: {  	s2 =	sand.u32 $0x300, s3;
	s0 =	sadd.s32 s11, s0  }
0x95: {  	s0 =	sor.u32 s2, s0  }
0x96: {  	s0 =	sshrl.u32 s0, $0x3  }
0x97: {  	s31 =	sadd.s32 s5, s0  }
0x98: {  	[tilespmem:s3], [sflag:$0x1] =	stream.linear.gather [hbm4b:s31+s3], $0x80, $0x38;
	[tilespmem:$0x1C200] =	vst v63  }
0x99: {  	s9 =	sadd.s32 s6, s0;
	s0 =	sor.u32 $0x10, s0  }
0x9a: {  	[tilespmem:s16], [sflag:$0x1] =	stream.linear.gather [hbm4b:s9+s3], $0x80, $0x38;
	[tilespmem:$0x1C200] =	vst v63  }
0x9b: {  	s31 =	sadd.s32 s5, s0  }
0x9c: {  	[tilespmem:s17], [sflag:$0x2] =	stream.linear.gather [hbm4b:s31+s3], $0x80, $0x38;
	[tilespmem:$0x1C200] =	vst v63  }
0x9d: {  	s0 =	sadd.s32 s6, s0  }
0x9e: {  	[tilespmem:s18], [sflag:$0x2] =	stream.linear.gather [hbm4b:s0+s3], $0x80, $0x38;
	[tilespmem:$0x1C200] =	vst v63  }
0x9f: {  	_ =	swait.ge [sflag:s19], $0x80  }
0xa0: {  	[sflag:s19] =	ssyncset.done $0x0  }
0xa1: {  	[sflag:s19] =	ssyncadd.s32 $0xFFFFFF80  }
0xa2: {  	_ =	swait.ge [sflag:s19], $0x80  }
0xa3: {  	[sflag:s19] =	ssyncset.done $0x0  }
0xa4: {  	[sflag:s19] =	ssyncadd.s32 $0xFFFFFF80  }
0xa5: {  	_ =	swait.ge [sflag:s20], $0x80  }
0xa6: {  	[sflag:s20] =	ssyncset.done $0x0  }
0xa7: {  	[sflag:s20] =	ssyncadd.s32 $0xFFFFFF80  }
0xa8: {  	_ =	swait.ge [sflag:s20], $0x80  }
0xa9: {  	[sflag:s20] =	ssyncset.done $0x0  }
0xaa: {  	[sflag:s20] =	ssyncadd.s32 $0xFFFFFF80  }
0xab: {  	[tilespmem:s21], [sflag:$0x3] =	stream.indirect.gather [hbm4b:s4+s17], $0x80, s3, s17, $0xb8;
	[tilespmem:$0x1C200] =	vst v63  }
0xac: {  	_ = 	snop  }
0xad: {  	[tilespmem:s22], [sflag:$0x4] =	stream.indirect.gather [hbm4b:s4+s17], $0x80, s17, s17, $0xb8;
	[tilespmem:$0x1C200] =	vst v63  }
0xae: {  	_ =	swait.ge [sflag:s23], $0x4000  }
0xaf: {  	[sflag:s23] =	ssyncset.done $0x0  }
0xb0: {  	[sflag:s23] =	ssyncadd.s32 $0xFFFFC000  }
0xb1: {  	[spmem:s1] =	stream.indirect.scatter.add.f32 [tilespmem:s21], [sflag:$0x5], $0x80, s16, s17, $0xb8;
	[tilespmem:$0x1C200] =	vst v63  }
0xb2: {  	_ =	swait.ge [sflag:s25], $0x4000  }
0xb3: {  	[sflag:s25] =	ssyncset.done $0x0  }
0xb4: {  	[sflag:s25] =	ssyncadd.s32 $0xFFFFC000  }
0xb5: {  	[spmem:s1] =	stream.indirect.scatter.add.f32 [tilespmem:s22], [sflag:$0x6], $0x80, s18, s17, $0xb8;
	[tilespmem:$0x1C200] =	vst v63  }
0xb6: {  	s9 =	simm.s32 $0x100;
	_ =	swait.ge [sflag:s26], $0x4000  }
0xb7: {  	s31 =	sand.u32 $0x3C00, s9;
	[sflag:s26] =	ssyncset.done $0x0  }
0xb8: {  	s2 =	sadd.s32 s11, s31;
	s0 =	sand.u32 $0x300, s9;
	[sflag:s26] =	ssyncadd.s32 $0xFFFFC000  }
0xb9: {  	s0 =	sor.u32 s0, s2;
	_ =	swait.ge [sflag:s28], $0x4000  }
0xba: {  	s30 =	simm.s32 $0x200;
	s0 =	sshrl.u32 s0, $0x3;
	[sflag:s28] =	ssyncset.done $0x0  }
.LBB2_3:
0xbb: {  	s9 =	sadd.s32 s5, s0  }
0xbc: {  	[sflag:s28] =	ssyncadd.s32 $0xFFFFC000;
	s31 =	smov.u32 s30;
	s2 =	sadd.s32 $0x100, s30  }
0xbd: {  	[tilespmem:s3], [sflag:$0x1] =	stream.linear.gather [hbm4b:s9+s3], $0x80, $0x38;
	[tilespmem:$0x1C200] =	vst v63  }
0xbe: {  	p1 =	seq.s32 s30, $0x3B00;
	s9 =	sadd.s32 s6, s0;
	s0 =	sor.u32 $0x10, s0  }
0xbf: {  	[tilespmem:s16], [sflag:$0x1] =	stream.linear.gather [hbm4b:s9+s3], $0x80, $0x38;
	[tilespmem:$0x1C200] =	vst v63  }
0xc0: {  	s9 =	sadd.s32 s5, s0  }
0xc1: {  	[tilespmem:s17], [sflag:$0x2] =	stream.linear.gather [hbm4b:s9+s3], $0x80, $0x38;
	[tilespmem:$0x1C200] =	vst v63  }
0xc2: {  	s0 =	sadd.s32 s6, s0  }
0xc3: {  	[tilespmem:s18], [sflag:$0x2] =	stream.linear.gather [hbm4b:s0+s3], $0x80, $0x38;
	[tilespmem:$0x1C200] =	vst v63  }
0xc4: {  	_ =	swait.ge [sflag:s19], $0x80  }
0xc5: {  	[sflag:s19] =	ssyncset.done $0x0  }
0xc6: {  	[sflag:s19] =	ssyncadd.s32 $0xFFFFFF80  }
0xc7: {  	_ =	swait.ge [sflag:s19], $0x80  }
0xc8: {  	[sflag:s19] =	ssyncset.done $0x0  }
0xc9: {  	[sflag:s19] =	ssyncadd.s32 $0xFFFFFF80  }
0xca: {  	_ =	swait.ge [sflag:s20], $0x80  }
0xcb: {  	[sflag:s20] =	ssyncset.done $0x0  }
0xcc: {  	[sflag:s20] =	ssyncadd.s32 $0xFFFFFF80  }
0xcd: {  	_ =	swait.ge [sflag:s20], $0x80  }
0xce: {  	[sflag:s20] =	ssyncset.done $0x0  }
0xcf: {  	[sflag:s20] =	ssyncadd.s32 $0xFFFFFF80  }
0xd0: {  	[tilespmem:s21], [sflag:$0x3] =	stream.indirect.gather [hbm4b:s4+s17], $0x80, s3, s17, $0xb8;
	[tilespmem:$0x1C200] =	vst v63  }
0xd1: {  	_ = 	snop  }
0xd2: {  	[tilespmem:s22], [sflag:$0x4] =	stream.indirect.gather [hbm4b:s4+s17], $0x80, s17, s17, $0xb8;
	[tilespmem:$0x1C200] =	vst v63  }
0xd3: {  	_ =	swait.ge [sflag:s23], $0x4000  }
0xd4: {  	[sflag:s23] =	ssyncset.done $0x0  }
0xd5: {  	[sflag:s23] =	ssyncadd.s32 $0xFFFFC000  }
0xd6: {  	[spmem:s1] =	stream.indirect.scatter.add.f32 [tilespmem:s21], [sflag:$0x5], $0x80, s16, s17, $0xb8;
	[tilespmem:$0x1C200] =	vst v63  }
0xd7: {  	_ =	swait.ge [sflag:s25], $0x4000  }
0xd8: {  	[sflag:s25] =	ssyncset.done $0x0  }
0xd9: {  	[sflag:s25] =	ssyncadd.s32 $0xFFFFC000  }
0xda: {  	[spmem:s1] =	stream.indirect.scatter.add.f32 [tilespmem:s22], [sflag:$0x6], $0x80, s18, s17, $0xb8;
	[tilespmem:$0x1C200] =	vst v63  }
.Ltmp5:
0xdb: {  	_ =	swait.ge [sflag:s26], $0x4000;
	(pc) =	sbr.rel @!p1 .LBB2_3-.Ltmp5, $4  }
0xdc: {  	s0 =	sand.u32 $0x3C00, s31;
	[sflag:s26] =	ssyncset.done $0x0  }
0xdd: {  	s9 =	sand.u32 $0x300, s31;
	s0 =	sadd.s32 s11, s0;
	[sflag:s26] =	ssyncadd.s32 $0xFFFFC000  }
0xde: {  	s0 =	sor.u32 s9, s0;
	_ =	swait.ge [sflag:s28], $0x4000  }
0xdf: {  	s30 =	smov.u32 s2;
	s0 =	sshrl.u32 s0, $0x3;
	[sflag:s28] =	ssyncset.done $0x0  }
0xe0: {  	s2 =	sadd.s32 s5, s0;
	[sflag:s28] =	ssyncadd.s32 $0xFFFFC000  }
0xe1: {  	[tilespmem:s3], [sflag:$0x1] =	stream.linear.gather [hbm4b:s2+s3], $0x80, $0x38;
	[tilespmem:$0x1C200] =	vst v63  }
0xe2: {  	s9 =	sadd.s32 s6, s0;
	s30 =	sor.u32 $0x10, s0  }
0xe3: {  	[tilespmem:s16], [sflag:$0x1] =	stream.linear.gather [hbm4b:s9+s3], $0x80, $0x38;
	[tilespmem:$0x1C200] =	vst v63  }
0xe4: {  	s31 =	sadd.s32 s5, s30  }
0xe5: {  	[tilespmem:s17], [sflag:$0x2] =	stream.linear.gather [hbm4b:s31+s3], $0x80, $0x38;
	[tilespmem:$0x1C200] =	vst v63  }
0xe6: {  	s0 =	sadd.s32 s6, s30  }
0xe7: {  	[tilespmem:s18], [sflag:$0x2] =	stream.linear.gather [hbm4b:s0+s3], $0x80, $0x38;
	[tilespmem:$0x1C200] =	vst v63  }
0xe8: {  	_ =	swait.ge [sflag:s19], $0x80  }
0xe9: {  	[sflag:s19] =	ssyncset.done $0x0  }
0xea: {  	[sflag:s19] =	ssyncadd.s32 $0xFFFFFF80  }
0xeb: {  	_ =	swait.ge [sflag:s19], $0x80  }
0xec: {  	[sflag:s19] =	ssyncset.done $0x0  }
0xed: {  	[sflag:s19] =	ssyncadd.s32 $0xFFFFFF80  }
0xee: {  	_ =	swait.ge [sflag:s20], $0x80  }
0xef: {  	[sflag:s20] =	ssyncset.done $0x0  }
0xf0: {  	[sflag:s20] =	ssyncadd.s32 $0xFFFFFF80  }
0xf1: {  	_ =	swait.ge [sflag:s20], $0x80  }
0xf2: {  	[sflag:s20] =	ssyncset.done $0x0  }
0xf3: {  	[sflag:s20] =	ssyncadd.s32 $0xFFFFFF80  }
0xf4: {  	[tilespmem:s21], [sflag:$0x3] =	stream.indirect.gather [hbm4b:s4+s17], $0x80, s3, s17, $0xb8;
	[tilespmem:$0x1C200] =	vst v63  }
0xf5: {  	_ = 	snop  }
0xf6: {  	[tilespmem:s22], [sflag:$0x4] =	stream.indirect.gather [hbm4b:s4+s17], $0x80, s17, s17, $0xb8;
	[tilespmem:$0x1C200] =	vst v63  }
0xf7: {  	_ =	swait.ge [sflag:s23], $0x4000  }
0xf8: {  	[sflag:s23] =	ssyncset.done $0x0  }
0xf9: {  	[sflag:s23] =	ssyncadd.s32 $0xFFFFC000  }
0xfa: {  	[spmem:s1] =	stream.indirect.scatter.add.f32 [tilespmem:s21], [sflag:$0x5], $0x80, s16, s17, $0xb8;
	[tilespmem:$0x1C200] =	vst v63  }
0xfb: {  	_ =	swait.ge [sflag:s25], $0x4000  }
0xfc: {  	[sflag:s25] =	ssyncset.done $0x0  }
0xfd: {  	[sflag:s25] =	ssyncadd.s32 $0xFFFFC000  }
0xfe: {  	[spmem:s1] =	stream.indirect.scatter.add.f32 [tilespmem:s22], [sflag:$0x6], $0x80, s18, s17, $0xb8;
	[tilespmem:$0x1C200] =	vst v63  }
0xff: {  	_ =	swait.ge [sflag:s26], $0x4000  }
.Ltmp6:
0x100: {  	[sflag:s26] =	ssyncset.done $0x0;
	(pc) =	sbr.rel .LBB2_8-.Ltmp6, $4  }
0x101: {  	[sflag:s26] =	ssyncadd.s32 $0xFFFFC000  }
0x102: {  	_ =	swait.ge [sflag:s28], $0x4000  }
0x103: {  	[sflag:s28] =	ssyncset.done $0x0  }
0x104: {  	[sflag:s28] =	ssyncadd.s32 $0xFFFFC000  }
.LBB2_9:
0x105: {  	_ =	sfence.sel $0x180000  }
0x106: {  	[bflag:$0x0] =	sbarrier.arrive $0xFFFF  }
0x107: {  	_ =	strace $0x9000004A  }
0x108: {  	s0 =	stileid.u32;
	[bflag:$0x2] =	sbarrier.arrive $0xFFFF  }
0x109: {  	p0 =	sne.s32 s0, $0x0;
	s0 =	rddreg [dreg:$0x2]  }
0x10a: {  	s0 =	sadd.s32 @!p0 $0x100000, s0  }
0x10b: {  	[sflag:s0] =	ssyncadd.tile.s32 @!p0 $0x1;
	_ =	shalt  }
.Lfunc_end2:
_tile_overlayer_lowered:
.L_overlay_start_2:
0x10c: {  	(tag) =	ssettag $0x2  }
0x10d: {  	s0 =	rddreg [dreg:$0x0];
	s2 =	stileid.u32  }
0x10e: {  	s1 =	rddreg [dreg:$0x1];
	p0 =	sne.s32 s2, $0x0  }
0x10f: {  	s3 =	rddreg [dreg:$0x2];
	[bflag:$0x3] =	sbarrier.arrive $0xFFFF;
	s2 =	simm.s32 @!p0 $0x1C07  }
0x110: {  	[timem:s3], [sflag:s2] =	dma.local @!p0 [hbm:s0], s1  }
0x111: {  	s0 =	simm.s32 @!p0 $0x7  }
0x112: {  	_ =	swait.ge @!p0 [sflag:s0], s1  }
0x113: {  	s1 =	ssub.s32 @!p0 $0x0, s1;
	[sflag:s0] =	ssyncset.done @!p0 $0x0  }
0x114: {  	[sflag:s0] =	ssyncadd.s32 @!p0 s1  }
0x115: {  	[bflag:$0x3] =	sbarrier.arrive $0xFFFF  }
0x116: {  	_ =	shalt  }

// kernel: kernel.16.cloned.1.call-start
scs
__scs_entry_jumppad:
0x0: {  	(pc) =	sbr.rel $0x88, $3  }
0x1: {  	(tag) =	ssettag $0x0;
	lr =	simm.s32 $0x1  }
0x2: {  	[smem:$0x3F99] =	sst lr;
	_ =	strace $0xD0000000  }
0x3: {  	_ = 	snop  }
0x4: {  	_ = 	snop  }
0x5: {  	_ = 	snop  }
0x6: {  	_ = 	snop  }
0x7: {  	_ = 	snop  }
__scs_overlays_trampoline_lowered:
0x8: {  	[smem:$0x3FA8] =	sst s0  }
0x9: {  	[smem:$0x3FA9] =	sst s1  }
0xa: {  	[smem:$0x3FAA] =	sst s2  }
0xb: {  	[smem:$0x3FAB] =	sst s3  }
0xc: {  	[smem:$0x3FAC] =	sst s4  }
0xd: {  	[smem:$0x3FAD] =	sst s5  }
0xe: {  	[smem:$0x3FAE] =	sst s6  }
0xf: {  	[smem:$0x3FAF] =	sst s7  }
0x10: {  	[smem:$0x3FB0] =	sst s8  }
0x11: {  	[smem:$0x3FB1] =	sst s9;
	s0 =	simm.s32 @!p0 $0x0  }
0x12: {  	s1 =	sld [smem:$0x3F97];
	s0 =	simm.s32 @p0 $0x1  }
0x13: {  	[smem:$0x3FB2] =	sst s0;
	s0 =	simm.s32 @!p1 $0x0  }
0x14: {  	s2 =	sld [smem:$0x3F96];
	s0 =	simm.s32 @p1 $0x1  }
0x15: {  	[smem:$0x3FB3] =	sst s0;
	s0 =	simm.s32 @!p2 $0x0  }
0x16: {  	s3 =	sld [smem:$0x3FDB];
	s0 =	simm.s32 @p2 $0x1  }
0x17: {  	s4 =	simm.s32 $0x1BF5;
	[smem:$0x3FB5] =	sst s0  }
0x18: {  	s0 =	sld [smem:$0x3F98];
	_ =	swait.ge [sflag:s4], $0x0  }
0x19: {  	s7 =	sld [smem:$0x3F99]  }
0x1a: {  	s8 =	sadd.s32 $0xFFFFE003, lr  }
0x1b: {  	s9 =	sadd.s32 $0xFFFFFEF7, lr;
	s5 =	simm.s32 $0xFFFFFFFF;
	p2 =	slt.u32 s8, $0xFFFFF086  }
0x1c: {  	p1 =	slt.u32 s9, $0xF7A;
	s5 =	simm.s32 @!p2 $0x0  }
0x1d: {  	s5 =	simm.s32 @p1 $0x1;
	p0 =	seq.s32 s7, s2  }
0x1e: {  	s7 =	smul.u32 @!p0 $0xF7A, s2;
	p2 =	seq.s32 @!p0 s5, $0x0  }
0x1f: {  	s9 =	smul.u32 $0xF7A, s1;
	s8 =	simm.s32 @!p0 $0x1BF5;
	p2 =	por !p2, p0  }
0x20: {  	[sflag:s8] =	ssyncset.s32 @!p0 $0xFFFFF086;
	s6 =	sadd.s32 @!p0 s3, s7;
	s7 =	simm.s32 @!p0 $0x108  }
0x21: {  	s3 =	sadd.s32 s3, s9;
	s6 =	sadd.s32 @!p0 $0x88, s6;
	s7 =	simm.s32 @p2 $0x1082  }
0x22: {  	[simem:s7], [sflag:s8] =	dma.local @!p0 [hbm:s6], $0xF7A  }
0x23: {  	s9 =	sor.u32 $0xD0000000, s2;
	s6 =	simm.s32 $0x108;
	_ =	swait.ge @!p0 [sflag:s8], $0x0  }
0x24: {  	s3 =	sadd.s32 $0x88, s3;
	s6 =	simm.s32 @!p1 $0x1082;
	[sflag:s4] =	ssyncset.s32 $0xFFFFF086  }
0x25: {  	[simem:s6], [sflag:s4] =	dma.local [hbm:s3], $0xF7A  }
0x26: {  	[smem:$0x3F99] =	sst s1;
	(tag) =	ssettag s2;
	_ =	strace s9  }
0x27: {  	s1 =	sld [smem:$0x3FA9]  }
0x28: {  	s2 =	sld [smem:$0x3FAA]  }
0x29: {  	s4 =	sld [smem:$0x3FAC]  }
0x2a: {  	p0 =	seq.s32 s5, $0x0;
	s5 =	sld [smem:$0x3FAD]  }
0x2b: {  	s6 =	sld [smem:$0x3FAE]  }
0x2c: {  	s7 =	sld [smem:$0x3FAF]  }
0x2d: {  	s3 =	simm.s32 $0x108;
	s8 =	sld [smem:$0x3FB0]  }
0x2e: {  	s3 =	simm.s32 @!p0 $0x1082;
	s9 =	sld [smem:$0x3FB1]  }
0x2f: {  	lr =	sadd.s32 s0, s3;
	s0 =	sld [smem:$0x3FA8]  }
0x30: {  	s3 =	sld [smem:$0x3FAB]  }
0x31: {  	[smem:$0x3FB4] =	sst s10  }
0x32: {  	s10 =	sld [smem:$0x3FB2];
	_ =	sdelay $0x3  }
0x33: {  	p0 =	seq.s32 s10, $0x1;
	s10 =	sld [smem:$0x3FB4];
	_ =	sdelay $0x3  }
0x34: {  	[smem:$0x3FB4] =	sst s10  }
0x35: {  	s10 =	sld [smem:$0x3FB3];
	_ =	sdelay $0x3  }
0x36: {  	p1 =	seq.s32 s10, $0x1;
	s10 =	sld [smem:$0x3FB4];
	_ =	sdelay $0x3  }
0x37: {  	[smem:$0x3FB4] =	sst s10  }
0x38: {  	s10 =	sld [smem:$0x3FB5]  }
0x39: {  	_ = 	snop;
	(pc) =	sbr.ind lr, $3  }
0x3a: {  	_ = 	snop  }
0x3b: {  	_ = 	snop  }
0x3c: {  	p2 =	seq.s32 s10, $0x1;
	s10 =	sld [smem:$0x3FB4]  }
0x3d: {  	_ =	shalt  }
0x3e: {  	_ =	shalt  }
0x3f: {  	_ =	shalt  }
0x40: {  	_ =	shalt  }
0x41: {  	_ =	shalt  }
0x42: {  	_ =	shalt  }
0x43: {  	_ =	shalt  }
0x44: {  	_ =	shalt  }
0x45: {  	_ =	shalt  }
0x46: {  	_ =	shalt  }
0x47: {  	_ =	shalt  }
0x48: {  	_ =	shalt  }
0x49: {  	_ =	shalt  }
0x4a: {  	_ =	shalt  }
0x4b: {  	_ =	shalt  }
0x4c: {  	_ =	shalt  }
0x4d: {  	_ =	shalt  }
0x4e: {  	_ =	shalt  }
0x4f: {  	_ =	shalt  }
0x50: {  	_ =	shalt  }
0x51: {  	_ =	shalt  }
0x52: {  	_ =	shalt  }
0x53: {  	_ =	shalt  }
0x54: {  	_ =	shalt  }
0x55: {  	_ =	shalt  }
0x56: {  	_ =	shalt  }
0x57: {  	_ =	shalt  }
0x58: {  	_ =	shalt  }
0x59: {  	_ =	shalt  }
0x5a: {  	_ =	shalt  }
0x5b: {  	_ =	shalt  }
0x5c: {  	_ =	shalt  }
0x5d: {  	_ =	shalt  }
0x5e: {  	_ =	shalt  }
0x5f: {  	_ =	shalt  }
0x60: {  	_ =	shalt  }
0x61: {  	_ =	shalt  }
0x62: {  	_ =	shalt  }
0x63: {  	_ =	shalt  }
0x64: {  	_ =	shalt  }
0x65: {  	_ =	shalt  }
0x66: {  	_ =	shalt  }
0x67: {  	_ =	shalt  }
0x68: {  	_ =	shalt  }
0x69: {  	_ =	shalt  }
0x6a: {  	_ =	shalt  }
0x6b: {  	_ =	shalt  }
0x6c: {  	_ =	shalt  }
0x6d: {  	_ =	shalt  }
0x6e: {  	_ =	shalt  }
0x6f: {  	_ =	shalt  }
0x70: {  	_ =	shalt  }
0x71: {  	_ =	shalt  }
0x72: {  	_ =	shalt  }
0x73: {  	_ =	shalt  }
0x74: {  	_ =	shalt  }
0x75: {  	_ =	shalt  }
0x76: {  	_ =	shalt  }
0x77: {  	_ =	shalt  }
0x78: {  	_ =	shalt  }
0x79: {  	_ =	shalt  }
0x7a: {  	_ =	shalt  }
0x7b: {  	_ =	shalt  }
0x7c: {  	_ =	shalt  }
0x7d: {  	_ =	shalt  }
0x7e: {  	_ =	shalt  }
0x7f: {  	_ =	shalt  }
0x80: {  	_ =	shalt  }
0x81: {  	_ =	shalt  }
0x82: {  	_ =	shalt  }
0x83: {  	_ =	shalt  }
0x84: {  	_ =	shalt  }
0x85: {  	_ =	shalt  }
0x86: {  	_ =	shalt  }
0x87: {  	_ =	shalt  }
.Lfunc_end0:
.L_simem_size_0:
called_computation.2_lowered:
.L_overlay_start_0:
0x88: {  	s2 =	sld [smem:$0x3FD9]  }
0x89: {  	s3 =	sld [smem:$0x3FFE];
	_ =	sdelay $0x1  }
0x8a: {  	s1 =	srdreg.scid  }
0x8b: {  	s0 =	sand.u32 $0x1, s1  }
0x8c: {  	s16 =	sshll.u32 s0, $0xA;
	s2 =	sadd.s32 s3, s2  }
0x8d: {  	s2 =	sadd.s32 s2, s16  }
0x8e: {  	[smem:$0x3FC0] =	sst s2  }
0x8f: {  	_ = 	snop  }
0x90: {  	(tm) =	ssettm $0x1  }
0x91: {  	s17 =	sld [smem:$0x3FFB];
	_ =	sdelay $0x3  }
0x92: {  	_ =	strace s17  }
0x93: {  	s2 =	sld [smem:$0x3FFC];
	_ =	sdelay $0x3  }
0x94: {  	_ =	strace s2  }
0x95: {  	s2 =	sld [smem:$0x3FFD];
	_ =	sdelay $0x3  }
0x96: {  	_ =	strace s2  }
0x97: {  	_ =	strace $0x8FFFFFFF  }
0x98: {  	s18 =	sld [smem:$0x3FDB];
	_ =	sdelay $0x1  }
0x99: {  	s19 =	simm.s32 $_scs_section_size  }
0x9a: {  	s4 =	simm.s32 $_size__tile_overlayer_lowered;
	s5 =	simm.s32 $_tile_overlayer_lowered  }
0x9b: {  	s22 =	simm.s32 $0x1BFF;
	s21 =	sshll.u32 s5, $0x1;
	s2 =	sadd.s32 s19, s18  }
0x9c: {  	s6 =	simm.s32 $0x0;
	s20 =	sshll.u32 s4, $0x1;
	s4 =	sadd.s32 s21, s2  }
0x9d: {  	[timem:s6], [sflag:s22] =	dma.local [hbm:s4], s20  }
0x9e: {  	_ =	swait.ge [sflag:s22], s20  }
0x9f: {  	s3 =	ssub.s32 $0x0, s20;
	[sflag:s22] =	ssyncset.done $0x0  }
0xa0: {  	[sflag:s22] =	ssyncadd.s32 s3;
	_ =	sdelay $0x1  }
0xa1: {  	s23 =	simm.s32 $0x1B8B  }
0xa2: {  	_ =	swait.ge [sflag:s23], $0x1  }
0xa3: {  	[sflag:s23] =	ssyncset.done $0x0  }
0xa4: {  	s25 =	simm.s32 $0x1B8E;
	s24 =	sld [smem:$0x3FFE];
	[sflag:s23] =	ssyncadd.s32 $0xFFFFFFFF  }
0xa5: {  	s26 =	simm.s32 $execute0_lowered;
	[smem:$0x3FD2] =	sst s25  }
0xa6: {  	s4 =	sshll.u32 s26, $0x1;
	_ =	strace $0x8000004C;
	[dreg:$0x1] =	wrdreg $0xFFFFFFFF  }
0xa7: {  	s28 =	simm.s32 $_size_execute0_lowered;
	s2 =	sadd.s32 s2, s4;
	[dreg:$0x0] =	wrdreg $0x0  }
0xa8: {  	s4 =	sshll.u32 s28, $0x1;
	[dreg:$0x2] =	wrdreg s2  }
0xa9: {  	[dreg:$0x3] =	wrdreg s4  }
0xaa: {  	[dreg:$0x4] =	wrdreg $0xC0  }
0xab: {  	_ =	task [dreg:s6], $0x5FFFF  }
0xac: {  	[dreg:$0x1] =	wrdreg $0xFFFFFFFF  }
0xad: {  	[dreg:$0x0] =	wrdreg $0x60  }
0xae: {  	[dreg:$0x2] =	wrdreg s24  }
0xaf: {  	[dreg:$0x3] =	wrdreg $0x82000  }
0xb0: {  	[dreg:$0x4] =	wrdreg $0x9  }
0xb1: {  	_ =	task.clear_ibuf [dreg:s6], $0x5FFFF;
	_ =	strace $0x9000004C  }
0xb2: {  	s29 =	simm.s32 $0x9;
	_ =	strace $0x8000004E  }
0xb3: {  	_ =	swait.ge [sflag:s29], $0x1  }
0xb4: {  	[sflag:s29] =	ssyncadd.s32 $0xFFFFFFFF  }
0xb5: {  	_ =	strace $0x9000004E  }
0xb6: {  	_ =	sfence  }
0xb7: {  	s30 =	sld [smem:$0x0];
	_ =	sdelay $0x2  }
0xb8: {  	s31 =	sshll.u32 s1, $0xD;
	s1 =	sshrl.u32 s1, $0x2  }
0xb9: {  	s3 =	sand.u32 $0x4000, s31;
	s1 =	sadd.s32 s1, s30  }
0xba: {  	s0 =	sor.u32 s3, s0;
	s1 =	sshll.u32 s1, $0x11  }
0xbb: {  	s0 =	sor.u32 s1, s0  }
0xbc: {  	s0 =	sadd.s32 $0x8F2B, s0  }
0xbd: {  	[sflag:s0] =	ssyncadd.remote.s32 $0x1  }
0xbe: {  	_ =	sfence.sel $0xFFFF  }
0xbf: {  	[dreg:$0x0] =	wrdreg $0xFFFFFFFF;
	(pc) =	sbr.abs _section_cstart, $3  }
0xc0: {  	[dreg:$0x1] =	wrdreg $0xFFFFFFFF  }
0xc1: {  	_ =	task.clear_ibuf [dreg:s6], $0x2FFFF;
	_ =	strace $0x9FFFFFFF  }
0xc2: {  	(tm) =	ssettm $0x7FFFFFFF  }
0xc3: {  	_ =	shalt  }
tec
execute0_lowered:
.L_overlay_start_1:
0x0: {  	(tag) =	ssettag $0x1  }
0x1: {  	s0 =	rddreg [dreg:$0x0]  }
0x2: {  	s1 =	rddreg [dreg:$0x1];
	s3 =	simm.s32 $0x0  }
0x3: {  	s15 =	stileid.u32;
	s2 =	srdreg.scid;
	s16 =	simm.s32 $0x100  }
0x4: {  	s17 =	simm.s32 $0x80;
	s18 =	simm.s32 $0x180;
	s19 =	simm.s32 $0x1  }
0x5: {  	s20 =	simm.s32 $0x2;
	s21 =	simm.s32 $0x200;
	s22 =	simm.s32 $0x4200  }
0x6: {  	s23 =	simm.s32 $0x3;
	s25 =	simm.s32 $0x4;
	s28 =	simm.s32 $0x6  }
0x7: {  	s29 =	simm.s32 $0x0;
	[smem:$0x7FF] =	sst s3;
	s4 =	sadd.s32 $0x2B600, s0  }
0x8: {  	s24 =	smul.u32 $0x2800, s15;
	s2 =	sand.u32 $0x1, s2;
	s5 =	sadd.s32 $0x87E00, s0  }
0x9: {  	s6 =	sadd.s32 $0x80600, s0;
	s7 =	sadd.s32 $0x7B600, s0;
	s11 =	smul.u32 $0x50000, s15  }
0xa: {  	s8 =	sadd.s32 $0x7DE00, s0;
	s31 =	sshll.u32 s15, $0x6;
	_ =	strace $0x8000004D  }
0xb: {  	s9 =	smul.u32 $0x28000, s2;
	s10 =	ssub.s32 $0x2, s2;
	p0 =	seq.s32 s2, $0x1  }
0xc: {  	s12 =	sadd.s32 s24, s0;
	s26 =	sshrl.u32 s11, $0x2;
	s11 =	smul.u32 $0x3C00, s15  }
.Ltmp0:
0xd: {  	s13 =	sshrl.u32 s10, $0x1;
	s0 =	sadd.s32 s9, s0;
	(pc) =	sbr.rel .LBB2_1-.Ltmp0, $4  }
0xe: {  	s13 =	ssub.s32 s10, s13;
	s14 =	sadd.s32 s26, s1;
	s30 =	sadd.s32 $0x3600, s12  }
0xf: {  	s10 =	sor.u32 $0x1C07, s31;
	s12 =	smul.u32 $0x1400, s15;
	s15 =	simm.s32 $0x7  }
0x10: {  	s26 =	simm.s32 $0x5;
	[dreg:$0x3] =	wrdreg s30;
	s0 =	sadd.s32 $0x8F600, s0  }
0x11: {  	s13 =	smax.u32 s13, $0x1;
	s14 =	sshrl.u32 s14, $0x3;
	s24 =	sadd.s32 s24, s0  }
.LBB2_7:
0x12: {  	s2 =	sadd.s32 s7, s0;
	[sflag:s28] =	ssyncadd.s32 $0xFFFFC000  }
0x13: {  	[tilespmem:s3], [sflag:$0x1] =	stream.linear.gather [hbm4b:s2+s3], $0x80, $0x38;
	[tilespmem:$0x1C200] =	vst v63  }
0x14: {  	s9 =	sadd.s32 s8, s0;
	s30 =	sor.u32 $0x10, s0  }
0x15: {  	[tilespmem:s16], [sflag:$0x1] =	stream.linear.gather [hbm4b:s9+s3], $0x80, $0x38;
	[tilespmem:$0x1C200] =	vst v63  }
0x16: {  	s31 =	sadd.s32 s7, s30  }
0x17: {  	[tilespmem:s17], [sflag:$0x2] =	stream.linear.gather [hbm4b:s31+s3], $0x80, $0x38;
	[tilespmem:$0x1C200] =	vst v63  }
0x18: {  	s0 =	sadd.s32 s8, s30  }
0x19: {  	[tilespmem:s18], [sflag:$0x2] =	stream.linear.gather [hbm4b:s0+s3], $0x80, $0x38;
	[tilespmem:$0x1C200] =	vst v63  }
0x1a: {  	_ =	swait.ge [sflag:s19], $0x80  }
0x1b: {  	[sflag:s19] =	ssyncset.done $0x0  }
0x1c: {  	[sflag:s19] =	ssyncadd.s32 $0xFFFFFF80  }
0x1d: {  	_ =	swait.ge [sflag:s19], $0x80  }
0x1e: {  	[sflag:s19] =	ssyncset.done $0x0  }
0x1f: {  	[sflag:s19] =	ssyncadd.s32 $0xFFFFFF80  }
0x20: {  	_ =	swait.ge [sflag:s20], $0x80  }
0x21: {  	[sflag:s20] =	ssyncset.done $0x0  }
0x22: {  	[sflag:s20] =	ssyncadd.s32 $0xFFFFFF80  }
0x23: {  	_ =	swait.ge [sflag:s20], $0x80  }
0x24: {  	[sflag:s20] =	ssyncset.done $0x0  }
0x25: {  	[sflag:s20] =	ssyncadd.s32 $0xFFFFFF80  }
0x26: {  	[tilespmem:s21], [sflag:$0x3] =	stream.indirect.gather [hbm4b:s4+s17], $0x80, s3, s17, $0xb8;
	[tilespmem:$0x1C200] =	vst v63  }
0x27: {  	_ = 	snop  }
0x28: {  	[tilespmem:s22], [sflag:$0x4] =	stream.indirect.gather [hbm4b:s4+s17], $0x80, s17, s17, $0xb8;
	[tilespmem:$0x1C200] =	vst v63  }
0x29: {  	_ =	swait.ge [sflag:s23], $0x4000  }
0x2a: {  	[sflag:s23] =	ssyncset.done $0x0  }
0x2b: {  	[sflag:s23] =	ssyncadd.s32 $0xFFFFC000  }
0x2c: {  	[spmem:s1] =	stream.indirect.scatter.add.f32 [tilespmem:s21], [sflag:$0x5], $0x80, s16, s17, $0xb8;
	[tilespmem:$0x1C200] =	vst v63  }
0x2d: {  	_ =	swait.ge [sflag:s25], $0x4000  }
0x2e: {  	[sflag:s25] =	ssyncset.done $0x0  }
0x2f: {  	[sflag:s25] =	ssyncadd.s32 $0xFFFFC000  }
0x30: {  	[spmem:s1] =	stream.indirect.scatter.add.f32 [tilespmem:s22], [sflag:$0x6], $0x80, s18, s17, $0xb8;
	[tilespmem:$0x1C200] =	vst v63  }
0x31: {  	_ =	swait.ge [sflag:s26], $0x4000  }
0x32: {  	[sflag:s26] =	ssyncset.done $0x0  }
0x33: {  	[sflag:s26] =	ssyncadd.s32 $0xFFFFC000  }
0x34: {  	_ =	swait.ge [sflag:s28], $0x4000  }
0x35: {  	[sflag:s28] =	ssyncset.done $0x0  }
0x36: {  	[sflag:s28] =	ssyncadd.s32 $0xFFFFC000  }
.LBB2_8:
0x37: {  	s29 =	sadd.s32 $0x1, s29  }
0x38: {  	p1 =	sne.s32 s29, s13  }
.Ltmp1:
0x39: {  	[bflag:$0x0] =	sbarrier.arrive $0xFFFF;
	(pc) =	sbr.rel @!p1 .LBB2_9-.Ltmp1, $4  }
0x3a: {  	[hbm:s24], [sflag:s10] =	dma.local [spmem:s14], $0x2800  }
0x3b: {  	_ =	swait.ge [sflag:s15], $0x2800  }
0x3c: {  	[sflag:s15] =	ssyncset.done $0x0  }
0x3d: {  	[sflag:s15] =	ssyncadd.s32 $0xFFFFD800  }
.LBB2_1:
0x3e: {  	s0 =	rddreg [dreg:$0x3]  }
0x3f: {  	[spmem:s14], [sflag:s10] =	dma.local [hbm:s0], $0x2800  }
.Ltmp2:
0x40: {  	_ =	swait.ge [sflag:s15], $0x2800;
	(pc) =	sbr.rel @!p0 .LBB2_2-.Ltmp2, $3  }
0x41: {  	[sflag:s15] =	ssyncset.done $0x0  }
0x42: {  	[sflag:s15] =	ssyncadd.s32 $0xFFFFD800  }
0x43: {  	[bflag:$0x0] =	sbarrier.arrive $0xFFFF;
	_ =	sdelay $0x1  }
0x44: {  	s0 =	sand.u32 $0x1C00, s3  }
0x45: {  	s2 =	sand.u32 $0x300, s3;
	s0 =	sadd.s32 s12, s0  }
0x46: {  	s0 =	sor.u32 s2, s0  }
0x47: {  	s0 =	sshrl.u32 s0, $0x3  }
0x48: {  	s30 =	sadd.s32 s7, s0  }
0x49: {  	[tilespmem:s3], [sflag:$0x1] =	stream.linear.gather [hbm4b:s30+s3], $0x80, $0x38;
	[tilespmem:$0x1C200] =	vst v63  }
0x4a: {  	s31 =	sadd.s32 s8, s0;
	s0 =	sor.u32 $0x10, s0  }
0x4b: {  	[tilespmem:s16], [sflag:$0x1] =	stream.linear.gather [hbm4b:s31+s3], $0x80, $0x38;
	[tilespmem:$0x1C200] =	vst v63  }
0x4c: {  	s9 =	sadd.s32 s7, s0  }
0x4d: {  	[tilespmem:s17], [sflag:$0x2] =	stream.linear.gather [hbm4b:s9+s3], $0x80, $0x38;
	[tilespmem:$0x1C200] =	vst v63  }
0x4e: {  	s0 =	sadd.s32 s8, s0  }
0x4f: {  	[tilespmem:s18], [sflag:$0x2] =	stream.linear.gather [hbm4b:s0+s3], $0x80, $0x38;
	[tilespmem:$0x1C200] =	vst v63  }
0x50: {  	_ =	swait.ge [sflag:s19], $0x80  }
0x51: {  	[sflag:s19] =	ssyncset.done $0x0  }
0x52: {  	[sflag:s19] =	ssyncadd.s32 $0xFFFFFF80  }
0x53: {  	_ =	swait.ge [sflag:s19], $0x80  }
0x54: {  	[sflag:s19] =	ssyncset.done $0x0  }
0x55: {  	[sflag:s19] =	ssyncadd.s32 $0xFFFFFF80  }
0x56: {  	_ =	swait.ge [sflag:s20], $0x80  }
0x57: {  	[sflag:s20] =	ssyncset.done $0x0  }
0x58: {  	[sflag:s20] =	ssyncadd.s32 $0xFFFFFF80  }
0x59: {  	_ =	swait.ge [sflag:s20], $0x80  }
0x5a: {  	[sflag:s20] =	ssyncset.done $0x0  }
0x5b: {  	[sflag:s20] =	ssyncadd.s32 $0xFFFFFF80  }
0x5c: {  	[tilespmem:s21], [sflag:$0x3] =	stream.indirect.gather [hbm4b:s4+s17], $0x80, s3, s17, $0xb8;
	[tilespmem:$0x1C200] =	vst v63  }
0x5d: {  	_ = 	snop  }
0x5e: {  	[tilespmem:s22], [sflag:$0x4] =	stream.indirect.gather [hbm4b:s4+s17], $0x80, s17, s17, $0xb8;
	[tilespmem:$0x1C200] =	vst v63  }
0x5f: {  	_ =	swait.ge [sflag:s23], $0x4000  }
0x60: {  	[sflag:s23] =	ssyncset.done $0x0  }
0x61: {  	[sflag:s23] =	ssyncadd.s32 $0xFFFFC000  }
0x62: {  	[spmem:s1] =	stream.indirect.scatter.add.f32 [tilespmem:s21], [sflag:$0x5], $0x80, s16, s17, $0xb8;
	[tilespmem:$0x1C200] =	vst v63  }
0x63: {  	_ =	swait.ge [sflag:s25], $0x4000  }
0x64: {  	[sflag:s25] =	ssyncset.done $0x0  }
0x65: {  	[sflag:s25] =	ssyncadd.s32 $0xFFFFC000  }
0x66: {  	[spmem:s1] =	stream.indirect.scatter.add.f32 [tilespmem:s22], [sflag:$0x6], $0x80, s18, s17, $0xb8;
	[tilespmem:$0x1C200] =	vst v63  }
0x67: {  	s30 =	simm.s32 $0x100;
	_ =	swait.ge [sflag:s26], $0x4000  }
0x68: {  	s31 =	sand.u32 $0x1C00, s30;
	[sflag:s26] =	ssyncset.done $0x0  }
0x69: {  	s2 =	sadd.s32 s12, s31;
	s0 =	sand.u32 $0x300, s30;
	[sflag:s26] =	ssyncadd.s32 $0xFFFFC000  }
0x6a: {  	s0 =	sor.u32 s0, s2;
	_ =	swait.ge [sflag:s28], $0x4000  }
0x6b: {  	s2 =	simm.s32 $0x200;
	s0 =	sshrl.u32 s0, $0x3;
	[sflag:s28] =	ssyncset.done $0x0  }
.LBB2_6:
0x6c: {  	s9 =	sadd.s32 s7, s0  }
0x6d: {  	[sflag:s28] =	ssyncadd.s32 $0xFFFFC000;
	s31 =	smov.u32 s2;
	s30 =	sadd.s32 $0x100, s2  }
0x6e: {  	[tilespmem:s3], [sflag:$0x1] =	stream.linear.gather [hbm4b:s9+s3], $0x80, $0x38;
	[tilespmem:$0x1C200] =	vst v63  }
0x6f: {  	p1 =	sne.s32 s2, $0x1300;
	s2 =	sadd.s32 s8, s0;
	s0 =	sor.u32 $0x10, s0  }
0x70: {  	[tilespmem:s16], [sflag:$0x1] =	stream.linear.gather [hbm4b:s2+s3], $0x80, $0x38;
	[tilespmem:$0x1C200] =	vst v63  }
0x71: {  	s2 =	sadd.s32 s7, s0  }
0x72: {  	[tilespmem:s17], [sflag:$0x2] =	stream.linear.gather [hbm4b:s2+s3], $0x80, $0x38;
	[tilespmem:$0x1C200] =	vst v63  }
0x73: {  	s0 =	sadd.s32 s8, s0  }
0x74: {  	[tilespmem:s18], [sflag:$0x2] =	stream.linear.gather [hbm4b:s0+s3], $0x80, $0x38;
	[tilespmem:$0x1C200] =	vst v63  }
0x75: {  	_ =	swait.ge [sflag:s19], $0x80  }
0x76: {  	[sflag:s19] =	ssyncset.done $0x0  }
0x77: {  	[sflag:s19] =	ssyncadd.s32 $0xFFFFFF80  }
0x78: {  	_ =	swait.ge [sflag:s19], $0x80  }
0x79: {  	[sflag:s19] =	ssyncset.done $0x0  }
0x7a: {  	[sflag:s19] =	ssyncadd.s32 $0xFFFFFF80  }
0x7b: {  	_ =	swait.ge [sflag:s20], $0x80  }
0x7c: {  	[sflag:s20] =	ssyncset.done $0x0  }
0x7d: {  	[sflag:s20] =	ssyncadd.s32 $0xFFFFFF80  }
0x7e: {  	_ =	swait.ge [sflag:s20], $0x80  }
0x7f: {  	[sflag:s20] =	ssyncset.done $0x0  }
0x80: {  	[sflag:s20] =	ssyncadd.s32 $0xFFFFFF80  }
0x81: {  	[tilespmem:s21], [sflag:$0x3] =	stream.indirect.gather [hbm4b:s4+s17], $0x80, s3, s17, $0xb8;
	[tilespmem:$0x1C200] =	vst v63  }
0x82: {  	_ = 	snop  }
0x83: {  	[tilespmem:s22], [sflag:$0x4] =	stream.indirect.gather [hbm4b:s4+s17], $0x80, s17, s17, $0xb8;
	[tilespmem:$0x1C200] =	vst v63  }
0x84: {  	_ =	swait.ge [sflag:s23], $0x4000  }
0x85: {  	[sflag:s23] =	ssyncset.done $0x0  }
0x86: {  	[sflag:s23] =	ssyncadd.s32 $0xFFFFC000  }
0x87: {  	[spmem:s1] =	stream.indirect.scatter.add.f32 [tilespmem:s21], [sflag:$0x5], $0x80, s16, s17, $0xb8;
	[tilespmem:$0x1C200] =	vst v63  }
0x88: {  	_ =	swait.ge [sflag:s25], $0x4000  }
0x89: {  	[sflag:s25] =	ssyncset.done $0x0  }
0x8a: {  	[sflag:s25] =	ssyncadd.s32 $0xFFFFC000  }
0x8b: {  	[spmem:s1] =	stream.indirect.scatter.add.f32 [tilespmem:s22], [sflag:$0x6], $0x80, s18, s17, $0xb8;
	[tilespmem:$0x1C200] =	vst v63  }
.Ltmp3:
0x8c: {  	_ =	swait.ge [sflag:s26], $0x4000;
	(pc) =	sbr.rel @p1 .LBB2_6-.Ltmp3, $4  }
0x8d: {  	s0 =	sand.u32 $0x1C00, s31;
	[sflag:s26] =	ssyncset.done $0x0  }
0x8e: {  	s2 =	sand.u32 $0x300, s31;
	s0 =	sadd.s32 s12, s0;
	[sflag:s26] =	ssyncadd.s32 $0xFFFFC000  }
0x8f: {  	s0 =	sor.u32 s2, s0;
	_ =	swait.ge [sflag:s28], $0x4000  }
0x90: {  	s2 =	smov.u32 s30;
	s0 =	sshrl.u32 s0, $0x3;
	[sflag:s28] =	ssyncset.done $0x0  }
.Ltmp4:
0x91: {  	_ = 	snop;
	(pc) =	sbr.rel .LBB2_7-.Ltmp4, $1  }
0x92: {  	_ =	sdelay $0x3  }
.LBB2_2:
0x93: {  	s0 =	sand.u32 $0x3C00, s3  }
0x94: {  	s2 =	sand.u32 $0x300, s3;
	s0 =	sadd.s32 s11, s0  }
0x95: {  	s0 =	sor.u32 s2, s0  }
0x96: {  	s0 =	sshrl.u32 s0, $0x3  }
0x97: {  	s31 =	sadd.s32 s5, s0  }
0x98: {  	[tilespmem:s3], [sflag:$0x1] =	stream.linear.gather [hbm4b:s31+s3], $0x80, $0x38;
	[tilespmem:$0x1C200] =	vst v63  }
0x99: {  	s9 =	sadd.s32 s6, s0;
	s0 =	sor.u32 $0x10, s0  }
0x9a: {  	[tilespmem:s16], [sflag:$0x1] =	stream.linear.gather [hbm4b:s9+s3], $0x80, $0x38;
	[tilespmem:$0x1C200] =	vst v63  }
0x9b: {  	s31 =	sadd.s32 s5, s0  }
0x9c: {  	[tilespmem:s17], [sflag:$0x2] =	stream.linear.gather [hbm4b:s31+s3], $0x80, $0x38;
	[tilespmem:$0x1C200] =	vst v63  }
0x9d: {  	s0 =	sadd.s32 s6, s0  }
0x9e: {  	[tilespmem:s18], [sflag:$0x2] =	stream.linear.gather [hbm4b:s0+s3], $0x80, $0x38;
	[tilespmem:$0x1C200] =	vst v63  }
0x9f: {  	_ =	swait.ge [sflag:s19], $0x80  }
0xa0: {  	[sflag:s19] =	ssyncset.done $0x0  }
0xa1: {  	[sflag:s19] =	ssyncadd.s32 $0xFFFFFF80  }
0xa2: {  	_ =	swait.ge [sflag:s19], $0x80  }
0xa3: {  	[sflag:s19] =	ssyncset.done $0x0  }
0xa4: {  	[sflag:s19] =	ssyncadd.s32 $0xFFFFFF80  }
0xa5: {  	_ =	swait.ge [sflag:s20], $0x80  }
0xa6: {  	[sflag:s20] =	ssyncset.done $0x0  }
0xa7: {  	[sflag:s20] =	ssyncadd.s32 $0xFFFFFF80  }
0xa8: {  	_ =	swait.ge [sflag:s20], $0x80  }
0xa9: {  	[sflag:s20] =	ssyncset.done $0x0  }
0xaa: {  	[sflag:s20] =	ssyncadd.s32 $0xFFFFFF80  }
0xab: {  	[tilespmem:s21], [sflag:$0x3] =	stream.indirect.gather [hbm4b:s4+s17], $0x80, s3, s17, $0xb8;
	[tilespmem:$0x1C200] =	vst v63  }
0xac: {  	_ = 	snop  }
0xad: {  	[tilespmem:s22], [sflag:$0x4] =	stream.indirect.gather [hbm4b:s4+s17], $0x80, s17, s17, $0xb8;
	[tilespmem:$0x1C200] =	vst v63  }
0xae: {  	_ =	swait.ge [sflag:s23], $0x4000  }
0xaf: {  	[sflag:s23] =	ssyncset.done $0x0  }
0xb0: {  	[sflag:s23] =	ssyncadd.s32 $0xFFFFC000  }
0xb1: {  	[spmem:s1] =	stream.indirect.scatter.add.f32 [tilespmem:s21], [sflag:$0x5], $0x80, s16, s17, $0xb8;
	[tilespmem:$0x1C200] =	vst v63  }
0xb2: {  	_ =	swait.ge [sflag:s25], $0x4000  }
0xb3: {  	[sflag:s25] =	ssyncset.done $0x0  }
0xb4: {  	[sflag:s25] =	ssyncadd.s32 $0xFFFFC000  }
0xb5: {  	[spmem:s1] =	stream.indirect.scatter.add.f32 [tilespmem:s22], [sflag:$0x6], $0x80, s18, s17, $0xb8;
	[tilespmem:$0x1C200] =	vst v63  }
0xb6: {  	s9 =	simm.s32 $0x100;
	_ =	swait.ge [sflag:s26], $0x4000  }
0xb7: {  	s31 =	sand.u32 $0x3C00, s9;
	[sflag:s26] =	ssyncset.done $0x0  }
0xb8: {  	s2 =	sadd.s32 s11, s31;
	s0 =	sand.u32 $0x300, s9;
	[sflag:s26] =	ssyncadd.s32 $0xFFFFC000  }
0xb9: {  	s0 =	sor.u32 s0, s2;
	_ =	swait.ge [sflag:s28], $0x4000  }
0xba: {  	s30 =	simm.s32 $0x200;
	s0 =	sshrl.u32 s0, $0x3;
	[sflag:s28] =	ssyncset.done $0x0  }
.LBB2_3:
0xbb: {  	s9 =	sadd.s32 s5, s0  }
0xbc: {  	[sflag:s28] =	ssyncadd.s32 $0xFFFFC000;
	s31 =	smov.u32 s30;
	s2 =	sadd.s32 $0x100, s30  }
0xbd: {  	[tilespmem:s3], [sflag:$0x1] =	stream.linear.gather [hbm4b:s9+s3], $0x80, $0x38;
	[tilespmem:$0x1C200] =	vst v63  }
0xbe: {  	p1 =	seq.s32 s30, $0x3B00;
	s9 =	sadd.s32 s6, s0;
	s0 =	sor.u32 $0x10, s0  }
0xbf: {  	[tilespmem:s16], [sflag:$0x1] =	stream.linear.gather [hbm4b:s9+s3], $0x80, $0x38;
	[tilespmem:$0x1C200] =	vst v63  }
0xc0: {  	s9 =	sadd.s32 s5, s0  }
0xc1: {  	[tilespmem:s17], [sflag:$0x2] =	stream.linear.gather [hbm4b:s9+s3], $0x80, $0x38;
	[tilespmem:$0x1C200] =	vst v63  }
0xc2: {  	s0 =	sadd.s32 s6, s0  }
0xc3: {  	[tilespmem:s18], [sflag:$0x2] =	stream.linear.gather [hbm4b:s0+s3], $0x80, $0x38;
	[tilespmem:$0x1C200] =	vst v63  }
0xc4: {  	_ =	swait.ge [sflag:s19], $0x80  }
0xc5: {  	[sflag:s19] =	ssyncset.done $0x0  }
0xc6: {  	[sflag:s19] =	ssyncadd.s32 $0xFFFFFF80  }
0xc7: {  	_ =	swait.ge [sflag:s19], $0x80  }
0xc8: {  	[sflag:s19] =	ssyncset.done $0x0  }
0xc9: {  	[sflag:s19] =	ssyncadd.s32 $0xFFFFFF80  }
0xca: {  	_ =	swait.ge [sflag:s20], $0x80  }
0xcb: {  	[sflag:s20] =	ssyncset.done $0x0  }
0xcc: {  	[sflag:s20] =	ssyncadd.s32 $0xFFFFFF80  }
0xcd: {  	_ =	swait.ge [sflag:s20], $0x80  }
0xce: {  	[sflag:s20] =	ssyncset.done $0x0  }
0xcf: {  	[sflag:s20] =	ssyncadd.s32 $0xFFFFFF80  }
0xd0: {  	[tilespmem:s21], [sflag:$0x3] =	stream.indirect.gather [hbm4b:s4+s17], $0x80, s3, s17, $0xb8;
	[tilespmem:$0x1C200] =	vst v63  }
0xd1: {  	_ = 	snop  }
0xd2: {  	[tilespmem:s22], [sflag:$0x4] =	stream.indirect.gather [hbm4b:s4+s17], $0x80, s17, s17, $0xb8;
	[tilespmem:$0x1C200] =	vst v63  }
0xd3: {  	_ =	swait.ge [sflag:s23], $0x4000  }
0xd4: {  	[sflag:s23] =	ssyncset.done $0x0  }
0xd5: {  	[sflag:s23] =	ssyncadd.s32 $0xFFFFC000  }
0xd6: {  	[spmem:s1] =	stream.indirect.scatter.add.f32 [tilespmem:s21], [sflag:$0x5], $0x80, s16, s17, $0xb8;
	[tilespmem:$0x1C200] =	vst v63  }
0xd7: {  	_ =	swait.ge [sflag:s25], $0x4000  }
0xd8: {  	[sflag:s25] =	ssyncset.done $0x0  }
0xd9: {  	[sflag:s25] =	ssyncadd.s32 $0xFFFFC000  }
0xda: {  	[spmem:s1] =	stream.indirect.scatter.add.f32 [tilespmem:s22], [sflag:$0x6], $0x80, s18, s17, $0xb8;
	[tilespmem:$0x1C200] =	vst v63  }
.Ltmp5:
0xdb: {  	_ =	swait.ge [sflag:s26], $0x4000;
	(pc) =	sbr.rel @!p1 .LBB2_3-.Ltmp5, $4  }
0xdc: {  	s0 =	sand.u32 $0x3C00, s31;
	[sflag:s26] =	ssyncset.done $0x0  }
0xdd: {  	s9 =	sand.u32 $0x300, s31;
	s0 =	sadd.s32 s11, s0;
	[sflag:s26] =	ssyncadd.s32 $0xFFFFC000  }
0xde: {  	s0 =	sor.u32 s9, s0;
	_ =	swait.ge [sflag:s28], $0x4000  }
0xdf: {  	s30 =	smov.u32 s2;
	s0 =	sshrl.u32 s0, $0x3;
	[sflag:s28] =	ssyncset.done $0x0  }
0xe0: {  	s2 =	sadd.s32 s5, s0;
	[sflag:s28] =	ssyncadd.s32 $0xFFFFC000  }
0xe1: {  	[tilespmem:s3], [sflag:$0x1] =	stream.linear.gather [hbm4b:s2+s3], $0x80, $0x38;
	[tilespmem:$0x1C200] =	vst v63  }
0xe2: {  	s9 =	sadd.s32 s6, s0;
	s30 =	sor.u32 $0x10, s0  }
0xe3: {  	[tilespmem:s16], [sflag:$0x1] =	stream.linear.gather [hbm4b:s9+s3], $0x80, $0x38;
	[tilespmem:$0x1C200] =	vst v63  }
0xe4: {  	s31 =	sadd.s32 s5, s30  }
0xe5: {  	[tilespmem:s17], [sflag:$0x2] =	stream.linear.gather [hbm4b:s31+s3], $0x80, $0x38;
	[tilespmem:$0x1C200] =	vst v63  }
0xe6: {  	s0 =	sadd.s32 s6, s30  }
0xe7: {  	[tilespmem:s18], [sflag:$0x2] =	stream.linear.gather [hbm4b:s0+s3], $0x80, $0x38;
	[tilespmem:$0x1C200] =	vst v63  }
0xe8: {  	_ =	swait.ge [sflag:s19], $0x80  }
0xe9: {  	[sflag:s19] =	ssyncset.done $0x0  }
0xea: {  	[sflag:s19] =	ssyncadd.s32 $0xFFFFFF80  }
0xeb: {  	_ =	swait.ge [sflag:s19], $0x80  }
0xec: {  	[sflag:s19] =	ssyncset.done $0x0  }
0xed: {  	[sflag:s19] =	ssyncadd.s32 $0xFFFFFF80  }
0xee: {  	_ =	swait.ge [sflag:s20], $0x80  }
0xef: {  	[sflag:s20] =	ssyncset.done $0x0  }
0xf0: {  	[sflag:s20] =	ssyncadd.s32 $0xFFFFFF80  }
0xf1: {  	_ =	swait.ge [sflag:s20], $0x80  }
0xf2: {  	[sflag:s20] =	ssyncset.done $0x0  }
0xf3: {  	[sflag:s20] =	ssyncadd.s32 $0xFFFFFF80  }
0xf4: {  	[tilespmem:s21], [sflag:$0x3] =	stream.indirect.gather [hbm4b:s4+s17], $0x80, s3, s17, $0xb8;
	[tilespmem:$0x1C200] =	vst v63  }
0xf5: {  	_ = 	snop  }
0xf6: {  	[tilespmem:s22], [sflag:$0x4] =	stream.indirect.gather [hbm4b:s4+s17], $0x80, s17, s17, $0xb8;
	[tilespmem:$0x1C200] =	vst v63  }
0xf7: {  	_ =	swait.ge [sflag:s23], $0x4000  }
0xf8: {  	[sflag:s23] =	ssyncset.done $0x0  }
0xf9: {  	[sflag:s23] =	ssyncadd.s32 $0xFFFFC000  }
0xfa: {  	[spmem:s1] =	stream.indirect.scatter.add.f32 [tilespmem:s21], [sflag:$0x5], $0x80, s16, s17, $0xb8;
	[tilespmem:$0x1C200] =	vst v63  }
0xfb: {  	_ =	swait.ge [sflag:s25], $0x4000  }
0xfc: {  	[sflag:s25] =	ssyncset.done $0x0  }
0xfd: {  	[sflag:s25] =	ssyncadd.s32 $0xFFFFC000  }
0xfe: {  	[spmem:s1] =	stream.indirect.scatter.add.f32 [tilespmem:s22], [sflag:$0x6], $0x80, s18, s17, $0xb8;
	[tilespmem:$0x1C200] =	vst v63  }
0xff: {  	_ =	swait.ge [sflag:s26], $0x4000  }
.Ltmp6:
0x100: {  	[sflag:s26] =	ssyncset.done $0x0;
	(pc) =	sbr.rel .LBB2_8-.Ltmp6, $4  }
0x101: {  	[sflag:s26] =	ssyncadd.s32 $0xFFFFC000  }
0x102: {  	_ =	swait.ge [sflag:s28], $0x4000  }
0x103: {  	[sflag:s28] =	ssyncset.done $0x0  }
0x104: {  	[sflag:s28] =	ssyncadd.s32 $0xFFFFC000  }
.LBB2_9:
0x105: {  	_ =	sfence.sel $0x180000  }
0x106: {  	[bflag:$0x0] =	sbarrier.arrive $0xFFFF  }
0x107: {  	_ =	strace $0x9000004D  }
0x108: {  	s0 =	stileid.u32;
	[bflag:$0x2] =	sbarrier.arrive $0xFFFF  }
0x109: {  	p0 =	sne.s32 s0, $0x0;
	s0 =	rddreg [dreg:$0x2]  }
0x10a: {  	s0 =	sadd.s32 @!p0 $0x100000, s0  }
0x10b: {  	[sflag:s0] =	ssyncadd.tile.s32 @!p0 $0x1;
	_ =	shalt  }
.Lfunc_end2:
_tile_overlayer_lowered:
.L_overlay_start_2:
0x10c: {  	(tag) =	ssettag $0x2  }
0x10d: {  	s0 =	rddreg [dreg:$0x0];
	s2 =	stileid.u32  }
0x10e: {  	s1 =	rddreg [dreg:$0x1];
	p0 =	sne.s32 s2, $0x0  }
0x10f: {  	s3 =	rddreg [dreg:$0x2];
	[bflag:$0x3] =	sbarrier.arrive $0xFFFF;
	s2 =	simm.s32 @!p0 $0x1C07  }
0x110: {  	[timem:s3], [sflag:s2] =	dma.local @!p0 [hbm:s0], s1  }
0x111: {  	s0 =	simm.s32 @!p0 $0x7  }
0x112: {  	_ =	swait.ge @!p0 [sflag:s0], s1  }
0x113: {  	s1 =	ssub.s32 @!p0 $0x0, s1;
	[sflag:s0] =	ssyncset.done @!p0 $0x0  }
0x114: {  	[sflag:s0] =	ssyncadd.s32 @!p0 s1  }
0x115: {  	[bflag:$0x3] =	sbarrier.arrive $0xFFFF  }
0x116: {  	_ =	shalt  }

// kernel: kernel.19.cloned.1.call-start
scs
__scs_entry_jumppad:
0x0: {  	(pc) =	sbr.rel $0x88, $3  }
0x1: {  	(tag) =	ssettag $0x0;
	lr =	simm.s32 $0x1  }
0x2: {  	[smem:$0x3F99] =	sst lr;
	_ =	strace $0xD0000000  }
0x3: {  	_ = 	snop  }
0x4: {  	_ = 	snop  }
0x5: {  	_ = 	snop  }
0x6: {  	_ = 	snop  }
0x7: {  	_ = 	snop  }
__scs_overlays_trampoline_lowered:
0x8: {  	[smem:$0x3FA8] =	sst s0  }
0x9: {  	[smem:$0x3FA9] =	sst s1  }
0xa: {  	[smem:$0x3FAA] =	sst s2  }
0xb: {  	[smem:$0x3FAB] =	sst s3  }
0xc: {  	[smem:$0x3FAC] =	sst s4  }
0xd: {  	[smem:$0x3FAD] =	sst s5  }
0xe: {  	[smem:$0x3FAE] =	sst s6  }
0xf: {  	[smem:$0x3FAF] =	sst s7  }
0x10: {  	[smem:$0x3FB0] =	sst s8  }
0x11: {  	[smem:$0x3FB1] =	sst s9;
	s0 =	simm.s32 @!p0 $0x0  }
0x12: {  	s1 =	sld [smem:$0x3F97];
	s0 =	simm.s32 @p0 $0x1  }
0x13: {  	[smem:$0x3FB2] =	sst s0;
	s0 =	simm.s32 @!p1 $0x0  }
0x14: {  	s2 =	sld [smem:$0x3F96];
	s0 =	simm.s32 @p1 $0x1  }
0x15: {  	[smem:$0x3FB3] =	sst s0;
	s0 =	simm.s32 @!p2 $0x0  }
0x16: {  	s3 =	sld [smem:$0x3FDB];
	s0 =	simm.s32 @p2 $0x1  }
0x17: {  	s4 =	simm.s32 $0x1BF5;
	[smem:$0x3FB5] =	sst s0  }
0x18: {  	s0 =	sld [smem:$0x3F98];
	_ =	swait.ge [sflag:s4], $0x0  }
0x19: {  	s7 =	sld [smem:$0x3F99]  }
0x1a: {  	s8 =	sadd.s32 $0xFFFFE003, lr  }
0x1b: {  	s9 =	sadd.s32 $0xFFFFFEF7, lr;
	s5 =	simm.s32 $0xFFFFFFFF;
	p2 =	slt.u32 s8, $0xFFFFF086  }
0x1c: {  	p1 =	slt.u32 s9, $0xF7A;
	s5 =	simm.s32 @!p2 $0x0  }
0x1d: {  	s5 =	simm.s32 @p1 $0x1;
	p0 =	seq.s32 s7, s2  }
0x1e: {  	s7 =	smul.u32 @!p0 $0xF7A, s2;
	p2 =	seq.s32 @!p0 s5, $0x0  }
0x1f: {  	s9 =	smul.u32 $0xF7A, s1;
	s8 =	simm.s32 @!p0 $0x1BF5;
	p2 =	por !p2, p0  }
0x20: {  	[sflag:s8] =	ssyncset.s32 @!p0 $0xFFFFF086;
	s6 =	sadd.s32 @!p0 s3, s7;
	s7 =	simm.s32 @!p0 $0x108  }
0x21: {  	s3 =	sadd.s32 s3, s9;
	s6 =	sadd.s32 @!p0 $0x88, s6;
	s7 =	simm.s32 @p2 $0x1082  }
0x22: {  	[simem:s7], [sflag:s8] =	dma.local @!p0 [hbm:s6], $0xF7A  }
0x23: {  	s9 =	sor.u32 $0xD0000000, s2;
	s6 =	simm.s32 $0x108;
	_ =	swait.ge @!p0 [sflag:s8], $0x0  }
0x24: {  	s3 =	sadd.s32 $0x88, s3;
	s6 =	simm.s32 @!p1 $0x1082;
	[sflag:s4] =	ssyncset.s32 $0xFFFFF086  }
0x25: {  	[simem:s6], [sflag:s4] =	dma.local [hbm:s3], $0xF7A  }
0x26: {  	[smem:$0x3F99] =	sst s1;
	(tag) =	ssettag s2;
	_ =	strace s9  }
0x27: {  	s1 =	sld [smem:$0x3FA9]  }
0x28: {  	s2 =	sld [smem:$0x3FAA]  }
0x29: {  	s4 =	sld [smem:$0x3FAC]  }
0x2a: {  	p0 =	seq.s32 s5, $0x0;
	s5 =	sld [smem:$0x3FAD]  }
0x2b: {  	s6 =	sld [smem:$0x3FAE]  }
0x2c: {  	s7 =	sld [smem:$0x3FAF]  }
0x2d: {  	s3 =	simm.s32 $0x108;
	s8 =	sld [smem:$0x3FB0]  }
0x2e: {  	s3 =	simm.s32 @!p0 $0x1082;
	s9 =	sld [smem:$0x3FB1]  }
0x2f: {  	lr =	sadd.s32 s0, s3;
	s0 =	sld [smem:$0x3FA8]  }
0x30: {  	s3 =	sld [smem:$0x3FAB]  }
0x31: {  	[smem:$0x3FB4] =	sst s10  }
0x32: {  	s10 =	sld [smem:$0x3FB2];
	_ =	sdelay $0x3  }
0x33: {  	p0 =	seq.s32 s10, $0x1;
	s10 =	sld [smem:$0x3FB4];
	_ =	sdelay $0x3  }
0x34: {  	[smem:$0x3FB4] =	sst s10  }
0x35: {  	s10 =	sld [smem:$0x3FB3];
	_ =	sdelay $0x3  }
0x36: {  	p1 =	seq.s32 s10, $0x1;
	s10 =	sld [smem:$0x3FB4];
	_ =	sdelay $0x3  }
0x37: {  	[smem:$0x3FB4] =	sst s10  }
0x38: {  	s10 =	sld [smem:$0x3FB5]  }
0x39: {  	_ = 	snop;
	(pc) =	sbr.ind lr, $3  }
0x3a: {  	_ = 	snop  }
0x3b: {  	_ = 	snop  }
0x3c: {  	p2 =	seq.s32 s10, $0x1;
	s10 =	sld [smem:$0x3FB4]  }
0x3d: {  	_ =	shalt  }
0x3e: {  	_ =	shalt  }
0x3f: {  	_ =	shalt  }
0x40: {  	_ =	shalt  }
0x41: {  	_ =	shalt  }
0x42: {  	_ =	shalt  }
0x43: {  	_ =	shalt  }
0x44: {  	_ =	shalt  }
0x45: {  	_ =	shalt  }
0x46: {  	_ =	shalt  }
0x47: {  	_ =	shalt  }
0x48: {  	_ =	shalt  }
0x49: {  	_ =	shalt  }
0x4a: {  	_ =	shalt  }
0x4b: {  	_ =	shalt  }
0x4c: {  	_ =	shalt  }
0x4d: {  	_ =	shalt  }
0x4e: {  	_ =	shalt  }
0x4f: {  	_ =	shalt  }
0x50: {  	_ =	shalt  }
0x51: {  	_ =	shalt  }
0x52: {  	_ =	shalt  }
0x53: {  	_ =	shalt  }
0x54: {  	_ =	shalt  }
0x55: {  	_ =	shalt  }
0x56: {  	_ =	shalt  }
0x57: {  	_ =	shalt  }
0x58: {  	_ =	shalt  }
0x59: {  	_ =	shalt  }
0x5a: {  	_ =	shalt  }
0x5b: {  	_ =	shalt  }
0x5c: {  	_ =	shalt  }
0x5d: {  	_ =	shalt  }
0x5e: {  	_ =	shalt  }
0x5f: {  	_ =	shalt  }
0x60: {  	_ =	shalt  }
0x61: {  	_ =	shalt  }
0x62: {  	_ =	shalt  }
0x63: {  	_ =	shalt  }
0x64: {  	_ =	shalt  }
0x65: {  	_ =	shalt  }
0x66: {  	_ =	shalt  }
0x67: {  	_ =	shalt  }
0x68: {  	_ =	shalt  }
0x69: {  	_ =	shalt  }
0x6a: {  	_ =	shalt  }
0x6b: {  	_ =	shalt  }
0x6c: {  	_ =	shalt  }
0x6d: {  	_ =	shalt  }
0x6e: {  	_ =	shalt  }
0x6f: {  	_ =	shalt  }
0x70: {  	_ =	shalt  }
0x71: {  	_ =	shalt  }
0x72: {  	_ =	shalt  }
0x73: {  	_ =	shalt  }
0x74: {  	_ =	shalt  }
0x75: {  	_ =	shalt  }
0x76: {  	_ =	shalt  }
0x77: {  	_ =	shalt  }
0x78: {  	_ =	shalt  }
0x79: {  	_ =	shalt  }
0x7a: {  	_ =	shalt  }
0x7b: {  	_ =	shalt  }
0x7c: {  	_ =	shalt  }
0x7d: {  	_ =	shalt  }
0x7e: {  	_ =	shalt  }
0x7f: {  	_ =	shalt  }
0x80: {  	_ =	shalt  }
0x81: {  	_ =	shalt  }
0x82: {  	_ =	shalt  }
0x83: {  	_ =	shalt  }
0x84: {  	_ =	shalt  }
0x85: {  	_ =	shalt  }
0x86: {  	_ =	shalt  }
0x87: {  	_ =	shalt  }
.Lfunc_end0:
.L_simem_size_0:
called_computation.3_lowered:
.L_overlay_start_0:
0x88: {  	s2 =	sld [smem:$0x3FD9]  }
0x89: {  	s3 =	sld [smem:$0x3FFE];
	_ =	sdelay $0x1  }
0x8a: {  	s1 =	srdreg.scid  }
0x8b: {  	s0 =	sand.u32 $0x1, s1  }
0x8c: {  	s16 =	sshll.u32 s0, $0xA;
	s2 =	sadd.s32 s3, s2  }
0x8d: {  	s2 =	sadd.s32 s2, s16  }
0x8e: {  	[smem:$0x3FC0] =	sst s2  }
0x8f: {  	_ = 	snop  }
0x90: {  	(tm) =	ssettm $0x1  }
0x91: {  	s17 =	sld [smem:$0x3FFB];
	_ =	sdelay $0x3  }
0x92: {  	_ =	strace s17  }
0x93: {  	s2 =	sld [smem:$0x3FFC];
	_ =	sdelay $0x3  }
0x94: {  	_ =	strace s2  }
0x95: {  	s2 =	sld [smem:$0x3FFD];
	_ =	sdelay $0x3  }
0x96: {  	_ =	strace s2  }
0x97: {  	_ =	strace $0x8FFFFFFF  }
0x98: {  	s18 =	sld [smem:$0x3FDB];
	_ =	sdelay $0x1  }
0x99: {  	s19 =	simm.s32 $_scs_section_size  }
0x9a: {  	s4 =	simm.s32 $_size__tile_overlayer_lowered;
	s5 =	simm.s32 $_tile_overlayer_lowered  }
0x9b: {  	s22 =	simm.s32 $0x1BFF;
	s21 =	sshll.u32 s5, $0x1;
	s2 =	sadd.s32 s19, s18  }
0x9c: {  	s6 =	simm.s32 $0x0;
	s20 =	sshll.u32 s4, $0x1;
	s4 =	sadd.s32 s21, s2  }
0x9d: {  	[timem:s6], [sflag:s22] =	dma.local [hbm:s4], s20  }
0x9e: {  	_ =	swait.ge [sflag:s22], s20  }
0x9f: {  	s3 =	ssub.s32 $0x0, s20;
	[sflag:s22] =	ssyncset.done $0x0  }
0xa0: {  	[sflag:s22] =	ssyncadd.s32 s3;
	_ =	sdelay $0x1  }
0xa1: {  	s23 =	simm.s32 $0x1B8B  }
0xa2: {  	_ =	swait.ge [sflag:s23], $0x1  }
0xa3: {  	[sflag:s23] =	ssyncset.done $0x0  }
0xa4: {  	s25 =	simm.s32 $0x1B8E;
	s24 =	sld [smem:$0x3FFE];
	[sflag:s23] =	ssyncadd.s32 $0xFFFFFFFF  }
0xa5: {  	s26 =	simm.s32 $execute0_lowered;
	[smem:$0x3FD2] =	sst s25  }
0xa6: {  	s4 =	sshll.u32 s26, $0x1;
	_ =	strace $0x8000004F;
	[dreg:$0x1] =	wrdreg $0xFFFFFFFF  }
0xa7: {  	s28 =	simm.s32 $_size_execute0_lowered;
	s2 =	sadd.s32 s2, s4;
	[dreg:$0x0] =	wrdreg $0x0  }
0xa8: {  	s4 =	sshll.u32 s28, $0x1;
	[dreg:$0x2] =	wrdreg s2  }
0xa9: {  	[dreg:$0x3] =	wrdreg s4  }
0xaa: {  	[dreg:$0x4] =	wrdreg $0xC0  }
0xab: {  	_ =	task [dreg:s6], $0x5FFFF  }
0xac: {  	[dreg:$0x1] =	wrdreg $0xFFFFFFFF  }
0xad: {  	[dreg:$0x0] =	wrdreg $0x60  }
0xae: {  	[dreg:$0x2] =	wrdreg s24  }
0xaf: {  	[dreg:$0x3] =	wrdreg $0x82000  }
0xb0: {  	[dreg:$0x4] =	wrdreg $0x9  }
0xb1: {  	_ =	task.clear_ibuf [dreg:s6], $0x5FFFF;
	_ =	strace $0x9000004F  }
0xb2: {  	s29 =	simm.s32 $0x9;
	_ =	strace $0x80000051  }
0xb3: {  	_ =	swait.ge [sflag:s29], $0x1  }
0xb4: {  	[sflag:s29] =	ssyncadd.s32 $0xFFFFFFFF  }
0xb5: {  	_ =	strace $0x90000051  }
0xb6: {  	_ =	sfence  }
0xb7: {  	s30 =	sld [smem:$0x0];
	_ =	sdelay $0x2  }
0xb8: {  	s31 =	sshll.u32 s1, $0xD;
	s1 =	sshrl.u32 s1, $0x2  }
0xb9: {  	s3 =	sand.u32 $0x4000, s31;
	s1 =	sadd.s32 s1, s30  }
0xba: {  	s0 =	sor.u32 s3, s0;
	s1 =	sshll.u32 s1, $0x11  }
0xbb: {  	s0 =	sor.u32 s1, s0  }
0xbc: {  	s0 =	sadd.s32 $0x8F2B, s0  }
0xbd: {  	[sflag:s0] =	ssyncadd.remote.s32 $0x1  }
0xbe: {  	_ =	sfence.sel $0xFFFF  }
0xbf: {  	[dreg:$0x0] =	wrdreg $0xFFFFFFFF;
	(pc) =	sbr.abs _section_cstart, $3  }
0xc0: {  	[dreg:$0x1] =	wrdreg $0xFFFFFFFF  }
0xc1: {  	_ =	task.clear_ibuf [dreg:s6], $0x2FFFF;
	_ =	strace $0x9FFFFFFF  }
0xc2: {  	(tm) =	ssettm $0x7FFFFFFF  }
0xc3: {  	_ =	shalt  }
tec
execute0_lowered:
.L_overlay_start_1:
0x0: {  	(tag) =	ssettag $0x1  }
0x1: {  	s0 =	rddreg [dreg:$0x0]  }
0x2: {  	s1 =	rddreg [dreg:$0x1];
	s3 =	simm.s32 $0x0  }
0x3: {  	s15 =	stileid.u32;
	s2 =	srdreg.scid;
	s16 =	simm.s32 $0x100  }
0x4: {  	s17 =	simm.s32 $0x80;
	s18 =	simm.s32 $0x180;
	s19 =	simm.s32 $0x1  }
0x5: {  	s20 =	simm.s32 $0x2;
	s21 =	simm.s32 $0x200;
	s22 =	simm.s32 $0x4200  }
0x6: {  	s23 =	simm.s32 $0x3;
	s25 =	simm.s32 $0x4;
	s28 =	simm.s32 $0x6  }
0x7: {  	s29 =	simm.s32 $0x0;
	[smem:$0x7FF] =	sst s3;
	s4 =	sadd.s32 $0x2B600, s0  }
0x8: {  	s24 =	smul.u32 $0x2800, s15;
	s2 =	sand.u32 $0x1, s2;
	s5 =	sadd.s32 $0x87E00, s0  }
0x9: {  	s6 =	sadd.s32 $0x80600, s0;
	s7 =	sadd.s32 $0x7B600, s0;
	s11 =	smul.u32 $0x50000, s15  }
0xa: {  	s8 =	sadd.s32 $0x7DE00, s0;
	s31 =	sshll.u32 s15, $0x6;
	_ =	strace $0x80000050  }
0xb: {  	s9 =	smul.u32 $0x28000, s2;
	s10 =	ssub.s32 $0x2, s2;
	p0 =	seq.s32 s2, $0x1  }
0xc: {  	s12 =	sadd.s32 s24, s0;
	s26 =	sshrl.u32 s11, $0x2;
	s11 =	smul.u32 $0x3C00, s15  }
.Ltmp0:
0xd: {  	s13 =	sshrl.u32 s10, $0x1;
	s0 =	sadd.s32 s9, s0;
	(pc) =	sbr.rel .LBB2_1-.Ltmp0, $4  }
0xe: {  	s13 =	ssub.s32 s10, s13;
	s14 =	sadd.s32 s26, s1;
	s30 =	sadd.s32 $0x3600, s12  }
0xf: {  	s10 =	sor.u32 $0x1C07, s31;
	s12 =	smul.u32 $0x1400, s15;
	s15 =	simm.s32 $0x7  }
0x10: {  	s26 =	simm.s32 $0x5;
	[dreg:$0x3] =	wrdreg s30;
	s0 =	sadd.s32 $0x8F600, s0  }
0x11: {  	s13 =	smax.u32 s13, $0x1;
	s14 =	sshrl.u32 s14, $0x3;
	s24 =	sadd.s32 s24, s0  }
.LBB2_7:
0x12: {  	s2 =	sadd.s32 s7, s0;
	[sflag:s28] =	ssyncadd.s32 $0xFFFFC000  }
0x13: {  	[tilespmem:s3], [sflag:$0x1] =	stream.linear.gather [hbm4b:s2+s3], $0x80, $0x38;
	[tilespmem:$0x1C200] =	vst v63  }
0x14: {  	s9 =	sadd.s32 s8, s0;
	s30 =	sor.u32 $0x10, s0  }
0x15: {  	[tilespmem:s16], [sflag:$0x1] =	stream.linear.gather [hbm4b:s9+s3], $0x80, $0x38;
	[tilespmem:$0x1C200] =	vst v63  }
0x16: {  	s31 =	sadd.s32 s7, s30  }
0x17: {  	[tilespmem:s17], [sflag:$0x2] =	stream.linear.gather [hbm4b:s31+s3], $0x80, $0x38;
	[tilespmem:$0x1C200] =	vst v63  }
0x18: {  	s0 =	sadd.s32 s8, s30  }
0x19: {  	[tilespmem:s18], [sflag:$0x2] =	stream.linear.gather [hbm4b:s0+s3], $0x80, $0x38;
	[tilespmem:$0x1C200] =	vst v63  }
0x1a: {  	_ =	swait.ge [sflag:s19], $0x80  }
0x1b: {  	[sflag:s19] =	ssyncset.done $0x0  }
0x1c: {  	[sflag:s19] =	ssyncadd.s32 $0xFFFFFF80  }
0x1d: {  	_ =	swait.ge [sflag:s19], $0x80  }
0x1e: {  	[sflag:s19] =	ssyncset.done $0x0  }
0x1f: {  	[sflag:s19] =	ssyncadd.s32 $0xFFFFFF80  }
0x20: {  	_ =	swait.ge [sflag:s20], $0x80  }
0x21: {  	[sflag:s20] =	ssyncset.done $0x0  }
0x22: {  	[sflag:s20] =	ssyncadd.s32 $0xFFFFFF80  }
0x23: {  	_ =	swait.ge [sflag:s20], $0x80  }
0x24: {  	[sflag:s20] =	ssyncset.done $0x0  }
0x25: {  	[sflag:s20] =	ssyncadd.s32 $0xFFFFFF80  }
0x26: {  	[tilespmem:s21], [sflag:$0x3] =	stream.indirect.gather [hbm4b:s4+s17], $0x80, s3, s17, $0xb8;
	[tilespmem:$0x1C200] =	vst v63  }
0x27: {  	_ = 	snop  }
0x28: {  	[tilespmem:s22], [sflag:$0x4] =	stream.indirect.gather [hbm4b:s4+s17], $0x80, s17, s17, $0xb8;
	[tilespmem:$0x1C200] =	vst v63  }
0x29: {  	_ =	swait.ge [sflag:s23], $0x4000  }
0x2a: {  	[sflag:s23] =	ssyncset.done $0x0  }
0x2b: {  	[sflag:s23] =	ssyncadd.s32 $0xFFFFC000  }
0x2c: {  	[spmem:s1] =	stream.indirect.scatter.add.f32 [tilespmem:s21], [sflag:$0x5], $0x80, s16, s17, $0xb8;
	[tilespmem:$0x1C200] =	vst v63  }
0x2d: {  	_ =	swait.ge [sflag:s25], $0x4000  }
0x2e: {  	[sflag:s25] =	ssyncset.done $0x0  }
0x2f: {  	[sflag:s25] =	ssyncadd.s32 $0xFFFFC000  }
0x30: {  	[spmem:s1] =	stream.indirect.scatter.add.f32 [tilespmem:s22], [sflag:$0x6], $0x80, s18, s17, $0xb8;
	[tilespmem:$0x1C200] =	vst v63  }
0x31: {  	_ =	swait.ge [sflag:s26], $0x4000  }
0x32: {  	[sflag:s26] =	ssyncset.done $0x0  }
0x33: {  	[sflag:s26] =	ssyncadd.s32 $0xFFFFC000  }
0x34: {  	_ =	swait.ge [sflag:s28], $0x4000  }
0x35: {  	[sflag:s28] =	ssyncset.done $0x0  }
0x36: {  	[sflag:s28] =	ssyncadd.s32 $0xFFFFC000  }
.LBB2_8:
0x37: {  	s29 =	sadd.s32 $0x1, s29  }
0x38: {  	p1 =	sne.s32 s29, s13  }
.Ltmp1:
0x39: {  	[bflag:$0x0] =	sbarrier.arrive $0xFFFF;
	(pc) =	sbr.rel @!p1 .LBB2_9-.Ltmp1, $4  }
0x3a: {  	[hbm:s24], [sflag:s10] =	dma.local [spmem:s14], $0x2800  }
0x3b: {  	_ =	swait.ge [sflag:s15], $0x2800  }
0x3c: {  	[sflag:s15] =	ssyncset.done $0x0  }
0x3d: {  	[sflag:s15] =	ssyncadd.s32 $0xFFFFD800  }
.LBB2_1:
0x3e: {  	s0 =	rddreg [dreg:$0x3]  }
0x3f: {  	[spmem:s14], [sflag:s10] =	dma.local [hbm:s0], $0x2800  }
.Ltmp2:
0x40: {  	_ =	swait.ge [sflag:s15], $0x2800;
	(pc) =	sbr.rel @!p0 .LBB2_2-.Ltmp2, $3  }
0x41: {  	[sflag:s15] =	ssyncset.done $0x0  }
0x42: {  	[sflag:s15] =	ssyncadd.s32 $0xFFFFD800  }
0x43: {  	[bflag:$0x0] =	sbarrier.arrive $0xFFFF;
	_ =	sdelay $0x1  }
0x44: {  	s0 =	sand.u32 $0x1C00, s3  }
0x45: {  	s2 =	sand.u32 $0x300, s3;
	s0 =	sadd.s32 s12, s0  }
0x46: {  	s0 =	sor.u32 s2, s0  }
0x47: {  	s0 =	sshrl.u32 s0, $0x3  }
0x48: {  	s30 =	sadd.s32 s7, s0  }
0x49: {  	[tilespmem:s3], [sflag:$0x1] =	stream.linear.gather [hbm4b:s30+s3], $0x80, $0x38;
	[tilespmem:$0x1C200] =	vst v63  }
0x4a: {  	s31 =	sadd.s32 s8, s0;
	s0 =	sor.u32 $0x10, s0  }
0x4b: {  	[tilespmem:s16], [sflag:$0x1] =	stream.linear.gather [hbm4b:s31+s3], $0x80, $0x38;
	[tilespmem:$0x1C200] =	vst v63  }
0x4c: {  	s9 =	sadd.s32 s7, s0  }
0x4d: {  	[tilespmem:s17], [sflag:$0x2] =	stream.linear.gather [hbm4b:s9+s3], $0x80, $0x38;
	[tilespmem:$0x1C200] =	vst v63  }
0x4e: {  	s0 =	sadd.s32 s8, s0  }
0x4f: {  	[tilespmem:s18], [sflag:$0x2] =	stream.linear.gather [hbm4b:s0+s3], $0x80, $0x38;
	[tilespmem:$0x1C200] =	vst v63  }
0x50: {  	_ =	swait.ge [sflag:s19], $0x80  }
0x51: {  	[sflag:s19] =	ssyncset.done $0x0  }
0x52: {  	[sflag:s19] =	ssyncadd.s32 $0xFFFFFF80  }
0x53: {  	_ =	swait.ge [sflag:s19], $0x80  }
0x54: {  	[sflag:s19] =	ssyncset.done $0x0  }
0x55: {  	[sflag:s19] =	ssyncadd.s32 $0xFFFFFF80  }
0x56: {  	_ =	swait.ge [sflag:s20], $0x80  }
0x57: {  	[sflag:s20] =	ssyncset.done $0x0  }
0x58: {  	[sflag:s20] =	ssyncadd.s32 $0xFFFFFF80  }
0x59: {  	_ =	swait.ge [sflag:s20], $0x80  }
0x5a: {  	[sflag:s20] =	ssyncset.done $0x0  }
0x5b: {  	[sflag:s20] =	ssyncadd.s32 $0xFFFFFF80  }
0x5c: {  	[tilespmem:s21], [sflag:$0x3] =	stream.indirect.gather [hbm4b:s4+s17], $0x80, s3, s17, $0xb8;
	[tilespmem:$0x1C200] =	vst v63  }
0x5d: {  	_ = 	snop  }
0x5e: {  	[tilespmem:s22], [sflag:$0x4] =	stream.indirect.gather [hbm4b:s4+s17], $0x80, s17, s17, $0xb8;
	[tilespmem:$0x1C200] =	vst v63  }
0x5f: {  	_ =	swait.ge [sflag:s23], $0x4000  }
0x60: {  	[sflag:s23] =	ssyncset.done $0x0  }
0x61: {  	[sflag:s23] =	ssyncadd.s32 $0xFFFFC000  }
0x62: {  	[spmem:s1] =	stream.indirect.scatter.add.f32 [tilespmem:s21], [sflag:$0x5], $0x80, s16, s17, $0xb8;
	[tilespmem:$0x1C200] =	vst v63  }
0x63: {  	_ =	swait.ge [sflag:s25], $0x4000  }
0x64: {  	[sflag:s25] =	ssyncset.done $0x0  }
0x65: {  	[sflag:s25] =	ssyncadd.s32 $0xFFFFC000  }
0x66: {  	[spmem:s1] =	stream.indirect.scatter.add.f32 [tilespmem:s22], [sflag:$0x6], $0x80, s18, s17, $0xb8;
	[tilespmem:$0x1C200] =	vst v63  }
0x67: {  	s30 =	simm.s32 $0x100;
	_ =	swait.ge [sflag:s26], $0x4000  }
0x68: {  	s31 =	sand.u32 $0x1C00, s30;
	[sflag:s26] =	ssyncset.done $0x0  }
0x69: {  	s2 =	sadd.s32 s12, s31;
	s0 =	sand.u32 $0x300, s30;
	[sflag:s26] =	ssyncadd.s32 $0xFFFFC000  }
0x6a: {  	s0 =	sor.u32 s0, s2;
	_ =	swait.ge [sflag:s28], $0x4000  }
0x6b: {  	s2 =	simm.s32 $0x200;
	s0 =	sshrl.u32 s0, $0x3;
	[sflag:s28] =	ssyncset.done $0x0  }
.LBB2_6:
0x6c: {  	s9 =	sadd.s32 s7, s0  }
0x6d: {  	[sflag:s28] =	ssyncadd.s32 $0xFFFFC000;
	s31 =	smov.u32 s2;
	s30 =	sadd.s32 $0x100, s2  }
0x6e: {  	[tilespmem:s3], [sflag:$0x1] =	stream.linear.gather [hbm4b:s9+s3], $0x80, $0x38;
	[tilespmem:$0x1C200] =	vst v63  }
0x6f: {  	p1 =	sne.s32 s2, $0x1300;
	s2 =	sadd.s32 s8, s0;
	s0 =	sor.u32 $0x10, s0  }
0x70: {  	[tilespmem:s16], [sflag:$0x1] =	stream.linear.gather [hbm4b:s2+s3], $0x80, $0x38;
	[tilespmem:$0x1C200] =	vst v63  }
0x71: {  	s2 =	sadd.s32 s7, s0  }
0x72: {  	[tilespmem:s17], [sflag:$0x2] =	stream.linear.gather [hbm4b:s2+s3], $0x80, $0x38;
	[tilespmem:$0x1C200] =	vst v63  }
0x73: {  	s0 =	sadd.s32 s8, s0  }
0x74: {  	[tilespmem:s18], [sflag:$0x2] =	stream.linear.gather [hbm4b:s0+s3], $0x80, $0x38;
	[tilespmem:$0x1C200] =	vst v63  }
0x75: {  	_ =	swait.ge [sflag:s19], $0x80  }
0x76: {  	[sflag:s19] =	ssyncset.done $0x0  }
0x77: {  	[sflag:s19] =	ssyncadd.s32 $0xFFFFFF80  }
0x78: {  	_ =	swait.ge [sflag:s19], $0x80  }
0x79: {  	[sflag:s19] =	ssyncset.done $0x0  }
0x7a: {  	[sflag:s19] =	ssyncadd.s32 $0xFFFFFF80  }
0x7b: {  	_ =	swait.ge [sflag:s20], $0x80  }
0x7c: {  	[sflag:s20] =	ssyncset.done $0x0  }
0x7d: {  	[sflag:s20] =	ssyncadd.s32 $0xFFFFFF80  }
0x7e: {  	_ =	swait.ge [sflag:s20], $0x80  }
0x7f: {  	[sflag:s20] =	ssyncset.done $0x0  }
0x80: {  	[sflag:s20] =	ssyncadd.s32 $0xFFFFFF80  }
0x81: {  	[tilespmem:s21], [sflag:$0x3] =	stream.indirect.gather [hbm4b:s4+s17], $0x80, s3, s17, $0xb8;
	[tilespmem:$0x1C200] =	vst v63  }
0x82: {  	_ = 	snop  }
0x83: {  	[tilespmem:s22], [sflag:$0x4] =	stream.indirect.gather [hbm4b:s4+s17], $0x80, s17, s17, $0xb8;
	[tilespmem:$0x1C200] =	vst v63  }
0x84: {  	_ =	swait.ge [sflag:s23], $0x4000  }
0x85: {  	[sflag:s23] =	ssyncset.done $0x0  }
0x86: {  	[sflag:s23] =	ssyncadd.s32 $0xFFFFC000  }
0x87: {  	[spmem:s1] =	stream.indirect.scatter.add.f32 [tilespmem:s21], [sflag:$0x5], $0x80, s16, s17, $0xb8;
	[tilespmem:$0x1C200] =	vst v63  }
0x88: {  	_ =	swait.ge [sflag:s25], $0x4000  }
0x89: {  	[sflag:s25] =	ssyncset.done $0x0  }
0x8a: {  	[sflag:s25] =	ssyncadd.s32 $0xFFFFC000  }
0x8b: {  	[spmem:s1] =	stream.indirect.scatter.add.f32 [tilespmem:s22], [sflag:$0x6], $0x80, s18, s17, $0xb8;
	[tilespmem:$0x1C200] =	vst v63  }
.Ltmp3:
0x8c: {  	_ =	swait.ge [sflag:s26], $0x4000;
	(pc) =	sbr.rel @p1 .LBB2_6-.Ltmp3, $4  }
0x8d: {  	s0 =	sand.u32 $0x1C00, s31;
	[sflag:s26] =	ssyncset.done $0x0  }
0x8e: {  	s2 =	sand.u32 $0x300, s31;
	s0 =	sadd.s32 s12, s0;
	[sflag:s26] =	ssyncadd.s32 $0xFFFFC000  }
0x8f: {  	s0 =	sor.u32 s2, s0;
	_ =	swait.ge [sflag:s28], $0x4000  }
0x90: {  	s2 =	smov.u32 s30;
	s0 =	sshrl.u32 s0, $0x3;
	[sflag:s28] =	ssyncset.done $0x0  }
.Ltmp4:
0x91: {  	_ = 	snop;
	(pc) =	sbr.rel .LBB2_7-.Ltmp4, $1  }
0x92: {  	_ =	sdelay $0x3  }
.LBB2_2:
0x93: {  	s0 =	sand.u32 $0x3C00, s3  }
0x94: {  	s2 =	sand.u32 $0x300, s3;
	s0 =	sadd.s32 s11, s0  }
0x95: {  	s0 =	sor.u32 s2, s0  }
0x96: {  	s0 =	sshrl.u32 s0, $0x3  }
0x97: {  	s31 =	sadd.s32 s5, s0  }
0x98: {  	[tilespmem:s3], [sflag:$0x1] =	stream.linear.gather [hbm4b:s31+s3], $0x80, $0x38;
	[tilespmem:$0x1C200] =	vst v63  }
0x99: {  	s9 =	sadd.s32 s6, s0;
	s0 =	sor.u32 $0x10, s0  }
0x9a: {  	[tilespmem:s16], [sflag:$0x1] =	stream.linear.gather [hbm4b:s9+s3], $0x80, $0x38;
	[tilespmem:$0x1C200] =	vst v63  }
0x9b: {  	s31 =	sadd.s32 s5, s0  }
0x9c: {  	[tilespmem:s17], [sflag:$0x2] =	stream.linear.gather [hbm4b:s31+s3], $0x80, $0x38;
	[tilespmem:$0x1C200] =	vst v63  }
0x9d: {  	s0 =	sadd.s32 s6, s0  }
0x9e: {  	[tilespmem:s18], [sflag:$0x2] =	stream.linear.gather [hbm4b:s0+s3], $0x80, $0x38;
	[tilespmem:$0x1C200] =	vst v63  }
0x9f: {  	_ =	swait.ge [sflag:s19], $0x80  }
0xa0: {  	[sflag:s19] =	ssyncset.done $0x0  }
0xa1: {  	[sflag:s19] =	ssyncadd.s32 $0xFFFFFF80  }
0xa2: {  	_ =	swait.ge [sflag:s19], $0x80  }
0xa3: {  	[sflag:s19] =	ssyncset.done $0x0  }
0xa4: {  	[sflag:s19] =	ssyncadd.s32 $0xFFFFFF80  }
0xa5: {  	_ =	swait.ge [sflag:s20], $0x80  }
0xa6: {  	[sflag:s20] =	ssyncset.done $0x0  }
0xa7: {  	[sflag:s20] =	ssyncadd.s32 $0xFFFFFF80  }
0xa8: {  	_ =	swait.ge [sflag:s20], $0x80  }
0xa9: {  	[sflag:s20] =	ssyncset.done $0x0  }
0xaa: {  	[sflag:s20] =	ssyncadd.s32 $0xFFFFFF80  }
0xab: {  	[tilespmem:s21], [sflag:$0x3] =	stream.indirect.gather [hbm4b:s4+s17], $0x80, s3, s17, $0xb8;
	[tilespmem:$0x1C200] =	vst v63  }
0xac: {  	_ = 	snop  }
0xad: {  	[tilespmem:s22], [sflag:$0x4] =	stream.indirect.gather [hbm4b:s4+s17], $0x80, s17, s17, $0xb8;
	[tilespmem:$0x1C200] =	vst v63  }
0xae: {  	_ =	swait.ge [sflag:s23], $0x4000  }
0xaf: {  	[sflag:s23] =	ssyncset.done $0x0  }
0xb0: {  	[sflag:s23] =	ssyncadd.s32 $0xFFFFC000  }
0xb1: {  	[spmem:s1] =	stream.indirect.scatter.add.f32 [tilespmem:s21], [sflag:$0x5], $0x80, s16, s17, $0xb8;
	[tilespmem:$0x1C200] =	vst v63  }
0xb2: {  	_ =	swait.ge [sflag:s25], $0x4000  }
0xb3: {  	[sflag:s25] =	ssyncset.done $0x0  }
0xb4: {  	[sflag:s25] =	ssyncadd.s32 $0xFFFFC000  }
0xb5: {  	[spmem:s1] =	stream.indirect.scatter.add.f32 [tilespmem:s22], [sflag:$0x6], $0x80, s18, s17, $0xb8;
	[tilespmem:$0x1C200] =	vst v63  }
0xb6: {  	s9 =	simm.s32 $0x100;
	_ =	swait.ge [sflag:s26], $0x4000  }
0xb7: {  	s31 =	sand.u32 $0x3C00, s9;
	[sflag:s26] =	ssyncset.done $0x0  }
0xb8: {  	s2 =	sadd.s32 s11, s31;
	s0 =	sand.u32 $0x300, s9;
	[sflag:s26] =	ssyncadd.s32 $0xFFFFC000  }
0xb9: {  	s0 =	sor.u32 s0, s2;
	_ =	swait.ge [sflag:s28], $0x4000  }
0xba: {  	s30 =	simm.s32 $0x200;
	s0 =	sshrl.u32 s0, $0x3;
	[sflag:s28] =	ssyncset.done $0x0  }
.LBB2_3:
0xbb: {  	s9 =	sadd.s32 s5, s0  }
0xbc: {  	[sflag:s28] =	ssyncadd.s32 $0xFFFFC000;
	s31 =	smov.u32 s30;
	s2 =	sadd.s32 $0x100, s30  }
0xbd: {  	[tilespmem:s3], [sflag:$0x1] =	stream.linear.gather [hbm4b:s9+s3], $0x80, $0x38;
	[tilespmem:$0x1C200] =	vst v63  }
0xbe: {  	p1 =	seq.s32 s30, $0x3B00;
	s9 =	sadd.s32 s6, s0;
	s0 =	sor.u32 $0x10, s0  }
0xbf: {  	[tilespmem:s16], [sflag:$0x1] =	stream.linear.gather [hbm4b:s9+s3], $0x80, $0x38;
	[tilespmem:$0x1C200] =	vst v63  }
0xc0: {  	s9 =	sadd.s32 s5, s0  }
0xc1: {  	[tilespmem:s17], [sflag:$0x2] =	stream.linear.gather [hbm4b:s9+s3], $0x80, $0x38;
	[tilespmem:$0x1C200] =	vst v63  }
0xc2: {  	s0 =	sadd.s32 s6, s0  }
0xc3: {  	[tilespmem:s18], [sflag:$0x2] =	stream.linear.gather [hbm4b:s0+s3], $0x80, $0x38;
	[tilespmem:$0x1C200] =	vst v63  }
0xc4: {  	_ =	swait.ge [sflag:s19], $0x80  }
0xc5: {  	[sflag:s19] =	ssyncset.done $0x0  }
0xc6: {  	[sflag:s19] =	ssyncadd.s32 $0xFFFFFF80  }
0xc7: {  	_ =	swait.ge [sflag:s19], $0x80  }
0xc8: {  	[sflag:s19] =	ssyncset.done $0x0  }
0xc9: {  	[sflag:s19] =	ssyncadd.s32 $0xFFFFFF80  }
0xca: {  	_ =	swait.ge [sflag:s20], $0x80  }
0xcb: {  	[sflag:s20] =	ssyncset.done $0x0  }
0xcc: {  	[sflag:s20] =	ssyncadd.s32 $0xFFFFFF80  }
0xcd: {  	_ =	swait.ge [sflag:s20], $0x80  }
0xce: {  	[sflag:s20] =	ssyncset.done $0x0  }
0xcf: {  	[sflag:s20] =	ssyncadd.s32 $0xFFFFFF80  }
0xd0: {  	[tilespmem:s21], [sflag:$0x3] =	stream.indirect.gather [hbm4b:s4+s17], $0x80, s3, s17, $0xb8;
	[tilespmem:$0x1C200] =	vst v63  }
0xd1: {  	_ = 	snop  }
0xd2: {  	[tilespmem:s22], [sflag:$0x4] =	stream.indirect.gather [hbm4b:s4+s17], $0x80, s17, s17, $0xb8;
	[tilespmem:$0x1C200] =	vst v63  }
0xd3: {  	_ =	swait.ge [sflag:s23], $0x4000  }
0xd4: {  	[sflag:s23] =	ssyncset.done $0x0  }
0xd5: {  	[sflag:s23] =	ssyncadd.s32 $0xFFFFC000  }
0xd6: {  	[spmem:s1] =	stream.indirect.scatter.add.f32 [tilespmem:s21], [sflag:$0x5], $0x80, s16, s17, $0xb8;
	[tilespmem:$0x1C200] =	vst v63  }
0xd7: {  	_ =	swait.ge [sflag:s25], $0x4000  }
0xd8: {  	[sflag:s25] =	ssyncset.done $0x0  }
0xd9: {  	[sflag:s25] =	ssyncadd.s32 $0xFFFFC000  }
0xda: {  	[spmem:s1] =	stream.indirect.scatter.add.f32 [tilespmem:s22], [sflag:$0x6], $0x80, s18, s17, $0xb8;
	[tilespmem:$0x1C200] =	vst v63  }
.Ltmp5:
0xdb: {  	_ =	swait.ge [sflag:s26], $0x4000;
	(pc) =	sbr.rel @!p1 .LBB2_3-.Ltmp5, $4  }
0xdc: {  	s0 =	sand.u32 $0x3C00, s31;
	[sflag:s26] =	ssyncset.done $0x0  }
0xdd: {  	s9 =	sand.u32 $0x300, s31;
	s0 =	sadd.s32 s11, s0;
	[sflag:s26] =	ssyncadd.s32 $0xFFFFC000  }
0xde: {  	s0 =	sor.u32 s9, s0;
	_ =	swait.ge [sflag:s28], $0x4000  }
0xdf: {  	s30 =	smov.u32 s2;
	s0 =	sshrl.u32 s0, $0x3;
	[sflag:s28] =	ssyncset.done $0x0  }
0xe0: {  	s2 =	sadd.s32 s5, s0;
	[sflag:s28] =	ssyncadd.s32 $0xFFFFC000  }
0xe1: {  	[tilespmem:s3], [sflag:$0x1] =	stream.linear.gather [hbm4b:s2+s3], $0x80, $0x38;
	[tilespmem:$0x1C200] =	vst v63  }
0xe2: {  	s9 =	sadd.s32 s6, s0;
	s30 =	sor.u32 $0x10, s0  }
0xe3: {  	[tilespmem:s16], [sflag:$0x1] =	stream.linear.gather [hbm4b:s9+s3], $0x80, $0x38;
	[tilespmem:$0x1C200] =	vst v63  }
0xe4: {  	s31 =	sadd.s32 s5, s30  }
0xe5: {  	[tilespmem:s17], [sflag:$0x2] =	stream.linear.gather [hbm4b:s31+s3], $0x80, $0x38;
	[tilespmem:$0x1C200] =	vst v63  }
0xe6: {  	s0 =	sadd.s32 s6, s30  }
0xe7: {  	[tilespmem:s18], [sflag:$0x2] =	stream.linear.gather [hbm4b:s0+s3], $0x80, $0x38;
	[tilespmem:$0x1C200] =	vst v63  }
0xe8: {  	_ =	swait.ge [sflag:s19], $0x80  }
0xe9: {  	[sflag:s19] =	ssyncset.done $0x0  }
0xea: {  	[sflag:s19] =	ssyncadd.s32 $0xFFFFFF80  }
0xeb: {  	_ =	swait.ge [sflag:s19], $0x80  }
0xec: {  	[sflag:s19] =	ssyncset.done $0x0  }
0xed: {  	[sflag:s19] =	ssyncadd.s32 $0xFFFFFF80  }
0xee: {  	_ =	swait.ge [sflag:s20], $0x80  }
0xef: {  	[sflag:s20] =	ssyncset.done $0x0  }
0xf0: {  	[sflag:s20] =	ssyncadd.s32 $0xFFFFFF80  }
0xf1: {  	_ =	swait.ge [sflag:s20], $0x80  }
0xf2: {  	[sflag:s20] =	ssyncset.done $0x0  }
0xf3: {  	[sflag:s20] =	ssyncadd.s32 $0xFFFFFF80  }
0xf4: {  	[tilespmem:s21], [sflag:$0x3] =	stream.indirect.gather [hbm4b:s4+s17], $0x80, s3, s17, $0xb8;
	[tilespmem:$0x1C200] =	vst v63  }
0xf5: {  	_ = 	snop  }
0xf6: {  	[tilespmem:s22], [sflag:$0x4] =	stream.indirect.gather [hbm4b:s4+s17], $0x80, s17, s17, $0xb8;
	[tilespmem:$0x1C200] =	vst v63  }
0xf7: {  	_ =	swait.ge [sflag:s23], $0x4000  }
0xf8: {  	[sflag:s23] =	ssyncset.done $0x0  }
0xf9: {  	[sflag:s23] =	ssyncadd.s32 $0xFFFFC000  }
0xfa: {  	[spmem:s1] =	stream.indirect.scatter.add.f32 [tilespmem:s21], [sflag:$0x5], $0x80, s16, s17, $0xb8;
	[tilespmem:$0x1C200] =	vst v63  }
0xfb: {  	_ =	swait.ge [sflag:s25], $0x4000  }
0xfc: {  	[sflag:s25] =	ssyncset.done $0x0  }
0xfd: {  	[sflag:s25] =	ssyncadd.s32 $0xFFFFC000  }
0xfe: {  	[spmem:s1] =	stream.indirect.scatter.add.f32 [tilespmem:s22], [sflag:$0x6], $0x80, s18, s17, $0xb8;
	[tilespmem:$0x1C200] =	vst v63  }
0xff: {  	_ =	swait.ge [sflag:s26], $0x4000  }
.Ltmp6:
0x100: {  	[sflag:s26] =	ssyncset.done $0x0;
	(pc) =	sbr.rel .LBB2_8-.Ltmp6, $4  }
0x101: {  	[sflag:s26] =	ssyncadd.s32 $0xFFFFC000  }
0x102: {  	_ =	swait.ge [sflag:s28], $0x4000  }
0x103: {  	[sflag:s28] =	ssyncset.done $0x0  }
0x104: {  	[sflag:s28] =	ssyncadd.s32 $0xFFFFC000  }
.LBB2_9:
0x105: {  	_ =	sfence.sel $0x180000  }
0x106: {  	[bflag:$0x0] =	sbarrier.arrive $0xFFFF  }
0x107: {  	_ =	strace $0x90000050  }
0x108: {  	s0 =	stileid.u32;
	[bflag:$0x2] =	sbarrier.arrive $0xFFFF  }
0x109: {  	p0 =	sne.s32 s0, $0x0;
	s0 =	rddreg [dreg:$0x2]  }
0x10a: {  	s0 =	sadd.s32 @!p0 $0x100000, s0  }
0x10b: {  	[sflag:s0] =	ssyncadd.tile.s32 @!p0 $0x1;
	_ =	shalt  }
.Lfunc_end2:
_tile_overlayer_lowered:
.L_overlay_start_2:
0x10c: {  	(tag) =	ssettag $0x2  }
0x10d: {  	s0 =	rddreg [dreg:$0x0];
	s2 =	stileid.u32  }
0x10e: {  	s1 =	rddreg [dreg:$0x1];
	p0 =	sne.s32 s2, $0x0  }
0x10f: {  	s3 =	rddreg [dreg:$0x2];
	[bflag:$0x3] =	sbarrier.arrive $0xFFFF;
	s2 =	simm.s32 @!p0 $0x1C07  }
0x110: {  	[timem:s3], [sflag:s2] =	dma.local @!p0 [hbm:s0], s1  }
0x111: {  	s0 =	simm.s32 @!p0 $0x7  }
0x112: {  	_ =	swait.ge @!p0 [sflag:s0], s1  }
0x113: {  	s1 =	ssub.s32 @!p0 $0x0, s1;
	[sflag:s0] =	ssyncset.done @!p0 $0x0  }
0x114: {  	[sflag:s0] =	ssyncadd.s32 @!p0 s1  }
0x115: {  	[bflag:$0x3] =	sbarrier.arrive $0xFFFF  }
0x116: {  	_ =	shalt  }

</sc_bundles>
